<compile_context>
chip_gen: v7x
topology: tpu7x:2x2x1
jax: 0.10.2.dev20260603
libtpu: 0.0.44.dev20260713+nightly
codegen_flags: <defaults>
</compile_context>

<pallas_src>
import functools
import jax
import jax.numpy as jnp
from jax import lax
from jax.experimental import pallas as pl
from jax.experimental.pallas import tpu as pltpu
from jax.experimental.pallas import tpu_sc as plsc

_PERIOD = 4
_START = 2
_NC = 2
_NS = 16
_NW = _NC * _NS
_RCH = 8
_CCH = 4096
_CO = _CCH // _PERIOD
_NB = 2
_AHEAD = 1


def kernel(x):
    b, n, t = x.shape
    rows = b * n
    k = t // _PERIOD
    rows_per_w = rows // _NW
    col_chunks = t // _CCH
    n_iter = (rows_per_w // _RCH) * col_chunks
    n_main = (n_iter // _NB) * _NB

    x2 = x.reshape(rows, t)
    mesh = plsc.VectorSubcoreMesh(core_axis_name="c", subcore_axis_name="s")

    @functools.partial(
        pl.kernel,
        mesh=mesh,
        out_type=jax.ShapeDtypeStruct((rows, k), jnp.float32),
        compiler_params=pltpu.CompilerParams(needs_layout_passes=False),
        scratch_types=(
            [pltpu.VMEM((_RCH, _CCH), jnp.float32)] * _NB
            + [pltpu.VMEM((_RCH, _CO), jnp.float32)] * _NB
            + [pltpu.SemaphoreType.DMA] * (2 * _NB)
        ),
    )
    def run(x_hbm, y_hbm, *refs):
        in_bufs = refs[:_NB]
        out_bufs = refs[_NB : 2 * _NB]
        in_sems = refs[2 * _NB : 3 * _NB]
        out_sems = refs[3 * _NB : 4 * _NB]

        cid = lax.axis_index("c")
        sid = lax.axis_index("s")
        wid = sid * _NC + cid
        row0 = wid * rows_per_w

        idx0 = lax.iota(jnp.int32, 16) * _PERIOD + _START

        def chunk_origin(g):
            r = pl.multiple_of(row0 + (g // col_chunks) * _RCH, _RCH)
            c = pl.multiple_of((g % col_chunks) * _CCH, _CCH)
            return r, c

        def start_in(bi, g):
            r, c = chunk_origin(g)
            pltpu.make_async_copy(
                x_hbm.at[pl.ds(r, _RCH), pl.ds(c, _CCH)],
                in_bufs[bi],
                in_sems[bi],
            ).start()

        def wait_in(bi):
            pltpu.make_async_copy(
                x_hbm.at[pl.ds(0, _RCH), pl.ds(0, _CCH)],
                in_bufs[bi],
                in_sems[bi],
            ).wait()

        def start_out(bi, g):
            r, c = chunk_origin(g)
            pltpu.make_async_copy(
                out_bufs[bi],
                y_hbm.at[
                    pl.ds(r, _RCH),
                    pl.ds(pl.multiple_of(c // _PERIOD, _CO), _CO),
                ],
                out_sems[bi],
            ).start()

        def wait_out(bi):
            pltpu.make_async_copy(
                out_bufs[bi],
                y_hbm.at[pl.ds(0, _RCH), pl.ds(0, _CO)],
                out_sems[bi],
            ).wait()

        for p in range(_AHEAD):
            start_in(p, p)

        def step(i, carry, base=0):
            for bi in range(_NB):
                g = base + _NB * i + bi

                @pl.when(g + _AHEAD < n_iter)
                def _():
                    start_in((bi + _AHEAD) % _NB, g + _AHEAD)

                wait_in(bi)

                @pl.when(g >= _NB)
                def _():
                    wait_out(bi)

                for r in range(_RCH):
                    ridx = jnp.full((16,), r, jnp.int32)

                    def cbody(j, c, ridx=ridx, bi=bi, r=r):
                        idx = idx0 + j * (16 * _PERIOD)
                        v = plsc.load_gather(in_bufs[bi], [ridx, idx])
                        out_bufs[bi][r, pl.ds(j * 16, 16)] = v
                        return c

                    lax.fori_loop(0, _CO // 16, cbody, 0, unroll=8)
                start_out(bi, g)
            return carry

        lax.fori_loop(0, n_iter // _NB, step, 0)
        for g in range(n_main, n_iter):
            bi = g % _NB
            wait_in(bi)
            wait_out(bi)
            for r in range(_RCH):
                ridx = jnp.full((16,), r, jnp.int32)

                def cbody(j, c, ridx=ridx, bi=bi, r=r):
                    idx = idx0 + j * (16 * _PERIOD)
                    v = plsc.load_gather(in_bufs[bi], [ridx, idx])
                    out_bufs[bi][r, pl.ds(j * 16, 16)] = v
                    return c

                lax.fori_loop(0, _CO // 16, cbody, 0, unroll=8)
            start_out(bi, g)
        for bi in range(_NB):
            wait_out(bi)

    return run(x2).reshape(b, n, k)

# --- scband reference (transcript-rebuilt; emitter-appended) ---
"""Pipeline reference for scband-decimation-39118562132598 (READ-ONLY COPY).

The authoritative reference and input builder live on the scoring server;
editing this copy changes nothing except your own understanding.
"""

import jax, jax.numpy as jnp
import numpy as np

PERIOD = 4
START = 2
DIM = -1

def setup_inputs(seed: int = 0) -> dict:
    key = jax.random.key(seed)
    x = jax.random.normal(key, (4, 2048, 8192), dtype=jnp.float32)
    return {"x": x}

def reference(x):
    T = x.shape[DIM]
    indices = jnp.arange(START, T, PERIOD, dtype=jnp.int32)
    y = jnp.take(x, indices, axis=DIM)
    return y

if __name__ == "__main__":
    import jax
    _d = setup_inputs()
    print(jax.jit(kernel)(*tuple(_d.values())))

</pallas_src>

<mosaic_0001>
#map = affine_map<(d0, d1) -> (0, 0)>
module attributes {stable_mosaic.version = 14 : i64} {
  func.func @run(%arg0: i32, %arg1: i32, %arg2: memref<8192x8192xf32, #tpu.memory_space<hbm>>, %arg3: memref<8192x2048xf32, #tpu.memory_space<hbm>>, %arg4: memref<8x4096xf32, #tpu.memory_space<vmem>>, %arg5: memref<8x4096xf32, #tpu.memory_space<vmem>>, %arg6: memref<8x1024xf32, #tpu.memory_space<vmem>>, %arg7: memref<8x1024xf32, #tpu.memory_space<vmem>>, %arg8: memref<!tpu.dma_semaphore, #tpu.memory_space<semaphore_mem>>, %arg9: memref<!tpu.dma_semaphore, #tpu.memory_space<semaphore_mem>>, %arg10: memref<!tpu.dma_semaphore, #tpu.memory_space<semaphore_mem>>, %arg11: memref<!tpu.dma_semaphore, #tpu.memory_space<semaphore_mem>>) attributes {dimension_semantics = [#tpu.dimension_semantics<core_parallel>, #tpu.dimension_semantics<subcore_parallel>], iteration_bounds = array<i64: 2, 16>, scalar_prefetch = 0 : i64, scratch_operands = 8 : i64, tpu.core_type = #tpu.core_type<sc_vector_subcore>, window_params = [{transform_indices = #map}, {transform_indices = #map}]} {
    %mul3A = arith.constant 2 : i32
    %mul3A_0 = arith.muli %arg1, %mul3A : i32
    %add3A = arith.addi %mul3A_0, %arg0 : i32
    %mul3A_1 = arith.constant 256 : i32
    %mul3A_2 = arith.muli %add3A, %mul3A_1 : i32
    %iota3A = tpu.iota {dimensions = array<i32: 0>} : vector<16xi32>
    %mul3A_3 = arith.constant 4 : i32
    %mul3A_4 = vector.broadcast %mul3A_3 : i32 to vector<16xi32>
    %mul3A_5 = arith.muli %iota3A, %mul3A_4 : vector<16xi32>
    %add3A_6 = arith.constant 2 : i32
    %add3A_7 = vector.broadcast %add3A_6 : i32 to vector<16xi32>
    %add3A_8 = arith.addi %mul3A_5, %add3A_7 : vector<16xi32>
    %add3A_9 = arith.constant 0 : i32
    %add3A_10 = arith.addi %mul3A_2, %add3A_9 : i32
    %multiple_of3A = tpu.assume_multiple %add3A_10, 8 : i32
    %multiple_of3A_11 = arith.constant 0 : i32
    %multiple_of3A_12 = tpu.assume_multiple %multiple_of3A_11, 4096 : i32
    %dma_start3A = tpu.memref_slice %arg2[%multiple_of3A, %multiple_of3A_12] : memref<8192x8192xf32, #tpu.memory_space<hbm>> -> memref<8x4096xf32, #tpu.memory_space<hbm>>
    %dma_start3A_13 = tpu.memref_slice %arg2[%multiple_of3A, %multiple_of3A_12] : memref<8192x8192xf32, #tpu.memory_space<hbm>> -> memref<8x4096xf32, #tpu.memory_space<hbm>>
    tpu.enqueue_dma source(%dma_start3A_13 : memref<8x4096xf32, #tpu.memory_space<hbm>>) target(%arg4 : memref<8x4096xf32, #tpu.memory_space<vmem>>) target_semaphore(%arg8 : memref<!tpu.dma_semaphore, #tpu.memory_space<semaphore_mem>>)
    %scan3A = arith.constant 0 : i32
    %scan3A_14 = arith.constant 0 : i32
    %scan3A_15 = arith.constant 32 : i32
    %scan3A_16 = arith.addi %scan3A_14, %scan3A_15 : i32
    %scan3A_17 = arith.constant 1 : i32
    scf.for %scan3A_30 = %scan3A_14 to %scan3A_16 step %scan3A_17  : i32 {
      %mul3A_31 = arith.constant 2 : i32
      %mul3A_32 = arith.muli %mul3A_31, %scan3A_30 : i32
      %add3A_33 = arith.constant 0 : i32
      %add3A_34 = arith.addi %add3A_33, %mul3A_32 : i32
      %add3A_35 = arith.constant 0 : i32
      %add3A_36 = arith.addi %add3A_34, %add3A_35 : i32
      %add3A_37 = arith.constant 1 : i32
      %add3A_38 = arith.addi %add3A_36, %add3A_37 : i32
      %lt3A = arith.constant 64 : i32
      %lt3A_39 = arith.cmpi slt, %add3A_38, %lt3A : i32
      %convert_element_type3A = arith.extui %lt3A_39 : i1 to i32
      %cond3A = arith.constant 0 : i32
      %cond3A_40 = arith.cmpi ne, %convert_element_type3A, %cond3A : i32
      scf.if %cond3A_40 {
        %add3A_341 = arith.constant 1 : i32
        %add3A_342 = arith.addi %add3A_36, %add3A_341 : i32
        %jit3A_343 = arith.constant 2 : i32
        %div3A_344 = arith.divsi %add3A_342, %jit3A_343 : i32
        %sign3A_345 = arith.constant 0 : i32
        %sign3A_346 = arith.cmpi sgt, %add3A_342, %sign3A_345 : i32
        %sign3A_347 = arith.extui %sign3A_346 : i1 to i32
        %sign3A_348 = arith.constant 0 : i32
        %sign3A_349 = arith.cmpi slt, %add3A_342, %sign3A_348 : i32
        %sign3A_350 = arith.extui %sign3A_349 : i1 to i32
        %sign3A_351 = arith.subi %sign3A_347, %sign3A_350 : i32
        %sign3A_352 = arith.constant 0 : i32
        %sign3A_353 = arith.cmpi sgt, %jit3A_343, %sign3A_352 : i32
        %sign3A_354 = arith.extui %sign3A_353 : i1 to i32
        %sign3A_355 = arith.constant 0 : i32
        %sign3A_356 = arith.cmpi slt, %jit3A_343, %sign3A_355 : i32
        %sign3A_357 = arith.extui %sign3A_356 : i1 to i32
        %sign3A_358 = arith.subi %sign3A_354, %sign3A_357 : i32
        %ne3A_359 = arith.cmpi ne, %sign3A_351, %sign3A_358 : i32
        %rem3A_360 = arith.remsi %add3A_342, %jit3A_343 : i32
        %ne3A_361 = arith.constant 0 : i32
        %ne3A_362 = arith.cmpi ne, %rem3A_360, %ne3A_361 : i32
        %and3A_363 = arith.andi %ne3A_359, %ne3A_362 : i1
        %sub3A_364 = arith.constant 1 : i32
        %sub3A_365 = arith.subi %div3A_344, %sub3A_364 : i32
        %select_n3A_366 = arith.select %and3A_363, %sub3A_365, %div3A_344 : i32
        %mul3A_367 = arith.constant 8 : i32
        %mul3A_368 = arith.muli %select_n3A_366, %mul3A_367 : i32
        %add3A_369 = arith.addi %mul3A_2, %mul3A_368 : i32
        %multiple_of3A_370 = tpu.assume_multiple %add3A_369, 8 : i32
        %jit3A_371 = arith.constant 2 : i32
        %eq3A_372 = arith.constant 0 : i32
        %eq3A_373 = arith.cmpi eq, %jit3A_371, %eq3A_372 : i32
        %jit3A_374 = arith.constant 1 : i32
        %select_n3A_375 = arith.select %eq3A_373, %jit3A_374, %jit3A_371 : i32
        %rem3A_376 = arith.remsi %add3A_342, %select_n3A_375 : i32
        %ne3A_377 = arith.constant 0 : i32
        %ne3A_378 = arith.cmpi ne, %rem3A_376, %ne3A_377 : i32
        %lt3A_379 = arith.constant 0 : i32
        %lt3A_380 = arith.cmpi slt, %rem3A_376, %lt3A_379 : i32
        %lt3A_381 = arith.constant 0 : i32
        %lt3A_382 = arith.cmpi slt, %select_n3A_375, %lt3A_381 : i32
        %ne3A_383 = arith.xori %lt3A_380, %lt3A_382 : i1
        %and3A_384 = arith.andi %ne3A_383, %ne3A_378 : i1
        %add3A_385 = arith.addi %rem3A_376, %select_n3A_375 : i32
        %select_n3A_386 = arith.select %and3A_384, %add3A_385, %rem3A_376 : i32
        %mul3A_387 = arith.constant 4096 : i32
        %mul3A_388 = arith.muli %select_n3A_386, %mul3A_387 : i32
        %multiple_of3A_389 = tpu.assume_multiple %mul3A_388, 4096 : i32
        %dma_start3A_390 = tpu.memref_slice %arg2[%multiple_of3A_370, %multiple_of3A_389] : memref<8192x8192xf32, #tpu.memory_space<hbm>> -> memref<8x4096xf32, #tpu.memory_space<hbm>>
        %dma_start3A_391 = tpu.memref_slice %arg2[%multiple_of3A_370, %multiple_of3A_389] : memref<8192x8192xf32, #tpu.memory_space<hbm>> -> memref<8x4096xf32, #tpu.memory_space<hbm>>
        tpu.enqueue_dma source(%dma_start3A_391 : memref<8x4096xf32, #tpu.memory_space<hbm>>) target(%arg5 : memref<8x4096xf32, #tpu.memory_space<vmem>>) target_semaphore(%arg9 : memref<!tpu.dma_semaphore, #tpu.memory_space<semaphore_mem>>)
      } else {
      }
      %dma_wait3A_41 = arith.constant 0 : i32
      %dma_wait3A_42 = arith.constant 0 : i32
      %dma_wait3A_43 = tpu.memref_slice %arg2[%dma_wait3A_41, %dma_wait3A_42] : memref<8192x8192xf32, #tpu.memory_space<hbm>> -> memref<8x4096xf32, #tpu.memory_space<hbm>>
      %dma_wait3A_44 = arith.constant 0 : i32
      %dma_wait3A_45 = arith.constant 0 : i32
      %dma_wait3A_46 = tpu.memref_slice %arg2[%dma_wait3A_44, %dma_wait3A_45] : memref<8192x8192xf32, #tpu.memory_space<hbm>> -> memref<8x4096xf32, #tpu.memory_space<hbm>>
      tpu.wait_dma2 semaphore(%arg8 : memref<!tpu.dma_semaphore, #tpu.memory_space<semaphore_mem>>) src(%dma_wait3A_46 : memref<8x4096xf32, #tpu.memory_space<hbm>>) dst(%arg4 : memref<8x4096xf32, #tpu.memory_space<vmem>>)
      %ge3A = arith.constant 2 : i32
      %ge3A_47 = arith.cmpi sge, %add3A_36, %ge3A : i32
      %convert_element_type3A_48 = arith.extui %ge3A_47 : i1 to i32
      %cond3A_49 = arith.constant 0 : i32
      %cond3A_50 = arith.cmpi ne, %convert_element_type3A_48, %cond3A_49 : i32
      scf.if %cond3A_50 {
        %dma_wait3A_341 = arith.constant 0 : i32
        %dma_wait3A_342 = arith.constant 0 : i32
        %dma_wait3A_343 = tpu.memref_slice %arg3[%dma_wait3A_341, %dma_wait3A_342] : memref<8192x2048xf32, #tpu.memory_space<hbm>> -> memref<8x1024xf32, #tpu.memory_space<hbm>>
        %dma_wait3A_344 = arith.constant 0 : i32
        %dma_wait3A_345 = arith.constant 0 : i32
        %dma_wait3A_346 = tpu.memref_slice %arg3[%dma_wait3A_344, %dma_wait3A_345] : memref<8192x2048xf32, #tpu.memory_space<hbm>> -> memref<8x1024xf32, #tpu.memory_space<hbm>>
        tpu.wait_dma2 semaphore(%arg10 : memref<!tpu.dma_semaphore, #tpu.memory_space<semaphore_mem>>) src(%arg6 : memref<8x1024xf32, #tpu.memory_space<vmem>>) dst(%dma_wait3A_346 : memref<8x1024xf32, #tpu.memory_space<hbm>>)
      } else {
      }
      %broadcast_in_dim3A = arith.constant 0 : i32
      %broadcast_in_dim3A_51 = vector.broadcast %broadcast_in_dim3A : i32 to vector<16xi32>
      %scan3A_52 = arith.constant 0 : i32
      %scan3A_53 = arith.constant 0 : i32
      %scan3A_54 = arith.constant 64 : i32
      %scan3A_55 = arith.addi %scan3A_53, %scan3A_54 : i32
      %scan3A_56 = arith.constant 8 : i32
      scf.for %scan3A_341 = %scan3A_53 to %scan3A_55 step %scan3A_56  : i32 {
        %mul3A_342 = arith.constant 64 : i32
        %mul3A_343 = arith.muli %scan3A_341, %mul3A_342 : i32
        %add3A_344 = vector.broadcast %mul3A_343 : i32 to vector<16xi32>
        %add3A_345 = arith.addi %add3A_8, %add3A_344 : vector<16xi32>
        %gather3A = tpu.vector_load_idx %arg4[%broadcast_in_dim3A_51, %add3A_345] : memref<8x4096xf32, #tpu.memory_space<vmem>>[vector<16xi32>, vector<16xi32>], vector<16xf32>,
        %mul3A_346 = arith.constant 16 : i32
        %mul3A_347 = arith.muli %scan3A_341, %mul3A_346 : i32
        %swap3A = arith.constant 0 : i32
        %swap3A_348 = arith.index_cast %swap3A : i32 to index
        %swap3A_349 = arith.index_cast %mul3A_347 : i32 to index
        %swap3A_350 = tpu.vector_load %arg6[%swap3A_348, %swap3A_349] {strides = array<i32>} : memref<8x1024xf32, #tpu.memory_space<vmem>>, vector<16xf32>,
        tpu.vector_store %arg6[%swap3A_348, %swap3A_349], %gather3A {strides = array<i32>} : memref<8x1024xf32, #tpu.memory_space<vmem>>, vector<16xf32>,
        %scan3A_351 = arith.constant 1 : i32
        %scan3A_352 = arith.addi %scan3A_341, %scan3A_351 : i32
        %mul3A_353 = arith.constant 64 : i32
        %mul3A_354 = arith.muli %scan3A_352, %mul3A_353 : i32
        %add3A_355 = vector.broadcast %mul3A_354 : i32 to vector<16xi32>
        %add3A_356 = arith.addi %add3A_8, %add3A_355 : vector<16xi32>
        %gather3A_357 = tpu.vector_load_idx %arg4[%broadcast_in_dim3A_51, %add3A_356] : memref<8x4096xf32, #tpu.memory_space<vmem>>[vector<16xi32>, vector<16xi32>], vector<16xf32>,
        %mul3A_358 = arith.constant 16 : i32
        %mul3A_359 = arith.muli %scan3A_352, %mul3A_358 : i32
        %swap3A_360 = arith.constant 0 : i32
        %swap3A_361 = arith.index_cast %swap3A_360 : i32 to index
        %swap3A_362 = arith.index_cast %mul3A_359 : i32 to index
        %swap3A_363 = tpu.vector_load %arg6[%swap3A_361, %swap3A_362] {strides = array<i32>} : memref<8x1024xf32, #tpu.memory_space<vmem>>, vector<16xf32>,
        tpu.vector_store %arg6[%swap3A_361, %swap3A_362], %gather3A_357 {strides = array<i32>} : memref<8x1024xf32, #tpu.memory_space<vmem>>, vector<16xf32>,
        %scan3A_364 = arith.constant 2 : i32
        %scan3A_365 = arith.addi %scan3A_341, %scan3A_364 : i32
        %mul3A_366 = arith.constant 64 : i32
        %mul3A_367 = arith.muli %scan3A_365, %mul3A_366 : i32
        %add3A_368 = vector.broadcast %mul3A_367 : i32 to vector<16xi32>
        %add3A_369 = arith.addi %add3A_8, %add3A_368 : vector<16xi32>
        %gather3A_370 = tpu.vector_load_idx %arg4[%broadcast_in_dim3A_51, %add3A_369] : memref<8x4096xf32, #tpu.memory_space<vmem>>[vector<16xi32>, vector<16xi32>], vector<16xf32>,
        %mul3A_371 = arith.constant 16 : i32
        %mul3A_372 = arith.muli %scan3A_365, %mul3A_371 : i32
        %swap3A_373 = arith.constant 0 : i32
        %swap3A_374 = arith.index_cast %swap3A_373 : i32 to index
        %swap3A_375 = arith.index_cast %mul3A_372 : i32 to index
        %swap3A_376 = tpu.vector_load %arg6[%swap3A_374, %swap3A_375] {strides = array<i32>} : memref<8x1024xf32, #tpu.memory_space<vmem>>, vector<16xf32>,
        tpu.vector_store %arg6[%swap3A_374, %swap3A_375], %gather3A_370 {strides = array<i32>} : memref<8x1024xf32, #tpu.memory_space<vmem>>, vector<16xf32>,
        %scan3A_377 = arith.constant 3 : i32
        %scan3A_378 = arith.addi %scan3A_341, %scan3A_377 : i32
        %mul3A_379 = arith.constant 64 : i32
        %mul3A_380 = arith.muli %scan3A_378, %mul3A_379 : i32
        %add3A_381 = vector.broadcast %mul3A_380 : i32 to vector<16xi32>
        %add3A_382 = arith.addi %add3A_8, %add3A_381 : vector<16xi32>
        %gather3A_383 = tpu.vector_load_idx %arg4[%broadcast_in_dim3A_51, %add3A_382] : memref<8x4096xf32, #tpu.memory_space<vmem>>[vector<16xi32>, vector<16xi32>], vector<16xf32>,
        %mul3A_384 = arith.constant 16 : i32
        %mul3A_385 = arith.muli %scan3A_378, %mul3A_384 : i32
        %swap3A_386 = arith.constant 0 : i32
        %swap3A_387 = arith.index_cast %swap3A_386 : i32 to index
        %swap3A_388 = arith.index_cast %mul3A_385 : i32 to index
        %swap3A_389 = tpu.vector_load %arg6[%swap3A_387, %swap3A_388] {strides = array<i32>} : memref<8x1024xf32, #tpu.memory_space<vmem>>, vector<16xf32>,
        tpu.vector_store %arg6[%swap3A_387, %swap3A_388], %gather3A_383 {strides = array<i32>} : memref<8x1024xf32, #tpu.memory_space<vmem>>, vector<16xf32>,
        %scan3A_390 = arith.constant 4 : i32
        %scan3A_391 = arith.addi %scan3A_341, %scan3A_390 : i32
        %mul3A_392 = arith.constant 64 : i32
        %mul3A_393 = arith.muli %scan3A_391, %mul3A_392 : i32
        %add3A_394 = vector.broadcast %mul3A_393 : i32 to vector<16xi32>
        %add3A_395 = arith.addi %add3A_8, %add3A_394 : vector<16xi32>
        %gather3A_396 = tpu.vector_load_idx %arg4[%broadcast_in_dim3A_51, %add3A_395] : memref<8x4096xf32, #tpu.memory_space<vmem>>[vector<16xi32>, vector<16xi32>], vector<16xf32>,
        %mul3A_397 = arith.constant 16 : i32
        %mul3A_398 = arith.muli %scan3A_391, %mul3A_397 : i32
        %swap3A_399 = arith.constant 0 : i32
        %swap3A_400 = arith.index_cast %swap3A_399 : i32 to index
        %swap3A_401 = arith.index_cast %mul3A_398 : i32 to index
        %swap3A_402 = tpu.vector_load %arg6[%swap3A_400, %swap3A_401] {strides = array<i32>} : memref<8x1024xf32, #tpu.memory_space<vmem>>, vector<16xf32>,
        tpu.vector_store %arg6[%swap3A_400, %swap3A_401], %gather3A_396 {strides = array<i32>} : memref<8x1024xf32, #tpu.memory_space<vmem>>, vector<16xf32>,
        %scan3A_403 = arith.constant 5 : i32
        %scan3A_404 = arith.addi %scan3A_341, %scan3A_403 : i32
        %mul3A_405 = arith.constant 64 : i32
        %mul3A_406 = arith.muli %scan3A_404, %mul3A_405 : i32
        %add3A_407 = vector.broadcast %mul3A_406 : i32 to vector<16xi32>
        %add3A_408 = arith.addi %add3A_8, %add3A_407 : vector<16xi32>
        %gather3A_409 = tpu.vector_load_idx %arg4[%broadcast_in_dim3A_51, %add3A_408] : memref<8x4096xf32, #tpu.memory_space<vmem>>[vector<16xi32>, vector<16xi32>], vector<16xf32>,
        %mul3A_410 = arith.constant 16 : i32
        %mul3A_411 = arith.muli %scan3A_404, %mul3A_410 : i32
        %swap3A_412 = arith.constant 0 : i32
        %swap3A_413 = arith.index_cast %swap3A_412 : i32 to index
        %swap3A_414 = arith.index_cast %mul3A_411 : i32 to index
        %swap3A_415 = tpu.vector_load %arg6[%swap3A_413, %swap3A_414] {strides = array<i32>} : memref<8x1024xf32, #tpu.memory_space<vmem>>, vector<16xf32>,
        tpu.vector_store %arg6[%swap3A_413, %swap3A_414], %gather3A_409 {strides = array<i32>} : memref<8x1024xf32, #tpu.memory_space<vmem>>, vector<16xf32>,
        %scan3A_416 = arith.constant 6 : i32
        %scan3A_417 = arith.addi %scan3A_341, %scan3A_416 : i32
        %mul3A_418 = arith.constant 64 : i32
        %mul3A_419 = arith.muli %scan3A_417, %mul3A_418 : i32
        %add3A_420 = vector.broadcast %mul3A_419 : i32 to vector<16xi32>
        %add3A_421 = arith.addi %add3A_8, %add3A_420 : vector<16xi32>
        %gather3A_422 = tpu.vector_load_idx %arg4[%broadcast_in_dim3A_51, %add3A_421] : memref<8x4096xf32, #tpu.memory_space<vmem>>[vector<16xi32>, vector<16xi32>], vector<16xf32>,
        %mul3A_423 = arith.constant 16 : i32
        %mul3A_424 = arith.muli %scan3A_417, %mul3A_423 : i32
        %swap3A_425 = arith.constant 0 : i32
        %swap3A_426 = arith.index_cast %swap3A_425 : i32 to index
        %swap3A_427 = arith.index_cast %mul3A_424 : i32 to index
        %swap3A_428 = tpu.vector_load %arg6[%swap3A_426, %swap3A_427] {strides = array<i32>} : memref<8x1024xf32, #tpu.memory_space<vmem>>, vector<16xf32>,
        tpu.vector_store %arg6[%swap3A_426, %swap3A_427], %gather3A_422 {strides = array<i32>} : memref<8x1024xf32, #tpu.memory_space<vmem>>, vector<16xf32>,
        %scan3A_429 = arith.constant 7 : i32
        %scan3A_430 = arith.addi %scan3A_341, %scan3A_429 : i32
        %mul3A_431 = arith.constant 64 : i32
        %mul3A_432 = arith.muli %scan3A_430, %mul3A_431 : i32
        %add3A_433 = vector.broadcast %mul3A_432 : i32 to vector<16xi32>
        %add3A_434 = arith.addi %add3A_8, %add3A_433 : vector<16xi32>
        %gather3A_435 = tpu.vector_load_idx %arg4[%broadcast_in_dim3A_51, %add3A_434] : memref<8x4096xf32, #tpu.memory_space<vmem>>[vector<16xi32>, vector<16xi32>], vector<16xf32>,
        %mul3A_436 = arith.constant 16 : i32
        %mul3A_437 = arith.muli %scan3A_430, %mul3A_436 : i32
        %swap3A_438 = arith.constant 0 : i32
        %swap3A_439 = arith.index_cast %swap3A_438 : i32 to index
        %swap3A_440 = arith.index_cast %mul3A_437 : i32 to index
        %swap3A_441 = tpu.vector_load %arg6[%swap3A_439, %swap3A_440] {strides = array<i32>} : memref<8x1024xf32, #tpu.memory_space<vmem>>, vector<16xf32>,
        tpu.vector_store %arg6[%swap3A_439, %swap3A_440], %gather3A_435 {strides = array<i32>} : memref<8x1024xf32, #tpu.memory_space<vmem>>, vector<16xf32>,
      }
      %scan3A_57 = arith.constant 64 : i32
      %broadcast_in_dim3A_58 = arith.constant 1 : i32
      %broadcast_in_dim3A_59 = vector.broadcast %broadcast_in_dim3A_58 : i32 to vector<16xi32>
      %scan3A_60 = arith.constant 0 : i32
      %scan3A_61 = arith.constant 0 : i32
      %scan3A_62 = arith.constant 64 : i32
      %scan3A_63 = arith.addi %scan3A_61, %scan3A_62 : i32
      %scan3A_64 = arith.constant 8 : i32
      scf.for %scan3A_341 = %scan3A_61 to %scan3A_63 step %scan3A_64  : i32 {
        %mul3A_342 = arith.constant 64 : i32
        %mul3A_343 = arith.muli %scan3A_341, %mul3A_342 : i32
        %add3A_344 = vector.broadcast %mul3A_343 : i32 to vector<16xi32>
        %add3A_345 = arith.addi %add3A_8, %add3A_344 : vector<16xi32>
        %gather3A = tpu.vector_load_idx %arg4[%broadcast_in_dim3A_59, %add3A_345] : memref<8x4096xf32, #tpu.memory_space<vmem>>[vector<16xi32>, vector<16xi32>], vector<16xf32>,
        %mul3A_346 = arith.constant 16 : i32
        %mul3A_347 = arith.muli %scan3A_341, %mul3A_346 : i32
        %swap3A = arith.constant 1 : i32
        %swap3A_348 = arith.index_cast %swap3A : i32 to index
        %swap3A_349 = arith.index_cast %mul3A_347 : i32 to index
        %swap3A_350 = tpu.vector_load %arg6[%swap3A_348, %swap3A_349] {strides = array<i32>} : memref<8x1024xf32, #tpu.memory_space<vmem>>, vector<16xf32>,
        tpu.vector_store %arg6[%swap3A_348, %swap3A_349], %gather3A {strides = array<i32>} : memref<8x1024xf32, #tpu.memory_space<vmem>>, vector<16xf32>,
        %scan3A_351 = arith.constant 1 : i32
        %scan3A_352 = arith.addi %scan3A_341, %scan3A_351 : i32
        %mul3A_353 = arith.constant 64 : i32
        %mul3A_354 = arith.muli %scan3A_352, %mul3A_353 : i32
        %add3A_355 = vector.broadcast %mul3A_354 : i32 to vector<16xi32>
        %add3A_356 = arith.addi %add3A_8, %add3A_355 : vector<16xi32>
        %gather3A_357 = tpu.vector_load_idx %arg4[%broadcast_in_dim3A_59, %add3A_356] : memref<8x4096xf32, #tpu.memory_space<vmem>>[vector<16xi32>, vector<16xi32>], vector<16xf32>,
        %mul3A_358 = arith.constant 16 : i32
        %mul3A_359 = arith.muli %scan3A_352, %mul3A_358 : i32
        %swap3A_360 = arith.constant 1 : i32
        %swap3A_361 = arith.index_cast %swap3A_360 : i32 to index
        %swap3A_362 = arith.index_cast %mul3A_359 : i32 to index
        %swap3A_363 = tpu.vector_load %arg6[%swap3A_361, %swap3A_362] {strides = array<i32>} : memref<8x1024xf32, #tpu.memory_space<vmem>>, vector<16xf32>,
        tpu.vector_store %arg6[%swap3A_361, %swap3A_362], %gather3A_357 {strides = array<i32>} : memref<8x1024xf32, #tpu.memory_space<vmem>>, vector<16xf32>,
        %scan3A_364 = arith.constant 2 : i32
        %scan3A_365 = arith.addi %scan3A_341, %scan3A_364 : i32
        %mul3A_366 = arith.constant 64 : i32
        %mul3A_367 = arith.muli %scan3A_365, %mul3A_366 : i32
        %add3A_368 = vector.broadcast %mul3A_367 : i32 to vector<16xi32>
        %add3A_369 = arith.addi %add3A_8, %add3A_368 : vector<16xi32>
        %gather3A_370 = tpu.vector_load_idx %arg4[%broadcast_in_dim3A_59, %add3A_369] : memref<8x4096xf32, #tpu.memory_space<vmem>>[vector<16xi32>, vector<16xi32>], vector<16xf32>,
        %mul3A_371 = arith.constant 16 : i32
        %mul3A_372 = arith.muli %scan3A_365, %mul3A_371 : i32
        %swap3A_373 = arith.constant 1 : i32
        %swap3A_374 = arith.index_cast %swap3A_373 : i32 to index
        %swap3A_375 = arith.index_cast %mul3A_372 : i32 to index
        %swap3A_376 = tpu.vector_load %arg6[%swap3A_374, %swap3A_375] {strides = array<i32>} : memref<8x1024xf32, #tpu.memory_space<vmem>>, vector<16xf32>,
        tpu.vector_store %arg6[%swap3A_374, %swap3A_375], %gather3A_370 {strides = array<i32>} : memref<8x1024xf32, #tpu.memory_space<vmem>>, vector<16xf32>,
        %scan3A_377 = arith.constant 3 : i32
        %scan3A_378 = arith.addi %scan3A_341, %scan3A_377 : i32
        %mul3A_379 = arith.constant 64 : i32
        %mul3A_380 = arith.muli %scan3A_378, %mul3A_379 : i32
        %add3A_381 = vector.broadcast %mul3A_380 : i32 to vector<16xi32>
        %add3A_382 = arith.addi %add3A_8, %add3A_381 : vector<16xi32>
        %gather3A_383 = tpu.vector_load_idx %arg4[%broadcast_in_dim3A_59, %add3A_382] : memref<8x4096xf32, #tpu.memory_space<vmem>>[vector<16xi32>, vector<16xi32>], vector<16xf32>,
        %mul3A_384 = arith.constant 16 : i32
        %mul3A_385 = arith.muli %scan3A_378, %mul3A_384 : i32
        %swap3A_386 = arith.constant 1 : i32
        %swap3A_387 = arith.index_cast %swap3A_386 : i32 to index
        %swap3A_388 = arith.index_cast %mul3A_385 : i32 to index
        %swap3A_389 = tpu.vector_load %arg6[%swap3A_387, %swap3A_388] {strides = array<i32>} : memref<8x1024xf32, #tpu.memory_space<vmem>>, vector<16xf32>,
        tpu.vector_store %arg6[%swap3A_387, %swap3A_388], %gather3A_383 {strides = array<i32>} : memref<8x1024xf32, #tpu.memory_space<vmem>>, vector<16xf32>,
        %scan3A_390 = arith.constant 4 : i32
        %scan3A_391 = arith.addi %scan3A_341, %scan3A_390 : i32
        %mul3A_392 = arith.constant 64 : i32
        %mul3A_393 = arith.muli %scan3A_391, %mul3A_392 : i32
        %add3A_394 = vector.broadcast %mul3A_393 : i32 to vector<16xi32>
        %add3A_395 = arith.addi %add3A_8, %add3A_394 : vector<16xi32>
        %gather3A_396 = tpu.vector_load_idx %arg4[%broadcast_in_dim3A_59, %add3A_395] : memref<8x4096xf32, #tpu.memory_space<vmem>>[vector<16xi32>, vector<16xi32>], vector<16xf32>,
        %mul3A_397 = arith.constant 16 : i32
        %mul3A_398 = arith.muli %scan3A_391, %mul3A_397 : i32
        %swap3A_399 = arith.constant 1 : i32
        %swap3A_400 = arith.index_cast %swap3A_399 : i32 to index
        %swap3A_401 = arith.index_cast %mul3A_398 : i32 to index
        %swap3A_402 = tpu.vector_load %arg6[%swap3A_400, %swap3A_401] {strides = array<i32>} : memref<8x1024xf32, #tpu.memory_space<vmem>>, vector<16xf32>,
        tpu.vector_store %arg6[%swap3A_400, %swap3A_401], %gather3A_396 {strides = array<i32>} : memref<8x1024xf32, #tpu.memory_space<vmem>>, vector<16xf32>,
        %scan3A_403 = arith.constant 5 : i32
        %scan3A_404 = arith.addi %scan3A_341, %scan3A_403 : i32
        %mul3A_405 = arith.constant 64 : i32
        %mul3A_406 = arith.muli %scan3A_404, %mul3A_405 : i32
        %add3A_407 = vector.broadcast %mul3A_406 : i32 to vector<16xi32>
        %add3A_408 = arith.addi %add3A_8, %add3A_407 : vector<16xi32>
        %gather3A_409 = tpu.vector_load_idx %arg4[%broadcast_in_dim3A_59, %add3A_408] : memref<8x4096xf32, #tpu.memory_space<vmem>>[vector<16xi32>, vector<16xi32>], vector<16xf32>,
        %mul3A_410 = arith.constant 16 : i32
        %mul3A_411 = arith.muli %scan3A_404, %mul3A_410 : i32
        %swap3A_412 = arith.constant 1 : i32
        %swap3A_413 = arith.index_cast %swap3A_412 : i32 to index
        %swap3A_414 = arith.index_cast %mul3A_411 : i32 to index
        %swap3A_415 = tpu.vector_load %arg6[%swap3A_413, %swap3A_414] {strides = array<i32>} : memref<8x1024xf32, #tpu.memory_space<vmem>>, vector<16xf32>,
        tpu.vector_store %arg6[%swap3A_413, %swap3A_414], %gather3A_409 {strides = array<i32>} : memref<8x1024xf32, #tpu.memory_space<vmem>>, vector<16xf32>,
        %scan3A_416 = arith.constant 6 : i32
        %scan3A_417 = arith.addi %scan3A_341, %scan3A_416 : i32
        %mul3A_418 = arith.constant 64 : i32
        %mul3A_419 = arith.muli %scan3A_417, %mul3A_418 : i32
        %add3A_420 = vector.broadcast %mul3A_419 : i32 to vector<16xi32>
        %add3A_421 = arith.addi %add3A_8, %add3A_420 : vector<16xi32>
        %gather3A_422 = tpu.vector_load_idx %arg4[%broadcast_in_dim3A_59, %add3A_421] : memref<8x4096xf32, #tpu.memory_space<vmem>>[vector<16xi32>, vector<16xi32>], vector<16xf32>,
        %mul3A_423 = arith.constant 16 : i32
        %mul3A_424 = arith.muli %scan3A_417, %mul3A_423 : i32
        %swap3A_425 = arith.constant 1 : i32
        %swap3A_426 = arith.index_cast %swap3A_425 : i32 to index
        %swap3A_427 = arith.index_cast %mul3A_424 : i32 to index
        %swap3A_428 = tpu.vector_load %arg6[%swap3A_426, %swap3A_427] {strides = array<i32>} : memref<8x1024xf32, #tpu.memory_space<vmem>>, vector<16xf32>,
        tpu.vector_store %arg6[%swap3A_426, %swap3A_427], %gather3A_422 {strides = array<i32>} : memref<8x1024xf32, #tpu.memory_space<vmem>>, vector<16xf32>,
        %scan3A_429 = arith.constant 7 : i32
        %scan3A_430 = arith.addi %scan3A_341, %scan3A_429 : i32
        %mul3A_431 = arith.constant 64 : i32
        %mul3A_432 = arith.muli %scan3A_430, %mul3A_431 : i32
        %add3A_433 = vector.broadcast %mul3A_432 : i32 to vector<16xi32>
        %add3A_434 = arith.addi %add3A_8, %add3A_433 : vector<16xi32>
        %gather3A_435 = tpu.vector_load_idx %arg4[%broadcast_in_dim3A_59, %add3A_434] : memref<8x4096xf32, #tpu.memory_space<vmem>>[vector<16xi32>, vector<16xi32>], vector<16xf32>,
        %mul3A_436 = arith.constant 16 : i32
        %mul3A_437 = arith.muli %scan3A_430, %mul3A_436 : i32
        %swap3A_438 = arith.constant 1 : i32
        %swap3A_439 = arith.index_cast %swap3A_438 : i32 to index
        %swap3A_440 = arith.index_cast %mul3A_437 : i32 to index
        %swap3A_441 = tpu.vector_load %arg6[%swap3A_439, %swap3A_440] {strides = array<i32>} : memref<8x1024xf32, #tpu.memory_space<vmem>>, vector<16xf32>,
        tpu.vector_store %arg6[%swap3A_439, %swap3A_440], %gather3A_435 {strides = array<i32>} : memref<8x1024xf32, #tpu.memory_space<vmem>>, vector<16xf32>,
      }
      %scan3A_65 = arith.constant 64 : i32
      %broadcast_in_dim3A_66 = arith.constant 2 : i32
      %broadcast_in_dim3A_67 = vector.broadcast %broadcast_in_dim3A_66 : i32 to vector<16xi32>
      %scan3A_68 = arith.constant 0 : i32
      %scan3A_69 = arith.constant 0 : i32
      %scan3A_70 = arith.constant 64 : i32
      %scan3A_71 = arith.addi %scan3A_69, %scan3A_70 : i32
      %scan3A_72 = arith.constant 8 : i32
      scf.for %scan3A_341 = %scan3A_69 to %scan3A_71 step %scan3A_72  : i32 {
        %mul3A_342 = arith.constant 64 : i32
        %mul3A_343 = arith.muli %scan3A_341, %mul3A_342 : i32
        %add3A_344 = vector.broadcast %mul3A_343 : i32 to vector<16xi32>
        %add3A_345 = arith.addi %add3A_8, %add3A_344 : vector<16xi32>
        %gather3A = tpu.vector_load_idx %arg4[%broadcast_in_dim3A_67, %add3A_345] : memref<8x4096xf32, #tpu.memory_space<vmem>>[vector<16xi32>, vector<16xi32>], vector<16xf32>,
        %mul3A_346 = arith.constant 16 : i32
        %mul3A_347 = arith.muli %scan3A_341, %mul3A_346 : i32
        %swap3A = arith.constant 2 : i32
        %swap3A_348 = arith.index_cast %swap3A : i32 to index
        %swap3A_349 = arith.index_cast %mul3A_347 : i32 to index
        %swap3A_350 = tpu.vector_load %arg6[%swap3A_348, %swap3A_349] {strides = array<i32>} : memref<8x1024xf32, #tpu.memory_space<vmem>>, vector<16xf32>,
        tpu.vector_store %arg6[%swap3A_348, %swap3A_349], %gather3A {strides = array<i32>} : memref<8x1024xf32, #tpu.memory_space<vmem>>, vector<16xf32>,
        %scan3A_351 = arith.constant 1 : i32
        %scan3A_352 = arith.addi %scan3A_341, %scan3A_351 : i32
        %mul3A_353 = arith.constant 64 : i32
        %mul3A_354 = arith.muli %scan3A_352, %mul3A_353 : i32
        %add3A_355 = vector.broadcast %mul3A_354 : i32 to vector<16xi32>
        %add3A_356 = arith.addi %add3A_8, %add3A_355 : vector<16xi32>
        %gather3A_357 = tpu.vector_load_idx %arg4[%broadcast_in_dim3A_67, %add3A_356] : memref<8x4096xf32, #tpu.memory_space<vmem>>[vector<16xi32>, vector<16xi32>], vector<16xf32>,
        %mul3A_358 = arith.constant 16 : i32
        %mul3A_359 = arith.muli %scan3A_352, %mul3A_358 : i32
        %swap3A_360 = arith.constant 2 : i32
        %swap3A_361 = arith.index_cast %swap3A_360 : i32 to index
        %swap3A_362 = arith.index_cast %mul3A_359 : i32 to index
        %swap3A_363 = tpu.vector_load %arg6[%swap3A_361, %swap3A_362] {strides = array<i32>} : memref<8x1024xf32, #tpu.memory_space<vmem>>, vector<16xf32>,
        tpu.vector_store %arg6[%swap3A_361, %swap3A_362], %gather3A_357 {strides = array<i32>} : memref<8x1024xf32, #tpu.memory_space<vmem>>, vector<16xf32>,
        %scan3A_364 = arith.constant 2 : i32
        %scan3A_365 = arith.addi %scan3A_341, %scan3A_364 : i32
        %mul3A_366 = arith.constant 64 : i32
        %mul3A_367 = arith.muli %scan3A_365, %mul3A_366 : i32
        %add3A_368 = vector.broadcast %mul3A_367 : i32 to vector<16xi32>
        %add3A_369 = arith.addi %add3A_8, %add3A_368 : vector<16xi32>
        %gather3A_370 = tpu.vector_load_idx %arg4[%broadcast_in_dim3A_67, %add3A_369] : memref<8x4096xf32, #tpu.memory_space<vmem>>[vector<16xi32>, vector<16xi32>], vector<16xf32>,
        %mul3A_371 = arith.constant 16 : i32
        %mul3A_372 = arith.muli %scan3A_365, %mul3A_371 : i32
        %swap3A_373 = arith.constant 2 : i32
        %swap3A_374 = arith.index_cast %swap3A_373 : i32 to index
        %swap3A_375 = arith.index_cast %mul3A_372 : i32 to index
        %swap3A_376 = tpu.vector_load %arg6[%swap3A_374, %swap3A_375] {strides = array<i32>} : memref<8x1024xf32, #tpu.memory_space<vmem>>, vector<16xf32>,
        tpu.vector_store %arg6[%swap3A_374, %swap3A_375], %gather3A_370 {strides = array<i32>} : memref<8x1024xf32, #tpu.memory_space<vmem>>, vector<16xf32>,
        %scan3A_377 = arith.constant 3 : i32
        %scan3A_378 = arith.addi %scan3A_341, %scan3A_377 : i32
        %mul3A_379 = arith.constant 64 : i32
        %mul3A_380 = arith.muli %scan3A_378, %mul3A_379 : i32
        %add3A_381 = vector.broadcast %mul3A_380 : i32 to vector<16xi32>
        %add3A_382 = arith.addi %add3A_8, %add3A_381 : vector<16xi32>
        %gather3A_383 = tpu.vector_load_idx %arg4[%broadcast_in_dim3A_67, %add3A_382] : memref<8x4096xf32, #tpu.memory_space<vmem>>[vector<16xi32>, vector<16xi32>], vector<16xf32>,
        %mul3A_384 = arith.constant 16 : i32
        %mul3A_385 = arith.muli %scan3A_378, %mul3A_384 : i32
        %swap3A_386 = arith.constant 2 : i32
        %swap3A_387 = arith.index_cast %swap3A_386 : i32 to index
        %swap3A_388 = arith.index_cast %mul3A_385 : i32 to index
        %swap3A_389 = tpu.vector_load %arg6[%swap3A_387, %swap3A_388] {strides = array<i32>} : memref<8x1024xf32, #tpu.memory_space<vmem>>, vector<16xf32>,
        tpu.vector_store %arg6[%swap3A_387, %swap3A_388], %gather3A_383 {strides = array<i32>} : memref<8x1024xf32, #tpu.memory_space<vmem>>, vector<16xf32>,
        %scan3A_390 = arith.constant 4 : i32
        %scan3A_391 = arith.addi %scan3A_341, %scan3A_390 : i32
        %mul3A_392 = arith.constant 64 : i32
        %mul3A_393 = arith.muli %scan3A_391, %mul3A_392 : i32
        %add3A_394 = vector.broadcast %mul3A_393 : i32 to vector<16xi32>
        %add3A_395 = arith.addi %add3A_8, %add3A_394 : vector<16xi32>
        %gather3A_396 = tpu.vector_load_idx %arg4[%broadcast_in_dim3A_67, %add3A_395] : memref<8x4096xf32, #tpu.memory_space<vmem>>[vector<16xi32>, vector<16xi32>], vector<16xf32>,
        %mul3A_397 = arith.constant 16 : i32
        %mul3A_398 = arith.muli %scan3A_391, %mul3A_397 : i32
        %swap3A_399 = arith.constant 2 : i32
        %swap3A_400 = arith.index_cast %swap3A_399 : i32 to index
        %swap3A_401 = arith.index_cast %mul3A_398 : i32 to index
        %swap3A_402 = tpu.vector_load %arg6[%swap3A_400, %swap3A_401] {strides = array<i32>} : memref<8x1024xf32, #tpu.memory_space<vmem>>, vector<16xf32>,
        tpu.vector_store %arg6[%swap3A_400, %swap3A_401], %gather3A_396 {strides = array<i32>} : memref<8x1024xf32, #tpu.memory_space<vmem>>, vector<16xf32>,
        %scan3A_403 = arith.constant 5 : i32
        %scan3A_404 = arith.addi %scan3A_341, %scan3A_403 : i32
        %mul3A_405 = arith.constant 64 : i32
        %mul3A_406 = arith.muli %scan3A_404, %mul3A_405 : i32
        %add3A_407 = vector.broadcast %mul3A_406 : i32 to vector<16xi32>
        %add3A_408 = arith.addi %add3A_8, %add3A_407 : vector<16xi32>
        %gather3A_409 = tpu.vector_load_idx %arg4[%broadcast_in_dim3A_67, %add3A_408] : memref<8x4096xf32, #tpu.memory_space<vmem>>[vector<16xi32>, vector<16xi32>], vector<16xf32>,
        %mul3A_410 = arith.constant 16 : i32
        %mul3A_411 = arith.muli %scan3A_404, %mul3A_410 : i32
        %swap3A_412 = arith.constant 2 : i32
        %swap3A_413 = arith.index_cast %swap3A_412 : i32 to index
        %swap3A_414 = arith.index_cast %mul3A_411 : i32 to index
        %swap3A_415 = tpu.vector_load %arg6[%swap3A_413, %swap3A_414] {strides = array<i32>} : memref<8x1024xf32, #tpu.memory_space<vmem>>, vector<16xf32>,
        tpu.vector_store %arg6[%swap3A_413, %swap3A_414], %gather3A_409 {strides = array<i32>} : memref<8x1024xf32, #tpu.memory_space<vmem>>, vector<16xf32>,
        %scan3A_416 = arith.constant 6 : i32
        %scan3A_417 = arith.addi %scan3A_341, %scan3A_416 : i32
        %mul3A_418 = arith.constant 64 : i32
        %mul3A_419 = arith.muli %scan3A_417, %mul3A_418 : i32
        %add3A_420 = vector.broadcast %mul3A_419 : i32 to vector<16xi32>
        %add3A_421 = arith.addi %add3A_8, %add3A_420 : vector<16xi32>
        %gather3A_422 = tpu.vector_load_idx %arg4[%broadcast_in_dim3A_67, %add3A_421] : memref<8x4096xf32, #tpu.memory_space<vmem>>[vector<16xi32>, vector<16xi32>], vector<16xf32>,
        %mul3A_423 = arith.constant 16 : i32
        %mul3A_424 = arith.muli %scan3A_417, %mul3A_423 : i32
        %swap3A_425 = arith.constant 2 : i32
        %swap3A_426 = arith.index_cast %swap3A_425 : i32 to index
        %swap3A_427 = arith.index_cast %mul3A_424 : i32 to index
        %swap3A_428 = tpu.vector_load %arg6[%swap3A_426, %swap3A_427] {strides = array<i32>} : memref<8x1024xf32, #tpu.memory_space<vmem>>, vector<16xf32>,
        tpu.vector_store %arg6[%swap3A_426, %swap3A_427], %gather3A_422 {strides = array<i32>} : memref<8x1024xf32, #tpu.memory_space<vmem>>, vector<16xf32>,
        %scan3A_429 = arith.constant 7 : i32
        %scan3A_430 = arith.addi %scan3A_341, %scan3A_429 : i32
        %mul3A_431 = arith.constant 64 : i32
        %mul3A_432 = arith.muli %scan3A_430, %mul3A_431 : i32
        %add3A_433 = vector.broadcast %mul3A_432 : i32 to vector<16xi32>
        %add3A_434 = arith.addi %add3A_8, %add3A_433 : vector<16xi32>
        %gather3A_435 = tpu.vector_load_idx %arg4[%broadcast_in_dim3A_67, %add3A_434] : memref<8x4096xf32, #tpu.memory_space<vmem>>[vector<16xi32>, vector<16xi32>], vector<16xf32>,
        %mul3A_436 = arith.constant 16 : i32
        %mul3A_437 = arith.muli %scan3A_430, %mul3A_436 : i32
        %swap3A_438 = arith.constant 2 : i32
        %swap3A_439 = arith.index_cast %swap3A_438 : i32 to index
        %swap3A_440 = arith.index_cast %mul3A_437 : i32 to index
        %swap3A_441 = tpu.vector_load %arg6[%swap3A_439, %swap3A_440] {strides = array<i32>} : memref<8x1024xf32, #tpu.memory_space<vmem>>, vector<16xf32>,
        tpu.vector_store %arg6[%swap3A_439, %swap3A_440], %gather3A_435 {strides = array<i32>} : memref<8x1024xf32, #tpu.memory_space<vmem>>, vector<16xf32>,
      }
      %scan3A_73 = arith.constant 64 : i32
      %broadcast_in_dim3A_74 = arith.constant 3 : i32
      %broadcast_in_dim3A_75 = vector.broadcast %broadcast_in_dim3A_74 : i32 to vector<16xi32>
      %scan3A_76 = arith.constant 0 : i32
      %scan3A_77 = arith.constant 0 : i32
      %scan3A_78 = arith.constant 64 : i32
      %scan3A_79 = arith.addi %scan3A_77, %scan3A_78 : i32
      %scan3A_80 = arith.constant 8 : i32
      scf.for %scan3A_341 = %scan3A_77 to %scan3A_79 step %scan3A_80  : i32 {
        %mul3A_342 = arith.constant 64 : i32
        %mul3A_343 = arith.muli %scan3A_341, %mul3A_342 : i32
        %add3A_344 = vector.broadcast %mul3A_343 : i32 to vector<16xi32>
        %add3A_345 = arith.addi %add3A_8, %add3A_344 : vector<16xi32>
        %gather3A = tpu.vector_load_idx %arg4[%broadcast_in_dim3A_75, %add3A_345] : memref<8x4096xf32, #tpu.memory_space<vmem>>[vector<16xi32>, vector<16xi32>], vector<16xf32>,
        %mul3A_346 = arith.constant 16 : i32
        %mul3A_347 = arith.muli %scan3A_341, %mul3A_346 : i32
        %swap3A = arith.constant 3 : i32
        %swap3A_348 = arith.index_cast %swap3A : i32 to index
        %swap3A_349 = arith.index_cast %mul3A_347 : i32 to index
        %swap3A_350 = tpu.vector_load %arg6[%swap3A_348, %swap3A_349] {strides = array<i32>} : memref<8x1024xf32, #tpu.memory_space<vmem>>, vector<16xf32>,
        tpu.vector_store %arg6[%swap3A_348, %swap3A_349], %gather3A {strides = array<i32>} : memref<8x1024xf32, #tpu.memory_space<vmem>>, vector<16xf32>,
        %scan3A_351 = arith.constant 1 : i32
        %scan3A_352 = arith.addi %scan3A_341, %scan3A_351 : i32
        %mul3A_353 = arith.constant 64 : i32
        %mul3A_354 = arith.muli %scan3A_352, %mul3A_353 : i32
        %add3A_355 = vector.broadcast %mul3A_354 : i32 to vector<16xi32>
        %add3A_356 = arith.addi %add3A_8, %add3A_355 : vector<16xi32>
        %gather3A_357 = tpu.vector_load_idx %arg4[%broadcast_in_dim3A_75, %add3A_356] : memref<8x4096xf32, #tpu.memory_space<vmem>>[vector<16xi32>, vector<16xi32>], vector<16xf32>,
        %mul3A_358 = arith.constant 16 : i32
        %mul3A_359 = arith.muli %scan3A_352, %mul3A_358 : i32
        %swap3A_360 = arith.constant 3 : i32
        %swap3A_361 = arith.index_cast %swap3A_360 : i32 to index
        %swap3A_362 = arith.index_cast %mul3A_359 : i32 to index
        %swap3A_363 = tpu.vector_load %arg6[%swap3A_361, %swap3A_362] {strides = array<i32>} : memref<8x1024xf32, #tpu.memory_space<vmem>>, vector<16xf32>,
        tpu.vector_store %arg6[%swap3A_361, %swap3A_362], %gather3A_357 {strides = array<i32>} : memref<8x1024xf32, #tpu.memory_space<vmem>>, vector<16xf32>,
        %scan3A_364 = arith.constant 2 : i32
        %scan3A_365 = arith.addi %scan3A_341, %scan3A_364 : i32
        %mul3A_366 = arith.constant 64 : i32
        %mul3A_367 = arith.muli %scan3A_365, %mul3A_366 : i32
        %add3A_368 = vector.broadcast %mul3A_367 : i32 to vector<16xi32>
        %add3A_369 = arith.addi %add3A_8, %add3A_368 : vector<16xi32>
        %gather3A_370 = tpu.vector_load_idx %arg4[%broadcast_in_dim3A_75, %add3A_369] : memref<8x4096xf32, #tpu.memory_space<vmem>>[vector<16xi32>, vector<16xi32>], vector<16xf32>,
        %mul3A_371 = arith.constant 16 : i32
        %mul3A_372 = arith.muli %scan3A_365, %mul3A_371 : i32
        %swap3A_373 = arith.constant 3 : i32
        %swap3A_374 = arith.index_cast %swap3A_373 : i32 to index
        %swap3A_375 = arith.index_cast %mul3A_372 : i32 to index
        %swap3A_376 = tpu.vector_load %arg6[%swap3A_374, %swap3A_375] {strides = array<i32>} : memref<8x1024xf32, #tpu.memory_space<vmem>>, vector<16xf32>,
        tpu.vector_store %arg6[%swap3A_374, %swap3A_375], %gather3A_370 {strides = array<i32>} : memref<8x1024xf32, #tpu.memory_space<vmem>>, vector<16xf32>,
        %scan3A_377 = arith.constant 3 : i32
        %scan3A_378 = arith.addi %scan3A_341, %scan3A_377 : i32
        %mul3A_379 = arith.constant 64 : i32
        %mul3A_380 = arith.muli %scan3A_378, %mul3A_379 : i32
        %add3A_381 = vector.broadcast %mul3A_380 : i32 to vector<16xi32>
        %add3A_382 = arith.addi %add3A_8, %add3A_381 : vector<16xi32>
        %gather3A_383 = tpu.vector_load_idx %arg4[%broadcast_in_dim3A_75, %add3A_382] : memref<8x4096xf32, #tpu.memory_space<vmem>>[vector<16xi32>, vector<16xi32>], vector<16xf32>,
        %mul3A_384 = arith.constant 16 : i32
        %mul3A_385 = arith.muli %scan3A_378, %mul3A_384 : i32
        %swap3A_386 = arith.constant 3 : i32
        %swap3A_387 = arith.index_cast %swap3A_386 : i32 to index
        %swap3A_388 = arith.index_cast %mul3A_385 : i32 to index
        %swap3A_389 = tpu.vector_load %arg6[%swap3A_387, %swap3A_388] {strides = array<i32>} : memref<8x1024xf32, #tpu.memory_space<vmem>>, vector<16xf32>,
        tpu.vector_store %arg6[%swap3A_387, %swap3A_388], %gather3A_383 {strides = array<i32>} : memref<8x1024xf32, #tpu.memory_space<vmem>>, vector<16xf32>,
        %scan3A_390 = arith.constant 4 : i32
        %scan3A_391 = arith.addi %scan3A_341, %scan3A_390 : i32
        %mul3A_392 = arith.constant 64 : i32
        %mul3A_393 = arith.muli %scan3A_391, %mul3A_392 : i32
        %add3A_394 = vector.broadcast %mul3A_393 : i32 to vector<16xi32>
        %add3A_395 = arith.addi %add3A_8, %add3A_394 : vector<16xi32>
        %gather3A_396 = tpu.vector_load_idx %arg4[%broadcast_in_dim3A_75, %add3A_395] : memref<8x4096xf32, #tpu.memory_space<vmem>>[vector<16xi32>, vector<16xi32>], vector<16xf32>,
        %mul3A_397 = arith.constant 16 : i32
        %mul3A_398 = arith.muli %scan3A_391, %mul3A_397 : i32
        %swap3A_399 = arith.constant 3 : i32
        %swap3A_400 = arith.index_cast %swap3A_399 : i32 to index
        %swap3A_401 = arith.index_cast %mul3A_398 : i32 to index
        %swap3A_402 = tpu.vector_load %arg6[%swap3A_400, %swap3A_401] {strides = array<i32>} : memref<8x1024xf32, #tpu.memory_space<vmem>>, vector<16xf32>,
        tpu.vector_store %arg6[%swap3A_400, %swap3A_401], %gather3A_396 {strides = array<i32>} : memref<8x1024xf32, #tpu.memory_space<vmem>>, vector<16xf32>,
        %scan3A_403 = arith.constant 5 : i32
        %scan3A_404 = arith.addi %scan3A_341, %scan3A_403 : i32
        %mul3A_405 = arith.constant 64 : i32
        %mul3A_406 = arith.muli %scan3A_404, %mul3A_405 : i32
        %add3A_407 = vector.broadcast %mul3A_406 : i32 to vector<16xi32>
        %add3A_408 = arith.addi %add3A_8, %add3A_407 : vector<16xi32>
        %gather3A_409 = tpu.vector_load_idx %arg4[%broadcast_in_dim3A_75, %add3A_408] : memref<8x4096xf32, #tpu.memory_space<vmem>>[vector<16xi32>, vector<16xi32>], vector<16xf32>,
        %mul3A_410 = arith.constant 16 : i32
        %mul3A_411 = arith.muli %scan3A_404, %mul3A_410 : i32
        %swap3A_412 = arith.constant 3 : i32
        %swap3A_413 = arith.index_cast %swap3A_412 : i32 to index
        %swap3A_414 = arith.index_cast %mul3A_411 : i32 to index
        %swap3A_415 = tpu.vector_load %arg6[%swap3A_413, %swap3A_414] {strides = array<i32>} : memref<8x1024xf32, #tpu.memory_space<vmem>>, vector<16xf32>,
        tpu.vector_store %arg6[%swap3A_413, %swap3A_414], %gather3A_409 {strides = array<i32>} : memref<8x1024xf32, #tpu.memory_space<vmem>>, vector<16xf32>,
        %scan3A_416 = arith.constant 6 : i32
        %scan3A_417 = arith.addi %scan3A_341, %scan3A_416 : i32
        %mul3A_418 = arith.constant 64 : i32
        %mul3A_419 = arith.muli %scan3A_417, %mul3A_418 : i32
        %add3A_420 = vector.broadcast %mul3A_419 : i32 to vector<16xi32>
        %add3A_421 = arith.addi %add3A_8, %add3A_420 : vector<16xi32>
        %gather3A_422 = tpu.vector_load_idx %arg4[%broadcast_in_dim3A_75, %add3A_421] : memref<8x4096xf32, #tpu.memory_space<vmem>>[vector<16xi32>, vector<16xi32>], vector<16xf32>,
        %mul3A_423 = arith.constant 16 : i32
        %mul3A_424 = arith.muli %scan3A_417, %mul3A_423 : i32
        %swap3A_425 = arith.constant 3 : i32
        %swap3A_426 = arith.index_cast %swap3A_425 : i32 to index
        %swap3A_427 = arith.index_cast %mul3A_424 : i32 to index
        %swap3A_428 = tpu.vector_load %arg6[%swap3A_426, %swap3A_427] {strides = array<i32>} : memref<8x1024xf32, #tpu.memory_space<vmem>>, vector<16xf32>,
        tpu.vector_store %arg6[%swap3A_426, %swap3A_427], %gather3A_422 {strides = array<i32>} : memref<8x1024xf32, #tpu.memory_space<vmem>>, vector<16xf32>,
        %scan3A_429 = arith.constant 7 : i32
        %scan3A_430 = arith.addi %scan3A_341, %scan3A_429 : i32
        %mul3A_431 = arith.constant 64 : i32
        %mul3A_432 = arith.muli %scan3A_430, %mul3A_431 : i32
        %add3A_433 = vector.broadcast %mul3A_432 : i32 to vector<16xi32>
        %add3A_434 = arith.addi %add3A_8, %add3A_433 : vector<16xi32>
        %gather3A_435 = tpu.vector_load_idx %arg4[%broadcast_in_dim3A_75, %add3A_434] : memref<8x4096xf32, #tpu.memory_space<vmem>>[vector<16xi32>, vector<16xi32>], vector<16xf32>,
        %mul3A_436 = arith.constant 16 : i32
        %mul3A_437 = arith.muli %scan3A_430, %mul3A_436 : i32
        %swap3A_438 = arith.constant 3 : i32
        %swap3A_439 = arith.index_cast %swap3A_438 : i32 to index
        %swap3A_440 = arith.index_cast %mul3A_437 : i32 to index
        %swap3A_441 = tpu.vector_load %arg6[%swap3A_439, %swap3A_440] {strides = array<i32>} : memref<8x1024xf32, #tpu.memory_space<vmem>>, vector<16xf32>,
        tpu.vector_store %arg6[%swap3A_439, %swap3A_440], %gather3A_435 {strides = array<i32>} : memref<8x1024xf32, #tpu.memory_space<vmem>>, vector<16xf32>,
      }
      %scan3A_81 = arith.constant 64 : i32
      %broadcast_in_dim3A_82 = arith.constant 4 : i32
      %broadcast_in_dim3A_83 = vector.broadcast %broadcast_in_dim3A_82 : i32 to vector<16xi32>
      %scan3A_84 = arith.constant 0 : i32
      %scan3A_85 = arith.constant 0 : i32
      %scan3A_86 = arith.constant 64 : i32
      %scan3A_87 = arith.addi %scan3A_85, %scan3A_86 : i32
      %scan3A_88 = arith.constant 8 : i32
      scf.for %scan3A_341 = %scan3A_85 to %scan3A_87 step %scan3A_88  : i32 {
        %mul3A_342 = arith.constant 64 : i32
        %mul3A_343 = arith.muli %scan3A_341, %mul3A_342 : i32
        %add3A_344 = vector.broadcast %mul3A_343 : i32 to vector<16xi32>
        %add3A_345 = arith.addi %add3A_8, %add3A_344 : vector<16xi32>
        %gather3A = tpu.vector_load_idx %arg4[%broadcast_in_dim3A_83, %add3A_345] : memref<8x4096xf32, #tpu.memory_space<vmem>>[vector<16xi32>, vector<16xi32>], vector<16xf32>,
        %mul3A_346 = arith.constant 16 : i32
        %mul3A_347 = arith.muli %scan3A_341, %mul3A_346 : i32
        %swap3A = arith.constant 4 : i32
        %swap3A_348 = arith.index_cast %swap3A : i32 to index
        %swap3A_349 = arith.index_cast %mul3A_347 : i32 to index
        %swap3A_350 = tpu.vector_load %arg6[%swap3A_348, %swap3A_349] {strides = array<i32>} : memref<8x1024xf32, #tpu.memory_space<vmem>>, vector<16xf32>,
        tpu.vector_store %arg6[%swap3A_348, %swap3A_349], %gather3A {strides = array<i32>} : memref<8x1024xf32, #tpu.memory_space<vmem>>, vector<16xf32>,
        %scan3A_351 = arith.constant 1 : i32
        %scan3A_352 = arith.addi %scan3A_341, %scan3A_351 : i32
        %mul3A_353 = arith.constant 64 : i32
        %mul3A_354 = arith.muli %scan3A_352, %mul3A_353 : i32
        %add3A_355 = vector.broadcast %mul3A_354 : i32 to vector<16xi32>
        %add3A_356 = arith.addi %add3A_8, %add3A_355 : vector<16xi32>
        %gather3A_357 = tpu.vector_load_idx %arg4[%broadcast_in_dim3A_83, %add3A_356] : memref<8x4096xf32, #tpu.memory_space<vmem>>[vector<16xi32>, vector<16xi32>], vector<16xf32>,
        %mul3A_358 = arith.constant 16 : i32
        %mul3A_359 = arith.muli %scan3A_352, %mul3A_358 : i32
        %swap3A_360 = arith.constant 4 : i32
        %swap3A_361 = arith.index_cast %swap3A_360 : i32 to index
        %swap3A_362 = arith.index_cast %mul3A_359 : i32 to index
        %swap3A_363 = tpu.vector_load %arg6[%swap3A_361, %swap3A_362] {strides = array<i32>} : memref<8x1024xf32, #tpu.memory_space<vmem>>, vector<16xf32>,
        tpu.vector_store %arg6[%swap3A_361, %swap3A_362], %gather3A_357 {strides = array<i32>} : memref<8x1024xf32, #tpu.memory_space<vmem>>, vector<16xf32>,
        %scan3A_364 = arith.constant 2 : i32
        %scan3A_365 = arith.addi %scan3A_341, %scan3A_364 : i32
        %mul3A_366 = arith.constant 64 : i32
        %mul3A_367 = arith.muli %scan3A_365, %mul3A_366 : i32
        %add3A_368 = vector.broadcast %mul3A_367 : i32 to vector<16xi32>
        %add3A_369 = arith.addi %add3A_8, %add3A_368 : vector<16xi32>
        %gather3A_370 = tpu.vector_load_idx %arg4[%broadcast_in_dim3A_83, %add3A_369] : memref<8x4096xf32, #tpu.memory_space<vmem>>[vector<16xi32>, vector<16xi32>], vector<16xf32>,
        %mul3A_371 = arith.constant 16 : i32
        %mul3A_372 = arith.muli %scan3A_365, %mul3A_371 : i32
        %swap3A_373 = arith.constant 4 : i32
        %swap3A_374 = arith.index_cast %swap3A_373 : i32 to index
        %swap3A_375 = arith.index_cast %mul3A_372 : i32 to index
        %swap3A_376 = tpu.vector_load %arg6[%swap3A_374, %swap3A_375] {strides = array<i32>} : memref<8x1024xf32, #tpu.memory_space<vmem>>, vector<16xf32>,
        tpu.vector_store %arg6[%swap3A_374, %swap3A_375], %gather3A_370 {strides = array<i32>} : memref<8x1024xf32, #tpu.memory_space<vmem>>, vector<16xf32>,
        %scan3A_377 = arith.constant 3 : i32
        %scan3A_378 = arith.addi %scan3A_341, %scan3A_377 : i32
        %mul3A_379 = arith.constant 64 : i32
        %mul3A_380 = arith.muli %scan3A_378, %mul3A_379 : i32
        %add3A_381 = vector.broadcast %mul3A_380 : i32 to vector<16xi32>
        %add3A_382 = arith.addi %add3A_8, %add3A_381 : vector<16xi32>
        %gather3A_383 = tpu.vector_load_idx %arg4[%broadcast_in_dim3A_83, %add3A_382] : memref<8x4096xf32, #tpu.memory_space<vmem>>[vector<16xi32>, vector<16xi32>], vector<16xf32>,
        %mul3A_384 = arith.constant 16 : i32
        %mul3A_385 = arith.muli %scan3A_378, %mul3A_384 : i32
        %swap3A_386 = arith.constant 4 : i32
        %swap3A_387 = arith.index_cast %swap3A_386 : i32 to index
        %swap3A_388 = arith.index_cast %mul3A_385 : i32 to index
        %swap3A_389 = tpu.vector_load %arg6[%swap3A_387, %swap3A_388] {strides = array<i32>} : memref<8x1024xf32, #tpu.memory_space<vmem>>, vector<16xf32>,
        tpu.vector_store %arg6[%swap3A_387, %swap3A_388], %gather3A_383 {strides = array<i32>} : memref<8x1024xf32, #tpu.memory_space<vmem>>, vector<16xf32>,
        %scan3A_390 = arith.constant 4 : i32
        %scan3A_391 = arith.addi %scan3A_341, %scan3A_390 : i32
        %mul3A_392 = arith.constant 64 : i32
        %mul3A_393 = arith.muli %scan3A_391, %mul3A_392 : i32
        %add3A_394 = vector.broadcast %mul3A_393 : i32 to vector<16xi32>
        %add3A_395 = arith.addi %add3A_8, %add3A_394 : vector<16xi32>
        %gather3A_396 = tpu.vector_load_idx %arg4[%broadcast_in_dim3A_83, %add3A_395] : memref<8x4096xf32, #tpu.memory_space<vmem>>[vector<16xi32>, vector<16xi32>], vector<16xf32>,
        %mul3A_397 = arith.constant 16 : i32
        %mul3A_398 = arith.muli %scan3A_391, %mul3A_397 : i32
        %swap3A_399 = arith.constant 4 : i32
        %swap3A_400 = arith.index_cast %swap3A_399 : i32 to index
        %swap3A_401 = arith.index_cast %mul3A_398 : i32 to index
        %swap3A_402 = tpu.vector_load %arg6[%swap3A_400, %swap3A_401] {strides = array<i32>} : memref<8x1024xf32, #tpu.memory_space<vmem>>, vector<16xf32>,
        tpu.vector_store %arg6[%swap3A_400, %swap3A_401], %gather3A_396 {strides = array<i32>} : memref<8x1024xf32, #tpu.memory_space<vmem>>, vector<16xf32>,
        %scan3A_403 = arith.constant 5 : i32
        %scan3A_404 = arith.addi %scan3A_341, %scan3A_403 : i32
        %mul3A_405 = arith.constant 64 : i32
        %mul3A_406 = arith.muli %scan3A_404, %mul3A_405 : i32
        %add3A_407 = vector.broadcast %mul3A_406 : i32 to vector<16xi32>
        %add3A_408 = arith.addi %add3A_8, %add3A_407 : vector<16xi32>
        %gather3A_409 = tpu.vector_load_idx %arg4[%broadcast_in_dim3A_83, %add3A_408] : memref<8x4096xf32, #tpu.memory_space<vmem>>[vector<16xi32>, vector<16xi32>], vector<16xf32>,
        %mul3A_410 = arith.constant 16 : i32
        %mul3A_411 = arith.muli %scan3A_404, %mul3A_410 : i32
        %swap3A_412 = arith.constant 4 : i32
        %swap3A_413 = arith.index_cast %swap3A_412 : i32 to index
        %swap3A_414 = arith.index_cast %mul3A_411 : i32 to index
        %swap3A_415 = tpu.vector_load %arg6[%swap3A_413, %swap3A_414] {strides = array<i32>} : memref<8x1024xf32, #tpu.memory_space<vmem>>, vector<16xf32>,
        tpu.vector_store %arg6[%swap3A_413, %swap3A_414], %gather3A_409 {strides = array<i32>} : memref<8x1024xf32, #tpu.memory_space<vmem>>, vector<16xf32>,
        %scan3A_416 = arith.constant 6 : i32
        %scan3A_417 = arith.addi %scan3A_341, %scan3A_416 : i32
        %mul3A_418 = arith.constant 64 : i32
        %mul3A_419 = arith.muli %scan3A_417, %mul3A_418 : i32
        %add3A_420 = vector.broadcast %mul3A_419 : i32 to vector<16xi32>
        %add3A_421 = arith.addi %add3A_8, %add3A_420 : vector<16xi32>
        %gather3A_422 = tpu.vector_load_idx %arg4[%broadcast_in_dim3A_83, %add3A_421] : memref<8x4096xf32, #tpu.memory_space<vmem>>[vector<16xi32>, vector<16xi32>], vector<16xf32>,
        %mul3A_423 = arith.constant 16 : i32
        %mul3A_424 = arith.muli %scan3A_417, %mul3A_423 : i32
        %swap3A_425 = arith.constant 4 : i32
        %swap3A_426 = arith.index_cast %swap3A_425 : i32 to index
        %swap3A_427 = arith.index_cast %mul3A_424 : i32 to index
        %swap3A_428 = tpu.vector_load %arg6[%swap3A_426, %swap3A_427] {strides = array<i32>} : memref<8x1024xf32, #tpu.memory_space<vmem>>, vector<16xf32>,
        tpu.vector_store %arg6[%swap3A_426, %swap3A_427], %gather3A_422 {strides = array<i32>} : memref<8x1024xf32, #tpu.memory_space<vmem>>, vector<16xf32>,
        %scan3A_429 = arith.constant 7 : i32
        %scan3A_430 = arith.addi %scan3A_341, %scan3A_429 : i32
        %mul3A_431 = arith.constant 64 : i32
        %mul3A_432 = arith.muli %scan3A_430, %mul3A_431 : i32
        %add3A_433 = vector.broadcast %mul3A_432 : i32 to vector<16xi32>
        %add3A_434 = arith.addi %add3A_8, %add3A_433 : vector<16xi32>
        %gather3A_435 = tpu.vector_load_idx %arg4[%broadcast_in_dim3A_83, %add3A_434] : memref<8x4096xf32, #tpu.memory_space<vmem>>[vector<16xi32>, vector<16xi32>], vector<16xf32>,
        %mul3A_436 = arith.constant 16 : i32
        %mul3A_437 = arith.muli %scan3A_430, %mul3A_436 : i32
        %swap3A_438 = arith.constant 4 : i32
        %swap3A_439 = arith.index_cast %swap3A_438 : i32 to index
        %swap3A_440 = arith.index_cast %mul3A_437 : i32 to index
        %swap3A_441 = tpu.vector_load %arg6[%swap3A_439, %swap3A_440] {strides = array<i32>} : memref<8x1024xf32, #tpu.memory_space<vmem>>, vector<16xf32>,
        tpu.vector_store %arg6[%swap3A_439, %swap3A_440], %gather3A_435 {strides = array<i32>} : memref<8x1024xf32, #tpu.memory_space<vmem>>, vector<16xf32>,
      }
      %scan3A_89 = arith.constant 64 : i32
      %broadcast_in_dim3A_90 = arith.constant 5 : i32
      %broadcast_in_dim3A_91 = vector.broadcast %broadcast_in_dim3A_90 : i32 to vector<16xi32>
      %scan3A_92 = arith.constant 0 : i32
      %scan3A_93 = arith.constant 0 : i32
      %scan3A_94 = arith.constant 64 : i32
      %scan3A_95 = arith.addi %scan3A_93, %scan3A_94 : i32
      %scan3A_96 = arith.constant 8 : i32
      scf.for %scan3A_341 = %scan3A_93 to %scan3A_95 step %scan3A_96  : i32 {
        %mul3A_342 = arith.constant 64 : i32
        %mul3A_343 = arith.muli %scan3A_341, %mul3A_342 : i32
        %add3A_344 = vector.broadcast %mul3A_343 : i32 to vector<16xi32>
        %add3A_345 = arith.addi %add3A_8, %add3A_344 : vector<16xi32>
        %gather3A = tpu.vector_load_idx %arg4[%broadcast_in_dim3A_91, %add3A_345] : memref<8x4096xf32, #tpu.memory_space<vmem>>[vector<16xi32>, vector<16xi32>], vector<16xf32>,
        %mul3A_346 = arith.constant 16 : i32
        %mul3A_347 = arith.muli %scan3A_341, %mul3A_346 : i32
        %swap3A = arith.constant 5 : i32
        %swap3A_348 = arith.index_cast %swap3A : i32 to index
        %swap3A_349 = arith.index_cast %mul3A_347 : i32 to index
        %swap3A_350 = tpu.vector_load %arg6[%swap3A_348, %swap3A_349] {strides = array<i32>} : memref<8x1024xf32, #tpu.memory_space<vmem>>, vector<16xf32>,
        tpu.vector_store %arg6[%swap3A_348, %swap3A_349], %gather3A {strides = array<i32>} : memref<8x1024xf32, #tpu.memory_space<vmem>>, vector<16xf32>,
        %scan3A_351 = arith.constant 1 : i32
        %scan3A_352 = arith.addi %scan3A_341, %scan3A_351 : i32
        %mul3A_353 = arith.constant 64 : i32
        %mul3A_354 = arith.muli %scan3A_352, %mul3A_353 : i32
        %add3A_355 = vector.broadcast %mul3A_354 : i32 to vector<16xi32>
        %add3A_356 = arith.addi %add3A_8, %add3A_355 : vector<16xi32>
        %gather3A_357 = tpu.vector_load_idx %arg4[%broadcast_in_dim3A_91, %add3A_356] : memref<8x4096xf32, #tpu.memory_space<vmem>>[vector<16xi32>, vector<16xi32>], vector<16xf32>,
        %mul3A_358 = arith.constant 16 : i32
        %mul3A_359 = arith.muli %scan3A_352, %mul3A_358 : i32
        %swap3A_360 = arith.constant 5 : i32
        %swap3A_361 = arith.index_cast %swap3A_360 : i32 to index
        %swap3A_362 = arith.index_cast %mul3A_359 : i32 to index
        %swap3A_363 = tpu.vector_load %arg6[%swap3A_361, %swap3A_362] {strides = array<i32>} : memref<8x1024xf32, #tpu.memory_space<vmem>>, vector<16xf32>,
        tpu.vector_store %arg6[%swap3A_361, %swap3A_362], %gather3A_357 {strides = array<i32>} : memref<8x1024xf32, #tpu.memory_space<vmem>>, vector<16xf32>,
        %scan3A_364 = arith.constant 2 : i32
        %scan3A_365 = arith.addi %scan3A_341, %scan3A_364 : i32
        %mul3A_366 = arith.constant 64 : i32
        %mul3A_367 = arith.muli %scan3A_365, %mul3A_366 : i32
        %add3A_368 = vector.broadcast %mul3A_367 : i32 to vector<16xi32>
        %add3A_369 = arith.addi %add3A_8, %add3A_368 : vector<16xi32>
        %gather3A_370 = tpu.vector_load_idx %arg4[%broadcast_in_dim3A_91, %add3A_369] : memref<8x4096xf32, #tpu.memory_space<vmem>>[vector<16xi32>, vector<16xi32>], vector<16xf32>,
        %mul3A_371 = arith.constant 16 : i32
        %mul3A_372 = arith.muli %scan3A_365, %mul3A_371 : i32
        %swap3A_373 = arith.constant 5 : i32
        %swap3A_374 = arith.index_cast %swap3A_373 : i32 to index
        %swap3A_375 = arith.index_cast %mul3A_372 : i32 to index
        %swap3A_376 = tpu.vector_load %arg6[%swap3A_374, %swap3A_375] {strides = array<i32>} : memref<8x1024xf32, #tpu.memory_space<vmem>>, vector<16xf32>,
        tpu.vector_store %arg6[%swap3A_374, %swap3A_375], %gather3A_370 {strides = array<i32>} : memref<8x1024xf32, #tpu.memory_space<vmem>>, vector<16xf32>,
        %scan3A_377 = arith.constant 3 : i32
        %scan3A_378 = arith.addi %scan3A_341, %scan3A_377 : i32
        %mul3A_379 = arith.constant 64 : i32
        %mul3A_380 = arith.muli %scan3A_378, %mul3A_379 : i32
        %add3A_381 = vector.broadcast %mul3A_380 : i32 to vector<16xi32>
        %add3A_382 = arith.addi %add3A_8, %add3A_381 : vector<16xi32>
        %gather3A_383 = tpu.vector_load_idx %arg4[%broadcast_in_dim3A_91, %add3A_382] : memref<8x4096xf32, #tpu.memory_space<vmem>>[vector<16xi32>, vector<16xi32>], vector<16xf32>,
        %mul3A_384 = arith.constant 16 : i32
        %mul3A_385 = arith.muli %scan3A_378, %mul3A_384 : i32
        %swap3A_386 = arith.constant 5 : i32
        %swap3A_387 = arith.index_cast %swap3A_386 : i32 to index
        %swap3A_388 = arith.index_cast %mul3A_385 : i32 to index
        %swap3A_389 = tpu.vector_load %arg6[%swap3A_387, %swap3A_388] {strides = array<i32>} : memref<8x1024xf32, #tpu.memory_space<vmem>>, vector<16xf32>,
        tpu.vector_store %arg6[%swap3A_387, %swap3A_388], %gather3A_383 {strides = array<i32>} : memref<8x1024xf32, #tpu.memory_space<vmem>>, vector<16xf32>,
        %scan3A_390 = arith.constant 4 : i32
        %scan3A_391 = arith.addi %scan3A_341, %scan3A_390 : i32
        %mul3A_392 = arith.constant 64 : i32
        %mul3A_393 = arith.muli %scan3A_391, %mul3A_392 : i32
        %add3A_394 = vector.broadcast %mul3A_393 : i32 to vector<16xi32>
        %add3A_395 = arith.addi %add3A_8, %add3A_394 : vector<16xi32>
        %gather3A_396 = tpu.vector_load_idx %arg4[%broadcast_in_dim3A_91, %add3A_395] : memref<8x4096xf32, #tpu.memory_space<vmem>>[vector<16xi32>, vector<16xi32>], vector<16xf32>,
        %mul3A_397 = arith.constant 16 : i32
        %mul3A_398 = arith.muli %scan3A_391, %mul3A_397 : i32
        %swap3A_399 = arith.constant 5 : i32
        %swap3A_400 = arith.index_cast %swap3A_399 : i32 to index
        %swap3A_401 = arith.index_cast %mul3A_398 : i32 to index
        %swap3A_402 = tpu.vector_load %arg6[%swap3A_400, %swap3A_401] {strides = array<i32>} : memref<8x1024xf32, #tpu.memory_space<vmem>>, vector<16xf32>,
        tpu.vector_store %arg6[%swap3A_400, %swap3A_401], %gather3A_396 {strides = array<i32>} : memref<8x1024xf32, #tpu.memory_space<vmem>>, vector<16xf32>,
        %scan3A_403 = arith.constant 5 : i32
        %scan3A_404 = arith.addi %scan3A_341, %scan3A_403 : i32
        %mul3A_405 = arith.constant 64 : i32
        %mul3A_406 = arith.muli %scan3A_404, %mul3A_405 : i32
        %add3A_407 = vector.broadcast %mul3A_406 : i32 to vector<16xi32>
        %add3A_408 = arith.addi %add3A_8, %add3A_407 : vector<16xi32>
        %gather3A_409 = tpu.vector_load_idx %arg4[%broadcast_in_dim3A_91, %add3A_408] : memref<8x4096xf32, #tpu.memory_space<vmem>>[vector<16xi32>, vector<16xi32>], vector<16xf32>,
        %mul3A_410 = arith.constant 16 : i32
        %mul3A_411 = arith.muli %scan3A_404, %mul3A_410 : i32
        %swap3A_412 = arith.constant 5 : i32
        %swap3A_413 = arith.index_cast %swap3A_412 : i32 to index
        %swap3A_414 = arith.index_cast %mul3A_411 : i32 to index
        %swap3A_415 = tpu.vector_load %arg6[%swap3A_413, %swap3A_414] {strides = array<i32>} : memref<8x1024xf32, #tpu.memory_space<vmem>>, vector<16xf32>,
        tpu.vector_store %arg6[%swap3A_413, %swap3A_414], %gather3A_409 {strides = array<i32>} : memref<8x1024xf32, #tpu.memory_space<vmem>>, vector<16xf32>,
        %scan3A_416 = arith.constant 6 : i32
        %scan3A_417 = arith.addi %scan3A_341, %scan3A_416 : i32
        %mul3A_418 = arith.constant 64 : i32
        %mul3A_419 = arith.muli %scan3A_417, %mul3A_418 : i32
        %add3A_420 = vector.broadcast %mul3A_419 : i32 to vector<16xi32>
        %add3A_421 = arith.addi %add3A_8, %add3A_420 : vector<16xi32>
        %gather3A_422 = tpu.vector_load_idx %arg4[%broadcast_in_dim3A_91, %add3A_421] : memref<8x4096xf32, #tpu.memory_space<vmem>>[vector<16xi32>, vector<16xi32>], vector<16xf32>,
        %mul3A_423 = arith.constant 16 : i32
        %mul3A_424 = arith.muli %scan3A_417, %mul3A_423 : i32
        %swap3A_425 = arith.constant 5 : i32
        %swap3A_426 = arith.index_cast %swap3A_425 : i32 to index
        %swap3A_427 = arith.index_cast %mul3A_424 : i32 to index
        %swap3A_428 = tpu.vector_load %arg6[%swap3A_426, %swap3A_427] {strides = array<i32>} : memref<8x1024xf32, #tpu.memory_space<vmem>>, vector<16xf32>,
        tpu.vector_store %arg6[%swap3A_426, %swap3A_427], %gather3A_422 {strides = array<i32>} : memref<8x1024xf32, #tpu.memory_space<vmem>>, vector<16xf32>,
        %scan3A_429 = arith.constant 7 : i32
        %scan3A_430 = arith.addi %scan3A_341, %scan3A_429 : i32
        %mul3A_431 = arith.constant 64 : i32
        %mul3A_432 = arith.muli %scan3A_430, %mul3A_431 : i32
        %add3A_433 = vector.broadcast %mul3A_432 : i32 to vector<16xi32>
        %add3A_434 = arith.addi %add3A_8, %add3A_433 : vector<16xi32>
        %gather3A_435 = tpu.vector_load_idx %arg4[%broadcast_in_dim3A_91, %add3A_434] : memref<8x4096xf32, #tpu.memory_space<vmem>>[vector<16xi32>, vector<16xi32>], vector<16xf32>,
        %mul3A_436 = arith.constant 16 : i32
        %mul3A_437 = arith.muli %scan3A_430, %mul3A_436 : i32
        %swap3A_438 = arith.constant 5 : i32
        %swap3A_439 = arith.index_cast %swap3A_438 : i32 to index
        %swap3A_440 = arith.index_cast %mul3A_437 : i32 to index
        %swap3A_441 = tpu.vector_load %arg6[%swap3A_439, %swap3A_440] {strides = array<i32>} : memref<8x1024xf32, #tpu.memory_space<vmem>>, vector<16xf32>,
        tpu.vector_store %arg6[%swap3A_439, %swap3A_440], %gather3A_435 {strides = array<i32>} : memref<8x1024xf32, #tpu.memory_space<vmem>>, vector<16xf32>,
      }
      %scan3A_97 = arith.constant 64 : i32
      %broadcast_in_dim3A_98 = arith.constant 6 : i32
      %broadcast_in_dim3A_99 = vector.broadcast %broadcast_in_dim3A_98 : i32 to vector<16xi32>
      %scan3A_100 = arith.constant 0 : i32
      %scan3A_101 = arith.constant 0 : i32
      %scan3A_102 = arith.constant 64 : i32
      %scan3A_103 = arith.addi %scan3A_101, %scan3A_102 : i32
      %scan3A_104 = arith.constant 8 : i32
      scf.for %scan3A_341 = %scan3A_101 to %scan3A_103 step %scan3A_104  : i32 {
        %mul3A_342 = arith.constant 64 : i32
        %mul3A_343 = arith.muli %scan3A_341, %mul3A_342 : i32
        %add3A_344 = vector.broadcast %mul3A_343 : i32 to vector<16xi32>
        %add3A_345 = arith.addi %add3A_8, %add3A_344 : vector<16xi32>
        %gather3A = tpu.vector_load_idx %arg4[%broadcast_in_dim3A_99, %add3A_345] : memref<8x4096xf32, #tpu.memory_space<vmem>>[vector<16xi32>, vector<16xi32>], vector<16xf32>,
        %mul3A_346 = arith.constant 16 : i32
        %mul3A_347 = arith.muli %scan3A_341, %mul3A_346 : i32
        %swap3A = arith.constant 6 : i32
        %swap3A_348 = arith.index_cast %swap3A : i32 to index
        %swap3A_349 = arith.index_cast %mul3A_347 : i32 to index
        %swap3A_350 = tpu.vector_load %arg6[%swap3A_348, %swap3A_349] {strides = array<i32>} : memref<8x1024xf32, #tpu.memory_space<vmem>>, vector<16xf32>,
        tpu.vector_store %arg6[%swap3A_348, %swap3A_349], %gather3A {strides = array<i32>} : memref<8x1024xf32, #tpu.memory_space<vmem>>, vector<16xf32>,
        %scan3A_351 = arith.constant 1 : i32
        %scan3A_352 = arith.addi %scan3A_341, %scan3A_351 : i32
        %mul3A_353 = arith.constant 64 : i32
        %mul3A_354 = arith.muli %scan3A_352, %mul3A_353 : i32
        %add3A_355 = vector.broadcast %mul3A_354 : i32 to vector<16xi32>
        %add3A_356 = arith.addi %add3A_8, %add3A_355 : vector<16xi32>
        %gather3A_357 = tpu.vector_load_idx %arg4[%broadcast_in_dim3A_99, %add3A_356] : memref<8x4096xf32, #tpu.memory_space<vmem>>[vector<16xi32>, vector<16xi32>], vector<16xf32>,
        %mul3A_358 = arith.constant 16 : i32
        %mul3A_359 = arith.muli %scan3A_352, %mul3A_358 : i32
        %swap3A_360 = arith.constant 6 : i32
        %swap3A_361 = arith.index_cast %swap3A_360 : i32 to index
        %swap3A_362 = arith.index_cast %mul3A_359 : i32 to index
        %swap3A_363 = tpu.vector_load %arg6[%swap3A_361, %swap3A_362] {strides = array<i32>} : memref<8x1024xf32, #tpu.memory_space<vmem>>, vector<16xf32>,
        tpu.vector_store %arg6[%swap3A_361, %swap3A_362], %gather3A_357 {strides = array<i32>} : memref<8x1024xf32, #tpu.memory_space<vmem>>, vector<16xf32>,
        %scan3A_364 = arith.constant 2 : i32
        %scan3A_365 = arith.addi %scan3A_341, %scan3A_364 : i32
        %mul3A_366 = arith.constant 64 : i32
        %mul3A_367 = arith.muli %scan3A_365, %mul3A_366 : i32
        %add3A_368 = vector.broadcast %mul3A_367 : i32 to vector<16xi32>
        %add3A_369 = arith.addi %add3A_8, %add3A_368 : vector<16xi32>
        %gather3A_370 = tpu.vector_load_idx %arg4[%broadcast_in_dim3A_99, %add3A_369] : memref<8x4096xf32, #tpu.memory_space<vmem>>[vector<16xi32>, vector<16xi32>], vector<16xf32>,
        %mul3A_371 = arith.constant 16 : i32
        %mul3A_372 = arith.muli %scan3A_365, %mul3A_371 : i32
        %swap3A_373 = arith.constant 6 : i32
        %swap3A_374 = arith.index_cast %swap3A_373 : i32 to index
        %swap3A_375 = arith.index_cast %mul3A_372 : i32 to index
        %swap3A_376 = tpu.vector_load %arg6[%swap3A_374, %swap3A_375] {strides = array<i32>} : memref<8x1024xf32, #tpu.memory_space<vmem>>, vector<16xf32>,
        tpu.vector_store %arg6[%swap3A_374, %swap3A_375], %gather3A_370 {strides = array<i32>} : memref<8x1024xf32, #tpu.memory_space<vmem>>, vector<16xf32>,
        %scan3A_377 = arith.constant 3 : i32
        %scan3A_378 = arith.addi %scan3A_341, %scan3A_377 : i32
        %mul3A_379 = arith.constant 64 : i32
        %mul3A_380 = arith.muli %scan3A_378, %mul3A_379 : i32
        %add3A_381 = vector.broadcast %mul3A_380 : i32 to vector<16xi32>
        %add3A_382 = arith.addi %add3A_8, %add3A_381 : vector<16xi32>
        %gather3A_383 = tpu.vector_load_idx %arg4[%broadcast_in_dim3A_99, %add3A_382] : memref<8x4096xf32, #tpu.memory_space<vmem>>[vector<16xi32>, vector<16xi32>], vector<16xf32>,
        %mul3A_384 = arith.constant 16 : i32
        %mul3A_385 = arith.muli %scan3A_378, %mul3A_384 : i32
        %swap3A_386 = arith.constant 6 : i32
        %swap3A_387 = arith.index_cast %swap3A_386 : i32 to index
        %swap3A_388 = arith.index_cast %mul3A_385 : i32 to index
        %swap3A_389 = tpu.vector_load %arg6[%swap3A_387, %swap3A_388] {strides = array<i32>} : memref<8x1024xf32, #tpu.memory_space<vmem>>, vector<16xf32>,
        tpu.vector_store %arg6[%swap3A_387, %swap3A_388], %gather3A_383 {strides = array<i32>} : memref<8x1024xf32, #tpu.memory_space<vmem>>, vector<16xf32>,
        %scan3A_390 = arith.constant 4 : i32
        %scan3A_391 = arith.addi %scan3A_341, %scan3A_390 : i32
        %mul3A_392 = arith.constant 64 : i32
        %mul3A_393 = arith.muli %scan3A_391, %mul3A_392 : i32
        %add3A_394 = vector.broadcast %mul3A_393 : i32 to vector<16xi32>
        %add3A_395 = arith.addi %add3A_8, %add3A_394 : vector<16xi32>
        %gather3A_396 = tpu.vector_load_idx %arg4[%broadcast_in_dim3A_99, %add3A_395] : memref<8x4096xf32, #tpu.memory_space<vmem>>[vector<16xi32>, vector<16xi32>], vector<16xf32>,
        %mul3A_397 = arith.constant 16 : i32
        %mul3A_398 = arith.muli %scan3A_391, %mul3A_397 : i32
        %swap3A_399 = arith.constant 6 : i32
        %swap3A_400 = arith.index_cast %swap3A_399 : i32 to index
        %swap3A_401 = arith.index_cast %mul3A_398 : i32 to index
        %swap3A_402 = tpu.vector_load %arg6[%swap3A_400, %swap3A_401] {strides = array<i32>} : memref<8x1024xf32, #tpu.memory_space<vmem>>, vector<16xf32>,
        tpu.vector_store %arg6[%swap3A_400, %swap3A_401], %gather3A_396 {strides = array<i32>} : memref<8x1024xf32, #tpu.memory_space<vmem>>, vector<16xf32>,
        %scan3A_403 = arith.constant 5 : i32
        %scan3A_404 = arith.addi %scan3A_341, %scan3A_403 : i32
        %mul3A_405 = arith.constant 64 : i32
        %mul3A_406 = arith.muli %scan3A_404, %mul3A_405 : i32
        %add3A_407 = vector.broadcast %mul3A_406 : i32 to vector<16xi32>
        %add3A_408 = arith.addi %add3A_8, %add3A_407 : vector<16xi32>
        %gather3A_409 = tpu.vector_load_idx %arg4[%broadcast_in_dim3A_99, %add3A_408] : memref<8x4096xf32, #tpu.memory_space<vmem>>[vector<16xi32>, vector<16xi32>], vector<16xf32>,
        %mul3A_410 = arith.constant 16 : i32
        %mul3A_411 = arith.muli %scan3A_404, %mul3A_410 : i32
        %swap3A_412 = arith.constant 6 : i32
        %swap3A_413 = arith.index_cast %swap3A_412 : i32 to index
        %swap3A_414 = arith.index_cast %mul3A_411 : i32 to index
        %swap3A_415 = tpu.vector_load %arg6[%swap3A_413, %swap3A_414] {strides = array<i32>} : memref<8x1024xf32, #tpu.memory_space<vmem>>, vector<16xf32>,
        tpu.vector_store %arg6[%swap3A_413, %swap3A_414], %gather3A_409 {strides = array<i32>} : memref<8x1024xf32, #tpu.memory_space<vmem>>, vector<16xf32>,
        %scan3A_416 = arith.constant 6 : i32
        %scan3A_417 = arith.addi %scan3A_341, %scan3A_416 : i32
        %mul3A_418 = arith.constant 64 : i32
        %mul3A_419 = arith.muli %scan3A_417, %mul3A_418 : i32
        %add3A_420 = vector.broadcast %mul3A_419 : i32 to vector<16xi32>
        %add3A_421 = arith.addi %add3A_8, %add3A_420 : vector<16xi32>
        %gather3A_422 = tpu.vector_load_idx %arg4[%broadcast_in_dim3A_99, %add3A_421] : memref<8x4096xf32, #tpu.memory_space<vmem>>[vector<16xi32>, vector<16xi32>], vector<16xf32>,
        %mul3A_423 = arith.constant 16 : i32
        %mul3A_424 = arith.muli %scan3A_417, %mul3A_423 : i32
        %swap3A_425 = arith.constant 6 : i32
        %swap3A_426 = arith.index_cast %swap3A_425 : i32 to index
        %swap3A_427 = arith.index_cast %mul3A_424 : i32 to index
        %swap3A_428 = tpu.vector_load %arg6[%swap3A_426, %swap3A_427] {strides = array<i32>} : memref<8x1024xf32, #tpu.memory_space<vmem>>, vector<16xf32>,
        tpu.vector_store %arg6[%swap3A_426, %swap3A_427], %gather3A_422 {strides = array<i32>} : memref<8x1024xf32, #tpu.memory_space<vmem>>, vector<16xf32>,
        %scan3A_429 = arith.constant 7 : i32
        %scan3A_430 = arith.addi %scan3A_341, %scan3A_429 : i32
        %mul3A_431 = arith.constant 64 : i32
        %mul3A_432 = arith.muli %scan3A_430, %mul3A_431 : i32
        %add3A_433 = vector.broadcast %mul3A_432 : i32 to vector<16xi32>
        %add3A_434 = arith.addi %add3A_8, %add3A_433 : vector<16xi32>
        %gather3A_435 = tpu.vector_load_idx %arg4[%broadcast_in_dim3A_99, %add3A_434] : memref<8x4096xf32, #tpu.memory_space<vmem>>[vector<16xi32>, vector<16xi32>], vector<16xf32>,
        %mul3A_436 = arith.constant 16 : i32
        %mul3A_437 = arith.muli %scan3A_430, %mul3A_436 : i32
        %swap3A_438 = arith.constant 6 : i32
        %swap3A_439 = arith.index_cast %swap3A_438 : i32 to index
        %swap3A_440 = arith.index_cast %mul3A_437 : i32 to index
        %swap3A_441 = tpu.vector_load %arg6[%swap3A_439, %swap3A_440] {strides = array<i32>} : memref<8x1024xf32, #tpu.memory_space<vmem>>, vector<16xf32>,
        tpu.vector_store %arg6[%swap3A_439, %swap3A_440], %gather3A_435 {strides = array<i32>} : memref<8x1024xf32, #tpu.memory_space<vmem>>, vector<16xf32>,
      }
      %scan3A_105 = arith.constant 64 : i32
      %broadcast_in_dim3A_106 = arith.constant 7 : i32
      %broadcast_in_dim3A_107 = vector.broadcast %broadcast_in_dim3A_106 : i32 to vector<16xi32>
      %scan3A_108 = arith.constant 0 : i32
      %scan3A_109 = arith.constant 0 : i32
      %scan3A_110 = arith.constant 64 : i32
      %scan3A_111 = arith.addi %scan3A_109, %scan3A_110 : i32
      %scan3A_112 = arith.constant 8 : i32
      scf.for %scan3A_341 = %scan3A_109 to %scan3A_111 step %scan3A_112  : i32 {
        %mul3A_342 = arith.constant 64 : i32
        %mul3A_343 = arith.muli %scan3A_341, %mul3A_342 : i32
        %add3A_344 = vector.broadcast %mul3A_343 : i32 to vector<16xi32>
        %add3A_345 = arith.addi %add3A_8, %add3A_344 : vector<16xi32>
        %gather3A = tpu.vector_load_idx %arg4[%broadcast_in_dim3A_107, %add3A_345] : memref<8x4096xf32, #tpu.memory_space<vmem>>[vector<16xi32>, vector<16xi32>], vector<16xf32>,
        %mul3A_346 = arith.constant 16 : i32
        %mul3A_347 = arith.muli %scan3A_341, %mul3A_346 : i32
        %swap3A = arith.constant 7 : i32
        %swap3A_348 = arith.index_cast %swap3A : i32 to index
        %swap3A_349 = arith.index_cast %mul3A_347 : i32 to index
        %swap3A_350 = tpu.vector_load %arg6[%swap3A_348, %swap3A_349] {strides = array<i32>} : memref<8x1024xf32, #tpu.memory_space<vmem>>, vector<16xf32>,
        tpu.vector_store %arg6[%swap3A_348, %swap3A_349], %gather3A {strides = array<i32>} : memref<8x1024xf32, #tpu.memory_space<vmem>>, vector<16xf32>,
        %scan3A_351 = arith.constant 1 : i32
        %scan3A_352 = arith.addi %scan3A_341, %scan3A_351 : i32
        %mul3A_353 = arith.constant 64 : i32
        %mul3A_354 = arith.muli %scan3A_352, %mul3A_353 : i32
        %add3A_355 = vector.broadcast %mul3A_354 : i32 to vector<16xi32>
        %add3A_356 = arith.addi %add3A_8, %add3A_355 : vector<16xi32>
        %gather3A_357 = tpu.vector_load_idx %arg4[%broadcast_in_dim3A_107, %add3A_356] : memref<8x4096xf32, #tpu.memory_space<vmem>>[vector<16xi32>, vector<16xi32>], vector<16xf32>,
        %mul3A_358 = arith.constant 16 : i32
        %mul3A_359 = arith.muli %scan3A_352, %mul3A_358 : i32
        %swap3A_360 = arith.constant 7 : i32
        %swap3A_361 = arith.index_cast %swap3A_360 : i32 to index
        %swap3A_362 = arith.index_cast %mul3A_359 : i32 to index
        %swap3A_363 = tpu.vector_load %arg6[%swap3A_361, %swap3A_362] {strides = array<i32>} : memref<8x1024xf32, #tpu.memory_space<vmem>>, vector<16xf32>,
        tpu.vector_store %arg6[%swap3A_361, %swap3A_362], %gather3A_357 {strides = array<i32>} : memref<8x1024xf32, #tpu.memory_space<vmem>>, vector<16xf32>,
        %scan3A_364 = arith.constant 2 : i32
        %scan3A_365 = arith.addi %scan3A_341, %scan3A_364 : i32
        %mul3A_366 = arith.constant 64 : i32
        %mul3A_367 = arith.muli %scan3A_365, %mul3A_366 : i32
        %add3A_368 = vector.broadcast %mul3A_367 : i32 to vector<16xi32>
        %add3A_369 = arith.addi %add3A_8, %add3A_368 : vector<16xi32>
        %gather3A_370 = tpu.vector_load_idx %arg4[%broadcast_in_dim3A_107, %add3A_369] : memref<8x4096xf32, #tpu.memory_space<vmem>>[vector<16xi32>, vector<16xi32>], vector<16xf32>,
        %mul3A_371 = arith.constant 16 : i32
        %mul3A_372 = arith.muli %scan3A_365, %mul3A_371 : i32
        %swap3A_373 = arith.constant 7 : i32
        %swap3A_374 = arith.index_cast %swap3A_373 : i32 to index
        %swap3A_375 = arith.index_cast %mul3A_372 : i32 to index
        %swap3A_376 = tpu.vector_load %arg6[%swap3A_374, %swap3A_375] {strides = array<i32>} : memref<8x1024xf32, #tpu.memory_space<vmem>>, vector<16xf32>,
        tpu.vector_store %arg6[%swap3A_374, %swap3A_375], %gather3A_370 {strides = array<i32>} : memref<8x1024xf32, #tpu.memory_space<vmem>>, vector<16xf32>,
        %scan3A_377 = arith.constant 3 : i32
        %scan3A_378 = arith.addi %scan3A_341, %scan3A_377 : i32
        %mul3A_379 = arith.constant 64 : i32
        %mul3A_380 = arith.muli %scan3A_378, %mul3A_379 : i32
        %add3A_381 = vector.broadcast %mul3A_380 : i32 to vector<16xi32>
        %add3A_382 = arith.addi %add3A_8, %add3A_381 : vector<16xi32>
        %gather3A_383 = tpu.vector_load_idx %arg4[%broadcast_in_dim3A_107, %add3A_382] : memref<8x4096xf32, #tpu.memory_space<vmem>>[vector<16xi32>, vector<16xi32>], vector<16xf32>,
        %mul3A_384 = arith.constant 16 : i32
        %mul3A_385 = arith.muli %scan3A_378, %mul3A_384 : i32
        %swap3A_386 = arith.constant 7 : i32
        %swap3A_387 = arith.index_cast %swap3A_386 : i32 to index
        %swap3A_388 = arith.index_cast %mul3A_385 : i32 to index
        %swap3A_389 = tpu.vector_load %arg6[%swap3A_387, %swap3A_388] {strides = array<i32>} : memref<8x1024xf32, #tpu.memory_space<vmem>>, vector<16xf32>,
        tpu.vector_store %arg6[%swap3A_387, %swap3A_388], %gather3A_383 {strides = array<i32>} : memref<8x1024xf32, #tpu.memory_space<vmem>>, vector<16xf32>,
        %scan3A_390 = arith.constant 4 : i32
        %scan3A_391 = arith.addi %scan3A_341, %scan3A_390 : i32
        %mul3A_392 = arith.constant 64 : i32
        %mul3A_393 = arith.muli %scan3A_391, %mul3A_392 : i32
        %add3A_394 = vector.broadcast %mul3A_393 : i32 to vector<16xi32>
        %add3A_395 = arith.addi %add3A_8, %add3A_394 : vector<16xi32>
        %gather3A_396 = tpu.vector_load_idx %arg4[%broadcast_in_dim3A_107, %add3A_395] : memref<8x4096xf32, #tpu.memory_space<vmem>>[vector<16xi32>, vector<16xi32>], vector<16xf32>,
        %mul3A_397 = arith.constant 16 : i32
        %mul3A_398 = arith.muli %scan3A_391, %mul3A_397 : i32
        %swap3A_399 = arith.constant 7 : i32
        %swap3A_400 = arith.index_cast %swap3A_399 : i32 to index
        %swap3A_401 = arith.index_cast %mul3A_398 : i32 to index
        %swap3A_402 = tpu.vector_load %arg6[%swap3A_400, %swap3A_401] {strides = array<i32>} : memref<8x1024xf32, #tpu.memory_space<vmem>>, vector<16xf32>,
        tpu.vector_store %arg6[%swap3A_400, %swap3A_401], %gather3A_396 {strides = array<i32>} : memref<8x1024xf32, #tpu.memory_space<vmem>>, vector<16xf32>,
        %scan3A_403 = arith.constant 5 : i32
        %scan3A_404 = arith.addi %scan3A_341, %scan3A_403 : i32
        %mul3A_405 = arith.constant 64 : i32
        %mul3A_406 = arith.muli %scan3A_404, %mul3A_405 : i32
        %add3A_407 = vector.broadcast %mul3A_406 : i32 to vector<16xi32>
        %add3A_408 = arith.addi %add3A_8, %add3A_407 : vector<16xi32>
        %gather3A_409 = tpu.vector_load_idx %arg4[%broadcast_in_dim3A_107, %add3A_408] : memref<8x4096xf32, #tpu.memory_space<vmem>>[vector<16xi32>, vector<16xi32>], vector<16xf32>,
        %mul3A_410 = arith.constant 16 : i32
        %mul3A_411 = arith.muli %scan3A_404, %mul3A_410 : i32
        %swap3A_412 = arith.constant 7 : i32
        %swap3A_413 = arith.index_cast %swap3A_412 : i32 to index
        %swap3A_414 = arith.index_cast %mul3A_411 : i32 to index
        %swap3A_415 = tpu.vector_load %arg6[%swap3A_413, %swap3A_414] {strides = array<i32>} : memref<8x1024xf32, #tpu.memory_space<vmem>>, vector<16xf32>,
        tpu.vector_store %arg6[%swap3A_413, %swap3A_414], %gather3A_409 {strides = array<i32>} : memref<8x1024xf32, #tpu.memory_space<vmem>>, vector<16xf32>,
        %scan3A_416 = arith.constant 6 : i32
        %scan3A_417 = arith.addi %scan3A_341, %scan3A_416 : i32
        %mul3A_418 = arith.constant 64 : i32
        %mul3A_419 = arith.muli %scan3A_417, %mul3A_418 : i32
        %add3A_420 = vector.broadcast %mul3A_419 : i32 to vector<16xi32>
        %add3A_421 = arith.addi %add3A_8, %add3A_420 : vector<16xi32>
        %gather3A_422 = tpu.vector_load_idx %arg4[%broadcast_in_dim3A_107, %add3A_421] : memref<8x4096xf32, #tpu.memory_space<vmem>>[vector<16xi32>, vector<16xi32>], vector<16xf32>,
        %mul3A_423 = arith.constant 16 : i32
        %mul3A_424 = arith.muli %scan3A_417, %mul3A_423 : i32
        %swap3A_425 = arith.constant 7 : i32
        %swap3A_426 = arith.index_cast %swap3A_425 : i32 to index
        %swap3A_427 = arith.index_cast %mul3A_424 : i32 to index
        %swap3A_428 = tpu.vector_load %arg6[%swap3A_426, %swap3A_427] {strides = array<i32>} : memref<8x1024xf32, #tpu.memory_space<vmem>>, vector<16xf32>,
        tpu.vector_store %arg6[%swap3A_426, %swap3A_427], %gather3A_422 {strides = array<i32>} : memref<8x1024xf32, #tpu.memory_space<vmem>>, vector<16xf32>,
        %scan3A_429 = arith.constant 7 : i32
        %scan3A_430 = arith.addi %scan3A_341, %scan3A_429 : i32
        %mul3A_431 = arith.constant 64 : i32
        %mul3A_432 = arith.muli %scan3A_430, %mul3A_431 : i32
        %add3A_433 = vector.broadcast %mul3A_432 : i32 to vector<16xi32>
        %add3A_434 = arith.addi %add3A_8, %add3A_433 : vector<16xi32>
        %gather3A_435 = tpu.vector_load_idx %arg4[%broadcast_in_dim3A_107, %add3A_434] : memref<8x4096xf32, #tpu.memory_space<vmem>>[vector<16xi32>, vector<16xi32>], vector<16xf32>,
        %mul3A_436 = arith.constant 16 : i32
        %mul3A_437 = arith.muli %scan3A_430, %mul3A_436 : i32
        %swap3A_438 = arith.constant 7 : i32
        %swap3A_439 = arith.index_cast %swap3A_438 : i32 to index
        %swap3A_440 = arith.index_cast %mul3A_437 : i32 to index
        %swap3A_441 = tpu.vector_load %arg6[%swap3A_439, %swap3A_440] {strides = array<i32>} : memref<8x1024xf32, #tpu.memory_space<vmem>>, vector<16xf32>,
        tpu.vector_store %arg6[%swap3A_439, %swap3A_440], %gather3A_435 {strides = array<i32>} : memref<8x1024xf32, #tpu.memory_space<vmem>>, vector<16xf32>,
      }
      %scan3A_113 = arith.constant 64 : i32
      %jit3A = arith.constant 2 : i32
      %div3A = arith.divsi %add3A_36, %jit3A : i32
      %sign3A = arith.constant 0 : i32
      %sign3A_114 = arith.cmpi sgt, %add3A_36, %sign3A : i32
      %sign3A_115 = arith.extui %sign3A_114 : i1 to i32
      %sign3A_116 = arith.constant 0 : i32
      %sign3A_117 = arith.cmpi slt, %add3A_36, %sign3A_116 : i32
      %sign3A_118 = arith.extui %sign3A_117 : i1 to i32
      %sign3A_119 = arith.subi %sign3A_115, %sign3A_118 : i32
      %sign3A_120 = arith.constant 0 : i32
      %sign3A_121 = arith.cmpi sgt, %jit3A, %sign3A_120 : i32
      %sign3A_122 = arith.extui %sign3A_121 : i1 to i32
      %sign3A_123 = arith.constant 0 : i32
      %sign3A_124 = arith.cmpi slt, %jit3A, %sign3A_123 : i32
      %sign3A_125 = arith.extui %sign3A_124 : i1 to i32
      %sign3A_126 = arith.subi %sign3A_122, %sign3A_125 : i32
      %ne3A = arith.cmpi ne, %sign3A_119, %sign3A_126 : i32
      %rem3A = arith.remsi %add3A_36, %jit3A : i32
      %ne3A_127 = arith.constant 0 : i32
      %ne3A_128 = arith.cmpi ne, %rem3A, %ne3A_127 : i32
      %and3A = arith.andi %ne3A, %ne3A_128 : i1
      %sub3A = arith.constant 1 : i32
      %sub3A_129 = arith.subi %div3A, %sub3A : i32
      %select_n3A = arith.select %and3A, %sub3A_129, %div3A : i32
      %mul3A_130 = arith.constant 8 : i32
      %mul3A_131 = arith.muli %select_n3A, %mul3A_130 : i32
      %add3A_132 = arith.addi %mul3A_2, %mul3A_131 : i32
      %multiple_of3A_133 = tpu.assume_multiple %add3A_132, 8 : i32
      %jit3A_134 = arith.constant 2 : i32
      %eq3A = arith.constant 0 : i32
      %eq3A_135 = arith.cmpi eq, %jit3A_134, %eq3A : i32
      %jit3A_136 = arith.constant 1 : i32
      %select_n3A_137 = arith.select %eq3A_135, %jit3A_136, %jit3A_134 : i32
      %rem3A_138 = arith.remsi %add3A_36, %select_n3A_137 : i32
      %ne3A_139 = arith.constant 0 : i32
      %ne3A_140 = arith.cmpi ne, %rem3A_138, %ne3A_139 : i32
      %lt3A_141 = arith.constant 0 : i32
      %lt3A_142 = arith.cmpi slt, %rem3A_138, %lt3A_141 : i32
      %lt3A_143 = arith.constant 0 : i32
      %lt3A_144 = arith.cmpi slt, %select_n3A_137, %lt3A_143 : i32
      %ne3A_145 = arith.xori %lt3A_142, %lt3A_144 : i1
      %and3A_146 = arith.andi %ne3A_145, %ne3A_140 : i1
      %add3A_147 = arith.addi %rem3A_138, %select_n3A_137 : i32
      %select_n3A_148 = arith.select %and3A_146, %add3A_147, %rem3A_138 : i32
      %mul3A_149 = arith.constant 4096 : i32
      %mul3A_150 = arith.muli %select_n3A_148, %mul3A_149 : i32
      %multiple_of3A_151 = tpu.assume_multiple %mul3A_150, 4096 : i32
      %jit3A_152 = arith.constant 4 : i32
      %div3A_153 = arith.divsi %multiple_of3A_151, %jit3A_152 : i32
      %sign3A_154 = arith.constant 0 : i32
      %sign3A_155 = arith.cmpi sgt, %multiple_of3A_151, %sign3A_154 : i32
      %sign3A_156 = arith.extui %sign3A_155 : i1 to i32
      %sign3A_157 = arith.constant 0 : i32
      %sign3A_158 = arith.cmpi slt, %multiple_of3A_151, %sign3A_157 : i32
      %sign3A_159 = arith.extui %sign3A_158 : i1 to i32
      %sign3A_160 = arith.subi %sign3A_156, %sign3A_159 : i32
      %sign3A_161 = arith.constant 0 : i32
      %sign3A_162 = arith.cmpi sgt, %jit3A_152, %sign3A_161 : i32
      %sign3A_163 = arith.extui %sign3A_162 : i1 to i32
      %sign3A_164 = arith.constant 0 : i32
      %sign3A_165 = arith.cmpi slt, %jit3A_152, %sign3A_164 : i32
      %sign3A_166 = arith.extui %sign3A_165 : i1 to i32
      %sign3A_167 = arith.subi %sign3A_163, %sign3A_166 : i32
      %ne3A_168 = arith.cmpi ne, %sign3A_160, %sign3A_167 : i32
      %rem3A_169 = arith.remsi %multiple_of3A_151, %jit3A_152 : i32
      %ne3A_170 = arith.constant 0 : i32
      %ne3A_171 = arith.cmpi ne, %rem3A_169, %ne3A_170 : i32
      %and3A_172 = arith.andi %ne3A_168, %ne3A_171 : i1
      %sub3A_173 = arith.constant 1 : i32
      %sub3A_174 = arith.subi %div3A_153, %sub3A_173 : i32
      %select_n3A_175 = arith.select %and3A_172, %sub3A_174, %div3A_153 : i32
      %multiple_of3A_176 = tpu.assume_multiple %select_n3A_175, 1024 : i32
      %dma_start3A_177 = tpu.memref_slice %arg3[%multiple_of3A_133, %multiple_of3A_176] : memref<8192x2048xf32, #tpu.memory_space<hbm>> -> memref<8x1024xf32, #tpu.memory_space<hbm>>
      %dma_start3A_178 = tpu.memref_slice %arg3[%multiple_of3A_133, %multiple_of3A_176] : memref<8192x2048xf32, #tpu.memory_space<hbm>> -> memref<8x1024xf32, #tpu.memory_space<hbm>>
      tpu.enqueue_dma source(%arg6 : memref<8x1024xf32, #tpu.memory_space<vmem>>) target(%dma_start3A_178 : memref<8x1024xf32, #tpu.memory_space<hbm>>) target_semaphore(%arg10 : memref<!tpu.dma_semaphore, #tpu.memory_space<semaphore_mem>>)
      %mul3A_179 = arith.constant 2 : i32
      %mul3A_180 = arith.muli %mul3A_179, %scan3A_30 : i32
      %add3A_181 = arith.constant 0 : i32
      %add3A_182 = arith.addi %add3A_181, %mul3A_180 : i32
      %add3A_183 = arith.constant 1 : i32
      %add3A_184 = arith.addi %add3A_182, %add3A_183 : i32
      %add3A_185 = arith.constant 1 : i32
      %add3A_186 = arith.addi %add3A_184, %add3A_185 : i32
      %lt3A_187 = arith.constant 64 : i32
      %lt3A_188 = arith.cmpi slt, %add3A_186, %lt3A_187 : i32
      %convert_element_type3A_189 = arith.extui %lt3A_188 : i1 to i32
      %cond3A_190 = arith.constant 0 : i32
      %cond3A_191 = arith.cmpi ne, %convert_element_type3A_189, %cond3A_190 : i32
      scf.if %cond3A_191 {
        %add3A_341 = arith.constant 1 : i32
        %add3A_342 = arith.addi %add3A_184, %add3A_341 : i32
        %jit3A_343 = arith.constant 2 : i32
        %div3A_344 = arith.divsi %add3A_342, %jit3A_343 : i32
        %sign3A_345 = arith.constant 0 : i32
        %sign3A_346 = arith.cmpi sgt, %add3A_342, %sign3A_345 : i32
        %sign3A_347 = arith.extui %sign3A_346 : i1 to i32
        %sign3A_348 = arith.constant 0 : i32
        %sign3A_349 = arith.cmpi slt, %add3A_342, %sign3A_348 : i32
        %sign3A_350 = arith.extui %sign3A_349 : i1 to i32
        %sign3A_351 = arith.subi %sign3A_347, %sign3A_350 : i32
        %sign3A_352 = arith.constant 0 : i32
        %sign3A_353 = arith.cmpi sgt, %jit3A_343, %sign3A_352 : i32
        %sign3A_354 = arith.extui %sign3A_353 : i1 to i32
        %sign3A_355 = arith.constant 0 : i32
        %sign3A_356 = arith.cmpi slt, %jit3A_343, %sign3A_355 : i32
        %sign3A_357 = arith.extui %sign3A_356 : i1 to i32
        %sign3A_358 = arith.subi %sign3A_354, %sign3A_357 : i32
        %ne3A_359 = arith.cmpi ne, %sign3A_351, %sign3A_358 : i32
        %rem3A_360 = arith.remsi %add3A_342, %jit3A_343 : i32
        %ne3A_361 = arith.constant 0 : i32
        %ne3A_362 = arith.cmpi ne, %rem3A_360, %ne3A_361 : i32
        %and3A_363 = arith.andi %ne3A_359, %ne3A_362 : i1
        %sub3A_364 = arith.constant 1 : i32
        %sub3A_365 = arith.subi %div3A_344, %sub3A_364 : i32
        %select_n3A_366 = arith.select %and3A_363, %sub3A_365, %div3A_344 : i32
        %mul3A_367 = arith.constant 8 : i32
        %mul3A_368 = arith.muli %select_n3A_366, %mul3A_367 : i32
        %add3A_369 = arith.addi %mul3A_2, %mul3A_368 : i32
        %multiple_of3A_370 = tpu.assume_multiple %add3A_369, 8 : i32
        %jit3A_371 = arith.constant 2 : i32
        %eq3A_372 = arith.constant 0 : i32
        %eq3A_373 = arith.cmpi eq, %jit3A_371, %eq3A_372 : i32
        %jit3A_374 = arith.constant 1 : i32
        %select_n3A_375 = arith.select %eq3A_373, %jit3A_374, %jit3A_371 : i32
        %rem3A_376 = arith.remsi %add3A_342, %select_n3A_375 : i32
        %ne3A_377 = arith.constant 0 : i32
        %ne3A_378 = arith.cmpi ne, %rem3A_376, %ne3A_377 : i32
        %lt3A_379 = arith.constant 0 : i32
        %lt3A_380 = arith.cmpi slt, %rem3A_376, %lt3A_379 : i32
        %lt3A_381 = arith.constant 0 : i32
        %lt3A_382 = arith.cmpi slt, %select_n3A_375, %lt3A_381 : i32
        %ne3A_383 = arith.xori %lt3A_380, %lt3A_382 : i1
        %and3A_384 = arith.andi %ne3A_383, %ne3A_378 : i1
        %add3A_385 = arith.addi %rem3A_376, %select_n3A_375 : i32
        %select_n3A_386 = arith.select %and3A_384, %add3A_385, %rem3A_376 : i32
        %mul3A_387 = arith.constant 4096 : i32
        %mul3A_388 = arith.muli %select_n3A_386, %mul3A_387 : i32
        %multiple_of3A_389 = tpu.assume_multiple %mul3A_388, 4096 : i32
        %dma_start3A_390 = tpu.memref_slice %arg2[%multiple_of3A_370, %multiple_of3A_389] : memref<8192x8192xf32, #tpu.memory_space<hbm>> -> memref<8x4096xf32, #tpu.memory_space<hbm>>
        %dma_start3A_391 = tpu.memref_slice %arg2[%multiple_of3A_370, %multiple_of3A_389] : memref<8192x8192xf32, #tpu.memory_space<hbm>> -> memref<8x4096xf32, #tpu.memory_space<hbm>>
        tpu.enqueue_dma source(%dma_start3A_391 : memref<8x4096xf32, #tpu.memory_space<hbm>>) target(%arg4 : memref<8x4096xf32, #tpu.memory_space<vmem>>) target_semaphore(%arg8 : memref<!tpu.dma_semaphore, #tpu.memory_space<semaphore_mem>>)
      } else {
      }
      %dma_wait3A_192 = arith.constant 0 : i32
      %dma_wait3A_193 = arith.constant 0 : i32
      %dma_wait3A_194 = tpu.memref_slice %arg2[%dma_wait3A_192, %dma_wait3A_193] : memref<8192x8192xf32, #tpu.memory_space<hbm>> -> memref<8x4096xf32, #tpu.memory_space<hbm>>
      %dma_wait3A_195 = arith.constant 0 : i32
      %dma_wait3A_196 = arith.constant 0 : i32
      %dma_wait3A_197 = tpu.memref_slice %arg2[%dma_wait3A_195, %dma_wait3A_196] : memref<8192x8192xf32, #tpu.memory_space<hbm>> -> memref<8x4096xf32, #tpu.memory_space<hbm>>
      tpu.wait_dma2 semaphore(%arg9 : memref<!tpu.dma_semaphore, #tpu.memory_space<semaphore_mem>>) src(%dma_wait3A_197 : memref<8x4096xf32, #tpu.memory_space<hbm>>) dst(%arg5 : memref<8x4096xf32, #tpu.memory_space<vmem>>)
      %ge3A_198 = arith.constant 2 : i32
      %ge3A_199 = arith.cmpi sge, %add3A_184, %ge3A_198 : i32
      %convert_element_type3A_200 = arith.extui %ge3A_199 : i1 to i32
      %cond3A_201 = arith.constant 0 : i32
      %cond3A_202 = arith.cmpi ne, %convert_element_type3A_200, %cond3A_201 : i32
      scf.if %cond3A_202 {
        %dma_wait3A_341 = arith.constant 0 : i32
        %dma_wait3A_342 = arith.constant 0 : i32
        %dma_wait3A_343 = tpu.memref_slice %arg3[%dma_wait3A_341, %dma_wait3A_342] : memref<8192x2048xf32, #tpu.memory_space<hbm>> -> memref<8x1024xf32, #tpu.memory_space<hbm>>
        %dma_wait3A_344 = arith.constant 0 : i32
        %dma_wait3A_345 = arith.constant 0 : i32
        %dma_wait3A_346 = tpu.memref_slice %arg3[%dma_wait3A_344, %dma_wait3A_345] : memref<8192x2048xf32, #tpu.memory_space<hbm>> -> memref<8x1024xf32, #tpu.memory_space<hbm>>
        tpu.wait_dma2 semaphore(%arg11 : memref<!tpu.dma_semaphore, #tpu.memory_space<semaphore_mem>>) src(%arg7 : memref<8x1024xf32, #tpu.memory_space<vmem>>) dst(%dma_wait3A_346 : memref<8x1024xf32, #tpu.memory_space<hbm>>)
      } else {
      }
      %broadcast_in_dim3A_203 = arith.constant 0 : i32
      %broadcast_in_dim3A_204 = vector.broadcast %broadcast_in_dim3A_203 : i32 to vector<16xi32>
      %scan3A_205 = arith.constant 0 : i32
      %scan3A_206 = arith.constant 0 : i32
      %scan3A_207 = arith.constant 64 : i32
      %scan3A_208 = arith.addi %scan3A_206, %scan3A_207 : i32
      %scan3A_209 = arith.constant 8 : i32
      scf.for %scan3A_341 = %scan3A_206 to %scan3A_208 step %scan3A_209  : i32 {
        %mul3A_342 = arith.constant 64 : i32
        %mul3A_343 = arith.muli %scan3A_341, %mul3A_342 : i32
        %add3A_344 = vector.broadcast %mul3A_343 : i32 to vector<16xi32>
        %add3A_345 = arith.addi %add3A_8, %add3A_344 : vector<16xi32>
        %gather3A = tpu.vector_load_idx %arg5[%broadcast_in_dim3A_204, %add3A_345] : memref<8x4096xf32, #tpu.memory_space<vmem>>[vector<16xi32>, vector<16xi32>], vector<16xf32>,
        %mul3A_346 = arith.constant 16 : i32
        %mul3A_347 = arith.muli %scan3A_341, %mul3A_346 : i32
        %swap3A = arith.constant 0 : i32
        %swap3A_348 = arith.index_cast %swap3A : i32 to index
        %swap3A_349 = arith.index_cast %mul3A_347 : i32 to index
        %swap3A_350 = tpu.vector_load %arg7[%swap3A_348, %swap3A_349] {strides = array<i32>} : memref<8x1024xf32, #tpu.memory_space<vmem>>, vector<16xf32>,
        tpu.vector_store %arg7[%swap3A_348, %swap3A_349], %gather3A {strides = array<i32>} : memref<8x1024xf32, #tpu.memory_space<vmem>>, vector<16xf32>,
        %scan3A_351 = arith.constant 1 : i32
        %scan3A_352 = arith.addi %scan3A_341, %scan3A_351 : i32
        %mul3A_353 = arith.constant 64 : i32
        %mul3A_354 = arith.muli %scan3A_352, %mul3A_353 : i32
        %add3A_355 = vector.broadcast %mul3A_354 : i32 to vector<16xi32>
        %add3A_356 = arith.addi %add3A_8, %add3A_355 : vector<16xi32>
        %gather3A_357 = tpu.vector_load_idx %arg5[%broadcast_in_dim3A_204, %add3A_356] : memref<8x4096xf32, #tpu.memory_space<vmem>>[vector<16xi32>, vector<16xi32>], vector<16xf32>,
        %mul3A_358 = arith.constant 16 : i32
        %mul3A_359 = arith.muli %scan3A_352, %mul3A_358 : i32
        %swap3A_360 = arith.constant 0 : i32
        %swap3A_361 = arith.index_cast %swap3A_360 : i32 to index
        %swap3A_362 = arith.index_cast %mul3A_359 : i32 to index
        %swap3A_363 = tpu.vector_load %arg7[%swap3A_361, %swap3A_362] {strides = array<i32>} : memref<8x1024xf32, #tpu.memory_space<vmem>>, vector<16xf32>,
        tpu.vector_store %arg7[%swap3A_361, %swap3A_362], %gather3A_357 {strides = array<i32>} : memref<8x1024xf32, #tpu.memory_space<vmem>>, vector<16xf32>,
        %scan3A_364 = arith.constant 2 : i32
        %scan3A_365 = arith.addi %scan3A_341, %scan3A_364 : i32
        %mul3A_366 = arith.constant 64 : i32
        %mul3A_367 = arith.muli %scan3A_365, %mul3A_366 : i32
        %add3A_368 = vector.broadcast %mul3A_367 : i32 to vector<16xi32>
        %add3A_369 = arith.addi %add3A_8, %add3A_368 : vector<16xi32>
        %gather3A_370 = tpu.vector_load_idx %arg5[%broadcast_in_dim3A_204, %add3A_369] : memref<8x4096xf32, #tpu.memory_space<vmem>>[vector<16xi32>, vector<16xi32>], vector<16xf32>,
        %mul3A_371 = arith.constant 16 : i32
        %mul3A_372 = arith.muli %scan3A_365, %mul3A_371 : i32
        %swap3A_373 = arith.constant 0 : i32
        %swap3A_374 = arith.index_cast %swap3A_373 : i32 to index
        %swap3A_375 = arith.index_cast %mul3A_372 : i32 to index
        %swap3A_376 = tpu.vector_load %arg7[%swap3A_374, %swap3A_375] {strides = array<i32>} : memref<8x1024xf32, #tpu.memory_space<vmem>>, vector<16xf32>,
        tpu.vector_store %arg7[%swap3A_374, %swap3A_375], %gather3A_370 {strides = array<i32>} : memref<8x1024xf32, #tpu.memory_space<vmem>>, vector<16xf32>,
        %scan3A_377 = arith.constant 3 : i32
        %scan3A_378 = arith.addi %scan3A_341, %scan3A_377 : i32
        %mul3A_379 = arith.constant 64 : i32
        %mul3A_380 = arith.muli %scan3A_378, %mul3A_379 : i32
        %add3A_381 = vector.broadcast %mul3A_380 : i32 to vector<16xi32>
        %add3A_382 = arith.addi %add3A_8, %add3A_381 : vector<16xi32>
        %gather3A_383 = tpu.vector_load_idx %arg5[%broadcast_in_dim3A_204, %add3A_382] : memref<8x4096xf32, #tpu.memory_space<vmem>>[vector<16xi32>, vector<16xi32>], vector<16xf32>,
        %mul3A_384 = arith.constant 16 : i32
        %mul3A_385 = arith.muli %scan3A_378, %mul3A_384 : i32
        %swap3A_386 = arith.constant 0 : i32
        %swap3A_387 = arith.index_cast %swap3A_386 : i32 to index
        %swap3A_388 = arith.index_cast %mul3A_385 : i32 to index
        %swap3A_389 = tpu.vector_load %arg7[%swap3A_387, %swap3A_388] {strides = array<i32>} : memref<8x1024xf32, #tpu.memory_space<vmem>>, vector<16xf32>,
        tpu.vector_store %arg7[%swap3A_387, %swap3A_388], %gather3A_383 {strides = array<i32>} : memref<8x1024xf32, #tpu.memory_space<vmem>>, vector<16xf32>,
        %scan3A_390 = arith.constant 4 : i32
        %scan3A_391 = arith.addi %scan3A_341, %scan3A_390 : i32
        %mul3A_392 = arith.constant 64 : i32
        %mul3A_393 = arith.muli %scan3A_391, %mul3A_392 : i32
        %add3A_394 = vector.broadcast %mul3A_393 : i32 to vector<16xi32>
        %add3A_395 = arith.addi %add3A_8, %add3A_394 : vector<16xi32>
        %gather3A_396 = tpu.vector_load_idx %arg5[%broadcast_in_dim3A_204, %add3A_395] : memref<8x4096xf32, #tpu.memory_space<vmem>>[vector<16xi32>, vector<16xi32>], vector<16xf32>,
        %mul3A_397 = arith.constant 16 : i32
        %mul3A_398 = arith.muli %scan3A_391, %mul3A_397 : i32
        %swap3A_399 = arith.constant 0 : i32
        %swap3A_400 = arith.index_cast %swap3A_399 : i32 to index
        %swap3A_401 = arith.index_cast %mul3A_398 : i32 to index
        %swap3A_402 = tpu.vector_load %arg7[%swap3A_400, %swap3A_401] {strides = array<i32>} : memref<8x1024xf32, #tpu.memory_space<vmem>>, vector<16xf32>,
        tpu.vector_store %arg7[%swap3A_400, %swap3A_401], %gather3A_396 {strides = array<i32>} : memref<8x1024xf32, #tpu.memory_space<vmem>>, vector<16xf32>,
        %scan3A_403 = arith.constant 5 : i32
        %scan3A_404 = arith.addi %scan3A_341, %scan3A_403 : i32
        %mul3A_405 = arith.constant 64 : i32
        %mul3A_406 = arith.muli %scan3A_404, %mul3A_405 : i32
        %add3A_407 = vector.broadcast %mul3A_406 : i32 to vector<16xi32>
        %add3A_408 = arith.addi %add3A_8, %add3A_407 : vector<16xi32>
        %gather3A_409 = tpu.vector_load_idx %arg5[%broadcast_in_dim3A_204, %add3A_408] : memref<8x4096xf32, #tpu.memory_space<vmem>>[vector<16xi32>, vector<16xi32>], vector<16xf32>,
        %mul3A_410 = arith.constant 16 : i32
        %mul3A_411 = arith.muli %scan3A_404, %mul3A_410 : i32
        %swap3A_412 = arith.constant 0 : i32
        %swap3A_413 = arith.index_cast %swap3A_412 : i32 to index
        %swap3A_414 = arith.index_cast %mul3A_411 : i32 to index
        %swap3A_415 = tpu.vector_load %arg7[%swap3A_413, %swap3A_414] {strides = array<i32>} : memref<8x1024xf32, #tpu.memory_space<vmem>>, vector<16xf32>,
        tpu.vector_store %arg7[%swap3A_413, %swap3A_414], %gather3A_409 {strides = array<i32>} : memref<8x1024xf32, #tpu.memory_space<vmem>>, vector<16xf32>,
        %scan3A_416 = arith.constant 6 : i32
        %scan3A_417 = arith.addi %scan3A_341, %scan3A_416 : i32
        %mul3A_418 = arith.constant 64 : i32
        %mul3A_419 = arith.muli %scan3A_417, %mul3A_418 : i32
        %add3A_420 = vector.broadcast %mul3A_419 : i32 to vector<16xi32>
        %add3A_421 = arith.addi %add3A_8, %add3A_420 : vector<16xi32>
        %gather3A_422 = tpu.vector_load_idx %arg5[%broadcast_in_dim3A_204, %add3A_421] : memref<8x4096xf32, #tpu.memory_space<vmem>>[vector<16xi32>, vector<16xi32>], vector<16xf32>,
        %mul3A_423 = arith.constant 16 : i32
        %mul3A_424 = arith.muli %scan3A_417, %mul3A_423 : i32
        %swap3A_425 = arith.constant 0 : i32
        %swap3A_426 = arith.index_cast %swap3A_425 : i32 to index
        %swap3A_427 = arith.index_cast %mul3A_424 : i32 to index
        %swap3A_428 = tpu.vector_load %arg7[%swap3A_426, %swap3A_427] {strides = array<i32>} : memref<8x1024xf32, #tpu.memory_space<vmem>>, vector<16xf32>,
        tpu.vector_store %arg7[%swap3A_426, %swap3A_427], %gather3A_422 {strides = array<i32>} : memref<8x1024xf32, #tpu.memory_space<vmem>>, vector<16xf32>,
        %scan3A_429 = arith.constant 7 : i32
        %scan3A_430 = arith.addi %scan3A_341, %scan3A_429 : i32
        %mul3A_431 = arith.constant 64 : i32
        %mul3A_432 = arith.muli %scan3A_430, %mul3A_431 : i32
        %add3A_433 = vector.broadcast %mul3A_432 : i32 to vector<16xi32>
        %add3A_434 = arith.addi %add3A_8, %add3A_433 : vector<16xi32>
        %gather3A_435 = tpu.vector_load_idx %arg5[%broadcast_in_dim3A_204, %add3A_434] : memref<8x4096xf32, #tpu.memory_space<vmem>>[vector<16xi32>, vector<16xi32>], vector<16xf32>,
        %mul3A_436 = arith.constant 16 : i32
        %mul3A_437 = arith.muli %scan3A_430, %mul3A_436 : i32
        %swap3A_438 = arith.constant 0 : i32
        %swap3A_439 = arith.index_cast %swap3A_438 : i32 to index
        %swap3A_440 = arith.index_cast %mul3A_437 : i32 to index
        %swap3A_441 = tpu.vector_load %arg7[%swap3A_439, %swap3A_440] {strides = array<i32>} : memref<8x1024xf32, #tpu.memory_space<vmem>>, vector<16xf32>,
        tpu.vector_store %arg7[%swap3A_439, %swap3A_440], %gather3A_435 {strides = array<i32>} : memref<8x1024xf32, #tpu.memory_space<vmem>>, vector<16xf32>,
      }
      %scan3A_210 = arith.constant 64 : i32
      %broadcast_in_dim3A_211 = arith.constant 1 : i32
      %broadcast_in_dim3A_212 = vector.broadcast %broadcast_in_dim3A_211 : i32 to vector<16xi32>
      %scan3A_213 = arith.constant 0 : i32
      %scan3A_214 = arith.constant 0 : i32
      %scan3A_215 = arith.constant 64 : i32
      %scan3A_216 = arith.addi %scan3A_214, %scan3A_215 : i32
      %scan3A_217 = arith.constant 8 : i32
      scf.for %scan3A_341 = %scan3A_214 to %scan3A_216 step %scan3A_217  : i32 {
        %mul3A_342 = arith.constant 64 : i32
        %mul3A_343 = arith.muli %scan3A_341, %mul3A_342 : i32
        %add3A_344 = vector.broadcast %mul3A_343 : i32 to vector<16xi32>
        %add3A_345 = arith.addi %add3A_8, %add3A_344 : vector<16xi32>
        %gather3A = tpu.vector_load_idx %arg5[%broadcast_in_dim3A_212, %add3A_345] : memref<8x4096xf32, #tpu.memory_space<vmem>>[vector<16xi32>, vector<16xi32>], vector<16xf32>,
        %mul3A_346 = arith.constant 16 : i32
        %mul3A_347 = arith.muli %scan3A_341, %mul3A_346 : i32
        %swap3A = arith.constant 1 : i32
        %swap3A_348 = arith.index_cast %swap3A : i32 to index
        %swap3A_349 = arith.index_cast %mul3A_347 : i32 to index
        %swap3A_350 = tpu.vector_load %arg7[%swap3A_348, %swap3A_349] {strides = array<i32>} : memref<8x1024xf32, #tpu.memory_space<vmem>>, vector<16xf32>,
        tpu.vector_store %arg7[%swap3A_348, %swap3A_349], %gather3A {strides = array<i32>} : memref<8x1024xf32, #tpu.memory_space<vmem>>, vector<16xf32>,
        %scan3A_351 = arith.constant 1 : i32
        %scan3A_352 = arith.addi %scan3A_341, %scan3A_351 : i32
        %mul3A_353 = arith.constant 64 : i32
        %mul3A_354 = arith.muli %scan3A_352, %mul3A_353 : i32
        %add3A_355 = vector.broadcast %mul3A_354 : i32 to vector<16xi32>
        %add3A_356 = arith.addi %add3A_8, %add3A_355 : vector<16xi32>
        %gather3A_357 = tpu.vector_load_idx %arg5[%broadcast_in_dim3A_212, %add3A_356] : memref<8x4096xf32, #tpu.memory_space<vmem>>[vector<16xi32>, vector<16xi32>], vector<16xf32>,
        %mul3A_358 = arith.constant 16 : i32
        %mul3A_359 = arith.muli %scan3A_352, %mul3A_358 : i32
        %swap3A_360 = arith.constant 1 : i32
        %swap3A_361 = arith.index_cast %swap3A_360 : i32 to index
        %swap3A_362 = arith.index_cast %mul3A_359 : i32 to index
        %swap3A_363 = tpu.vector_load %arg7[%swap3A_361, %swap3A_362] {strides = array<i32>} : memref<8x1024xf32, #tpu.memory_space<vmem>>, vector<16xf32>,
        tpu.vector_store %arg7[%swap3A_361, %swap3A_362], %gather3A_357 {strides = array<i32>} : memref<8x1024xf32, #tpu.memory_space<vmem>>, vector<16xf32>,
        %scan3A_364 = arith.constant 2 : i32
        %scan3A_365 = arith.addi %scan3A_341, %scan3A_364 : i32
        %mul3A_366 = arith.constant 64 : i32
        %mul3A_367 = arith.muli %scan3A_365, %mul3A_366 : i32
        %add3A_368 = vector.broadcast %mul3A_367 : i32 to vector<16xi32>
        %add3A_369 = arith.addi %add3A_8, %add3A_368 : vector<16xi32>
        %gather3A_370 = tpu.vector_load_idx %arg5[%broadcast_in_dim3A_212, %add3A_369] : memref<8x4096xf32, #tpu.memory_space<vmem>>[vector<16xi32>, vector<16xi32>], vector<16xf32>,
        %mul3A_371 = arith.constant 16 : i32
        %mul3A_372 = arith.muli %scan3A_365, %mul3A_371 : i32
        %swap3A_373 = arith.constant 1 : i32
        %swap3A_374 = arith.index_cast %swap3A_373 : i32 to index
        %swap3A_375 = arith.index_cast %mul3A_372 : i32 to index
        %swap3A_376 = tpu.vector_load %arg7[%swap3A_374, %swap3A_375] {strides = array<i32>} : memref<8x1024xf32, #tpu.memory_space<vmem>>, vector<16xf32>,
        tpu.vector_store %arg7[%swap3A_374, %swap3A_375], %gather3A_370 {strides = array<i32>} : memref<8x1024xf32, #tpu.memory_space<vmem>>, vector<16xf32>,
        %scan3A_377 = arith.constant 3 : i32
        %scan3A_378 = arith.addi %scan3A_341, %scan3A_377 : i32
        %mul3A_379 = arith.constant 64 : i32
        %mul3A_380 = arith.muli %scan3A_378, %mul3A_379 : i32
        %add3A_381 = vector.broadcast %mul3A_380 : i32 to vector<16xi32>
        %add3A_382 = arith.addi %add3A_8, %add3A_381 : vector<16xi32>
        %gather3A_383 = tpu.vector_load_idx %arg5[%broadcast_in_dim3A_212, %add3A_382] : memref<8x4096xf32, #tpu.memory_space<vmem>>[vector<16xi32>, vector<16xi32>], vector<16xf32>,
        %mul3A_384 = arith.constant 16 : i32
        %mul3A_385 = arith.muli %scan3A_378, %mul3A_384 : i32
        %swap3A_386 = arith.constant 1 : i32
        %swap3A_387 = arith.index_cast %swap3A_386 : i32 to index
        %swap3A_388 = arith.index_cast %mul3A_385 : i32 to index
        %swap3A_389 = tpu.vector_load %arg7[%swap3A_387, %swap3A_388] {strides = array<i32>} : memref<8x1024xf32, #tpu.memory_space<vmem>>, vector<16xf32>,
        tpu.vector_store %arg7[%swap3A_387, %swap3A_388], %gather3A_383 {strides = array<i32>} : memref<8x1024xf32, #tpu.memory_space<vmem>>, vector<16xf32>,
        %scan3A_390 = arith.constant 4 : i32
        %scan3A_391 = arith.addi %scan3A_341, %scan3A_390 : i32
        %mul3A_392 = arith.constant 64 : i32
        %mul3A_393 = arith.muli %scan3A_391, %mul3A_392 : i32
        %add3A_394 = vector.broadcast %mul3A_393 : i32 to vector<16xi32>
        %add3A_395 = arith.addi %add3A_8, %add3A_394 : vector<16xi32>
        %gather3A_396 = tpu.vector_load_idx %arg5[%broadcast_in_dim3A_212, %add3A_395] : memref<8x4096xf32, #tpu.memory_space<vmem>>[vector<16xi32>, vector<16xi32>], vector<16xf32>,
        %mul3A_397 = arith.constant 16 : i32
        %mul3A_398 = arith.muli %scan3A_391, %mul3A_397 : i32
        %swap3A_399 = arith.constant 1 : i32
        %swap3A_400 = arith.index_cast %swap3A_399 : i32 to index
        %swap3A_401 = arith.index_cast %mul3A_398 : i32 to index
        %swap3A_402 = tpu.vector_load %arg7[%swap3A_400, %swap3A_401] {strides = array<i32>} : memref<8x1024xf32, #tpu.memory_space<vmem>>, vector<16xf32>,
        tpu.vector_store %arg7[%swap3A_400, %swap3A_401], %gather3A_396 {strides = array<i32>} : memref<8x1024xf32, #tpu.memory_space<vmem>>, vector<16xf32>,
        %scan3A_403 = arith.constant 5 : i32
        %scan3A_404 = arith.addi %scan3A_341, %scan3A_403 : i32
        %mul3A_405 = arith.constant 64 : i32
        %mul3A_406 = arith.muli %scan3A_404, %mul3A_405 : i32
        %add3A_407 = vector.broadcast %mul3A_406 : i32 to vector<16xi32>
        %add3A_408 = arith.addi %add3A_8, %add3A_407 : vector<16xi32>
        %gather3A_409 = tpu.vector_load_idx %arg5[%broadcast_in_dim3A_212, %add3A_408] : memref<8x4096xf32, #tpu.memory_space<vmem>>[vector<16xi32>, vector<16xi32>], vector<16xf32>,
        %mul3A_410 = arith.constant 16 : i32
        %mul3A_411 = arith.muli %scan3A_404, %mul3A_410 : i32
        %swap3A_412 = arith.constant 1 : i32
        %swap3A_413 = arith.index_cast %swap3A_412 : i32 to index
        %swap3A_414 = arith.index_cast %mul3A_411 : i32 to index
        %swap3A_415 = tpu.vector_load %arg7[%swap3A_413, %swap3A_414] {strides = array<i32>} : memref<8x1024xf32, #tpu.memory_space<vmem>>, vector<16xf32>,
        tpu.vector_store %arg7[%swap3A_413, %swap3A_414], %gather3A_409 {strides = array<i32>} : memref<8x1024xf32, #tpu.memory_space<vmem>>, vector<16xf32>,
        %scan3A_416 = arith.constant 6 : i32
        %scan3A_417 = arith.addi %scan3A_341, %scan3A_416 : i32
        %mul3A_418 = arith.constant 64 : i32
        %mul3A_419 = arith.muli %scan3A_417, %mul3A_418 : i32
        %add3A_420 = vector.broadcast %mul3A_419 : i32 to vector<16xi32>
        %add3A_421 = arith.addi %add3A_8, %add3A_420 : vector<16xi32>
        %gather3A_422 = tpu.vector_load_idx %arg5[%broadcast_in_dim3A_212, %add3A_421] : memref<8x4096xf32, #tpu.memory_space<vmem>>[vector<16xi32>, vector<16xi32>], vector<16xf32>,
        %mul3A_423 = arith.constant 16 : i32
        %mul3A_424 = arith.muli %scan3A_417, %mul3A_423 : i32
        %swap3A_425 = arith.constant 1 : i32
        %swap3A_426 = arith.index_cast %swap3A_425 : i32 to index
        %swap3A_427 = arith.index_cast %mul3A_424 : i32 to index
        %swap3A_428 = tpu.vector_load %arg7[%swap3A_426, %swap3A_427] {strides = array<i32>} : memref<8x1024xf32, #tpu.memory_space<vmem>>, vector<16xf32>,
        tpu.vector_store %arg7[%swap3A_426, %swap3A_427], %gather3A_422 {strides = array<i32>} : memref<8x1024xf32, #tpu.memory_space<vmem>>, vector<16xf32>,
        %scan3A_429 = arith.constant 7 : i32
        %scan3A_430 = arith.addi %scan3A_341, %scan3A_429 : i32
        %mul3A_431 = arith.constant 64 : i32
        %mul3A_432 = arith.muli %scan3A_430, %mul3A_431 : i32
        %add3A_433 = vector.broadcast %mul3A_432 : i32 to vector<16xi32>
        %add3A_434 = arith.addi %add3A_8, %add3A_433 : vector<16xi32>
        %gather3A_435 = tpu.vector_load_idx %arg5[%broadcast_in_dim3A_212, %add3A_434] : memref<8x4096xf32, #tpu.memory_space<vmem>>[vector<16xi32>, vector<16xi32>], vector<16xf32>,
        %mul3A_436 = arith.constant 16 : i32
        %mul3A_437 = arith.muli %scan3A_430, %mul3A_436 : i32
        %swap3A_438 = arith.constant 1 : i32
        %swap3A_439 = arith.index_cast %swap3A_438 : i32 to index
        %swap3A_440 = arith.index_cast %mul3A_437 : i32 to index
        %swap3A_441 = tpu.vector_load %arg7[%swap3A_439, %swap3A_440] {strides = array<i32>} : memref<8x1024xf32, #tpu.memory_space<vmem>>, vector<16xf32>,
        tpu.vector_store %arg7[%swap3A_439, %swap3A_440], %gather3A_435 {strides = array<i32>} : memref<8x1024xf32, #tpu.memory_space<vmem>>, vector<16xf32>,
      }
      %scan3A_218 = arith.constant 64 : i32
      %broadcast_in_dim3A_219 = arith.constant 2 : i32
      %broadcast_in_dim3A_220 = vector.broadcast %broadcast_in_dim3A_219 : i32 to vector<16xi32>
      %scan3A_221 = arith.constant 0 : i32
      %scan3A_222 = arith.constant 0 : i32
      %scan3A_223 = arith.constant 64 : i32
      %scan3A_224 = arith.addi %scan3A_222, %scan3A_223 : i32
      %scan3A_225 = arith.constant 8 : i32
      scf.for %scan3A_341 = %scan3A_222 to %scan3A_224 step %scan3A_225  : i32 {
        %mul3A_342 = arith.constant 64 : i32
        %mul3A_343 = arith.muli %scan3A_341, %mul3A_342 : i32
        %add3A_344 = vector.broadcast %mul3A_343 : i32 to vector<16xi32>
        %add3A_345 = arith.addi %add3A_8, %add3A_344 : vector<16xi32>
        %gather3A = tpu.vector_load_idx %arg5[%broadcast_in_dim3A_220, %add3A_345] : memref<8x4096xf32, #tpu.memory_space<vmem>>[vector<16xi32>, vector<16xi32>], vector<16xf32>,
        %mul3A_346 = arith.constant 16 : i32
        %mul3A_347 = arith.muli %scan3A_341, %mul3A_346 : i32
        %swap3A = arith.constant 2 : i32
        %swap3A_348 = arith.index_cast %swap3A : i32 to index
        %swap3A_349 = arith.index_cast %mul3A_347 : i32 to index
        %swap3A_350 = tpu.vector_load %arg7[%swap3A_348, %swap3A_349] {strides = array<i32>} : memref<8x1024xf32, #tpu.memory_space<vmem>>, vector<16xf32>,
        tpu.vector_store %arg7[%swap3A_348, %swap3A_349], %gather3A {strides = array<i32>} : memref<8x1024xf32, #tpu.memory_space<vmem>>, vector<16xf32>,
        %scan3A_351 = arith.constant 1 : i32
        %scan3A_352 = arith.addi %scan3A_341, %scan3A_351 : i32
        %mul3A_353 = arith.constant 64 : i32
        %mul3A_354 = arith.muli %scan3A_352, %mul3A_353 : i32
        %add3A_355 = vector.broadcast %mul3A_354 : i32 to vector<16xi32>
        %add3A_356 = arith.addi %add3A_8, %add3A_355 : vector<16xi32>
        %gather3A_357 = tpu.vector_load_idx %arg5[%broadcast_in_dim3A_220, %add3A_356] : memref<8x4096xf32, #tpu.memory_space<vmem>>[vector<16xi32>, vector<16xi32>], vector<16xf32>,
        %mul3A_358 = arith.constant 16 : i32
        %mul3A_359 = arith.muli %scan3A_352, %mul3A_358 : i32
        %swap3A_360 = arith.constant 2 : i32
        %swap3A_361 = arith.index_cast %swap3A_360 : i32 to index
        %swap3A_362 = arith.index_cast %mul3A_359 : i32 to index
        %swap3A_363 = tpu.vector_load %arg7[%swap3A_361, %swap3A_362] {strides = array<i32>} : memref<8x1024xf32, #tpu.memory_space<vmem>>, vector<16xf32>,
        tpu.vector_store %arg7[%swap3A_361, %swap3A_362], %gather3A_357 {strides = array<i32>} : memref<8x1024xf32, #tpu.memory_space<vmem>>, vector<16xf32>,
        %scan3A_364 = arith.constant 2 : i32
        %scan3A_365 = arith.addi %scan3A_341, %scan3A_364 : i32
        %mul3A_366 = arith.constant 64 : i32
        %mul3A_367 = arith.muli %scan3A_365, %mul3A_366 : i32
        %add3A_368 = vector.broadcast %mul3A_367 : i32 to vector<16xi32>
        %add3A_369 = arith.addi %add3A_8, %add3A_368 : vector<16xi32>
        %gather3A_370 = tpu.vector_load_idx %arg5[%broadcast_in_dim3A_220, %add3A_369] : memref<8x4096xf32, #tpu.memory_space<vmem>>[vector<16xi32>, vector<16xi32>], vector<16xf32>,
        %mul3A_371 = arith.constant 16 : i32
        %mul3A_372 = arith.muli %scan3A_365, %mul3A_371 : i32
        %swap3A_373 = arith.constant 2 : i32
        %swap3A_374 = arith.index_cast %swap3A_373 : i32 to index
        %swap3A_375 = arith.index_cast %mul3A_372 : i32 to index
        %swap3A_376 = tpu.vector_load %arg7[%swap3A_374, %swap3A_375] {strides = array<i32>} : memref<8x1024xf32, #tpu.memory_space<vmem>>, vector<16xf32>,
        tpu.vector_store %arg7[%swap3A_374, %swap3A_375], %gather3A_370 {strides = array<i32>} : memref<8x1024xf32, #tpu.memory_space<vmem>>, vector<16xf32>,
        %scan3A_377 = arith.constant 3 : i32
        %scan3A_378 = arith.addi %scan3A_341, %scan3A_377 : i32
        %mul3A_379 = arith.constant 64 : i32
        %mul3A_380 = arith.muli %scan3A_378, %mul3A_379 : i32
        %add3A_381 = vector.broadcast %mul3A_380 : i32 to vector<16xi32>
        %add3A_382 = arith.addi %add3A_8, %add3A_381 : vector<16xi32>
        %gather3A_383 = tpu.vector_load_idx %arg5[%broadcast_in_dim3A_220, %add3A_382] : memref<8x4096xf32, #tpu.memory_space<vmem>>[vector<16xi32>, vector<16xi32>], vector<16xf32>,
        %mul3A_384 = arith.constant 16 : i32
        %mul3A_385 = arith.muli %scan3A_378, %mul3A_384 : i32
        %swap3A_386 = arith.constant 2 : i32
        %swap3A_387 = arith.index_cast %swap3A_386 : i32 to index
        %swap3A_388 = arith.index_cast %mul3A_385 : i32 to index
        %swap3A_389 = tpu.vector_load %arg7[%swap3A_387, %swap3A_388] {strides = array<i32>} : memref<8x1024xf32, #tpu.memory_space<vmem>>, vector<16xf32>,
        tpu.vector_store %arg7[%swap3A_387, %swap3A_388], %gather3A_383 {strides = array<i32>} : memref<8x1024xf32, #tpu.memory_space<vmem>>, vector<16xf32>,
        %scan3A_390 = arith.constant 4 : i32
        %scan3A_391 = arith.addi %scan3A_341, %scan3A_390 : i32
        %mul3A_392 = arith.constant 64 : i32
        %mul3A_393 = arith.muli %scan3A_391, %mul3A_392 : i32
        %add3A_394 = vector.broadcast %mul3A_393 : i32 to vector<16xi32>
        %add3A_395 = arith.addi %add3A_8, %add3A_394 : vector<16xi32>
        %gather3A_396 = tpu.vector_load_idx %arg5[%broadcast_in_dim3A_220, %add3A_395] : memref<8x4096xf32, #tpu.memory_space<vmem>>[vector<16xi32>, vector<16xi32>], vector<16xf32>,
        %mul3A_397 = arith.constant 16 : i32
        %mul3A_398 = arith.muli %scan3A_391, %mul3A_397 : i32
        %swap3A_399 = arith.constant 2 : i32
        %swap3A_400 = arith.index_cast %swap3A_399 : i32 to index
        %swap3A_401 = arith.index_cast %mul3A_398 : i32 to index
        %swap3A_402 = tpu.vector_load %arg7[%swap3A_400, %swap3A_401] {strides = array<i32>} : memref<8x1024xf32, #tpu.memory_space<vmem>>, vector<16xf32>,
        tpu.vector_store %arg7[%swap3A_400, %swap3A_401], %gather3A_396 {strides = array<i32>} : memref<8x1024xf32, #tpu.memory_space<vmem>>, vector<16xf32>,
        %scan3A_403 = arith.constant 5 : i32
        %scan3A_404 = arith.addi %scan3A_341, %scan3A_403 : i32
        %mul3A_405 = arith.constant 64 : i32
        %mul3A_406 = arith.muli %scan3A_404, %mul3A_405 : i32
        %add3A_407 = vector.broadcast %mul3A_406 : i32 to vector<16xi32>
        %add3A_408 = arith.addi %add3A_8, %add3A_407 : vector<16xi32>
        %gather3A_409 = tpu.vector_load_idx %arg5[%broadcast_in_dim3A_220, %add3A_408] : memref<8x4096xf32, #tpu.memory_space<vmem>>[vector<16xi32>, vector<16xi32>], vector<16xf32>,
        %mul3A_410 = arith.constant 16 : i32
        %mul3A_411 = arith.muli %scan3A_404, %mul3A_410 : i32
        %swap3A_412 = arith.constant 2 : i32
        %swap3A_413 = arith.index_cast %swap3A_412 : i32 to index
        %swap3A_414 = arith.index_cast %mul3A_411 : i32 to index
        %swap3A_415 = tpu.vector_load %arg7[%swap3A_413, %swap3A_414] {strides = array<i32>} : memref<8x1024xf32, #tpu.memory_space<vmem>>, vector<16xf32>,
        tpu.vector_store %arg7[%swap3A_413, %swap3A_414], %gather3A_409 {strides = array<i32>} : memref<8x1024xf32, #tpu.memory_space<vmem>>, vector<16xf32>,
        %scan3A_416 = arith.constant 6 : i32
        %scan3A_417 = arith.addi %scan3A_341, %scan3A_416 : i32
        %mul3A_418 = arith.constant 64 : i32
        %mul3A_419 = arith.muli %scan3A_417, %mul3A_418 : i32
        %add3A_420 = vector.broadcast %mul3A_419 : i32 to vector<16xi32>
        %add3A_421 = arith.addi %add3A_8, %add3A_420 : vector<16xi32>
        %gather3A_422 = tpu.vector_load_idx %arg5[%broadcast_in_dim3A_220, %add3A_421] : memref<8x4096xf32, #tpu.memory_space<vmem>>[vector<16xi32>, vector<16xi32>], vector<16xf32>,
        %mul3A_423 = arith.constant 16 : i32
        %mul3A_424 = arith.muli %scan3A_417, %mul3A_423 : i32
        %swap3A_425 = arith.constant 2 : i32
        %swap3A_426 = arith.index_cast %swap3A_425 : i32 to index
        %swap3A_427 = arith.index_cast %mul3A_424 : i32 to index
        %swap3A_428 = tpu.vector_load %arg7[%swap3A_426, %swap3A_427] {strides = array<i32>} : memref<8x1024xf32, #tpu.memory_space<vmem>>, vector<16xf32>,
        tpu.vector_store %arg7[%swap3A_426, %swap3A_427], %gather3A_422 {strides = array<i32>} : memref<8x1024xf32, #tpu.memory_space<vmem>>, vector<16xf32>,
        %scan3A_429 = arith.constant 7 : i32
        %scan3A_430 = arith.addi %scan3A_341, %scan3A_429 : i32
        %mul3A_431 = arith.constant 64 : i32
        %mul3A_432 = arith.muli %scan3A_430, %mul3A_431 : i32
        %add3A_433 = vector.broadcast %mul3A_432 : i32 to vector<16xi32>
        %add3A_434 = arith.addi %add3A_8, %add3A_433 : vector<16xi32>
        %gather3A_435 = tpu.vector_load_idx %arg5[%broadcast_in_dim3A_220, %add3A_434] : memref<8x4096xf32, #tpu.memory_space<vmem>>[vector<16xi32>, vector<16xi32>], vector<16xf32>,
        %mul3A_436 = arith.constant 16 : i32
        %mul3A_437 = arith.muli %scan3A_430, %mul3A_436 : i32
        %swap3A_438 = arith.constant 2 : i32
        %swap3A_439 = arith.index_cast %swap3A_438 : i32 to index
        %swap3A_440 = arith.index_cast %mul3A_437 : i32 to index
        %swap3A_441 = tpu.vector_load %arg7[%swap3A_439, %swap3A_440] {strides = array<i32>} : memref<8x1024xf32, #tpu.memory_space<vmem>>, vector<16xf32>,
        tpu.vector_store %arg7[%swap3A_439, %swap3A_440], %gather3A_435 {strides = array<i32>} : memref<8x1024xf32, #tpu.memory_space<vmem>>, vector<16xf32>,
      }
      %scan3A_226 = arith.constant 64 : i32
      %broadcast_in_dim3A_227 = arith.constant 3 : i32
      %broadcast_in_dim3A_228 = vector.broadcast %broadcast_in_dim3A_227 : i32 to vector<16xi32>
      %scan3A_229 = arith.constant 0 : i32
      %scan3A_230 = arith.constant 0 : i32
      %scan3A_231 = arith.constant 64 : i32
      %scan3A_232 = arith.addi %scan3A_230, %scan3A_231 : i32
      %scan3A_233 = arith.constant 8 : i32
      scf.for %scan3A_341 = %scan3A_230 to %scan3A_232 step %scan3A_233  : i32 {
        %mul3A_342 = arith.constant 64 : i32
        %mul3A_343 = arith.muli %scan3A_341, %mul3A_342 : i32
        %add3A_344 = vector.broadcast %mul3A_343 : i32 to vector<16xi32>
        %add3A_345 = arith.addi %add3A_8, %add3A_344 : vector<16xi32>
        %gather3A = tpu.vector_load_idx %arg5[%broadcast_in_dim3A_228, %add3A_345] : memref<8x4096xf32, #tpu.memory_space<vmem>>[vector<16xi32>, vector<16xi32>], vector<16xf32>,
        %mul3A_346 = arith.constant 16 : i32
        %mul3A_347 = arith.muli %scan3A_341, %mul3A_346 : i32
        %swap3A = arith.constant 3 : i32
        %swap3A_348 = arith.index_cast %swap3A : i32 to index
        %swap3A_349 = arith.index_cast %mul3A_347 : i32 to index
        %swap3A_350 = tpu.vector_load %arg7[%swap3A_348, %swap3A_349] {strides = array<i32>} : memref<8x1024xf32, #tpu.memory_space<vmem>>, vector<16xf32>,
        tpu.vector_store %arg7[%swap3A_348, %swap3A_349], %gather3A {strides = array<i32>} : memref<8x1024xf32, #tpu.memory_space<vmem>>, vector<16xf32>,
        %scan3A_351 = arith.constant 1 : i32
        %scan3A_352 = arith.addi %scan3A_341, %scan3A_351 : i32
        %mul3A_353 = arith.constant 64 : i32
        %mul3A_354 = arith.muli %scan3A_352, %mul3A_353 : i32
        %add3A_355 = vector.broadcast %mul3A_354 : i32 to vector<16xi32>
        %add3A_356 = arith.addi %add3A_8, %add3A_355 : vector<16xi32>
        %gather3A_357 = tpu.vector_load_idx %arg5[%broadcast_in_dim3A_228, %add3A_356] : memref<8x4096xf32, #tpu.memory_space<vmem>>[vector<16xi32>, vector<16xi32>], vector<16xf32>,
        %mul3A_358 = arith.constant 16 : i32
        %mul3A_359 = arith.muli %scan3A_352, %mul3A_358 : i32
        %swap3A_360 = arith.constant 3 : i32
        %swap3A_361 = arith.index_cast %swap3A_360 : i32 to index
        %swap3A_362 = arith.index_cast %mul3A_359 : i32 to index
        %swap3A_363 = tpu.vector_load %arg7[%swap3A_361, %swap3A_362] {strides = array<i32>} : memref<8x1024xf32, #tpu.memory_space<vmem>>, vector<16xf32>,
        tpu.vector_store %arg7[%swap3A_361, %swap3A_362], %gather3A_357 {strides = array<i32>} : memref<8x1024xf32, #tpu.memory_space<vmem>>, vector<16xf32>,
        %scan3A_364 = arith.constant 2 : i32
        %scan3A_365 = arith.addi %scan3A_341, %scan3A_364 : i32
        %mul3A_366 = arith.constant 64 : i32
        %mul3A_367 = arith.muli %scan3A_365, %mul3A_366 : i32
        %add3A_368 = vector.broadcast %mul3A_367 : i32 to vector<16xi32>
        %add3A_369 = arith.addi %add3A_8, %add3A_368 : vector<16xi32>
        %gather3A_370 = tpu.vector_load_idx %arg5[%broadcast_in_dim3A_228, %add3A_369] : memref<8x4096xf32, #tpu.memory_space<vmem>>[vector<16xi32>, vector<16xi32>], vector<16xf32>,
        %mul3A_371 = arith.constant 16 : i32
        %mul3A_372 = arith.muli %scan3A_365, %mul3A_371 : i32
        %swap3A_373 = arith.constant 3 : i32
        %swap3A_374 = arith.index_cast %swap3A_373 : i32 to index
        %swap3A_375 = arith.index_cast %mul3A_372 : i32 to index
        %swap3A_376 = tpu.vector_load %arg7[%swap3A_374, %swap3A_375] {strides = array<i32>} : memref<8x1024xf32, #tpu.memory_space<vmem>>, vector<16xf32>,
        tpu.vector_store %arg7[%swap3A_374, %swap3A_375], %gather3A_370 {strides = array<i32>} : memref<8x1024xf32, #tpu.memory_space<vmem>>, vector<16xf32>,
        %scan3A_377 = arith.constant 3 : i32
        %scan3A_378 = arith.addi %scan3A_341, %scan3A_377 : i32
        %mul3A_379 = arith.constant 64 : i32
        %mul3A_380 = arith.muli %scan3A_378, %mul3A_379 : i32
        %add3A_381 = vector.broadcast %mul3A_380 : i32 to vector<16xi32>
        %add3A_382 = arith.addi %add3A_8, %add3A_381 : vector<16xi32>
        %gather3A_383 = tpu.vector_load_idx %arg5[%broadcast_in_dim3A_228, %add3A_382] : memref<8x4096xf32, #tpu.memory_space<vmem>>[vector<16xi32>, vector<16xi32>], vector<16xf32>,
        %mul3A_384 = arith.constant 16 : i32
        %mul3A_385 = arith.muli %scan3A_378, %mul3A_384 : i32
        %swap3A_386 = arith.constant 3 : i32
        %swap3A_387 = arith.index_cast %swap3A_386 : i32 to index
        %swap3A_388 = arith.index_cast %mul3A_385 : i32 to index
        %swap3A_389 = tpu.vector_load %arg7[%swap3A_387, %swap3A_388] {strides = array<i32>} : memref<8x1024xf32, #tpu.memory_space<vmem>>, vector<16xf32>,
        tpu.vector_store %arg7[%swap3A_387, %swap3A_388], %gather3A_383 {strides = array<i32>} : memref<8x1024xf32, #tpu.memory_space<vmem>>, vector<16xf32>,
        %scan3A_390 = arith.constant 4 : i32
        %scan3A_391 = arith.addi %scan3A_341, %scan3A_390 : i32
        %mul3A_392 = arith.constant 64 : i32
        %mul3A_393 = arith.muli %scan3A_391, %mul3A_392 : i32
        %add3A_394 = vector.broadcast %mul3A_393 : i32 to vector<16xi32>
        %add3A_395 = arith.addi %add3A_8, %add3A_394 : vector<16xi32>
        %gather3A_396 = tpu.vector_load_idx %arg5[%broadcast_in_dim3A_228, %add3A_395] : memref<8x4096xf32, #tpu.memory_space<vmem>>[vector<16xi32>, vector<16xi32>], vector<16xf32>,
        %mul3A_397 = arith.constant 16 : i32
        %mul3A_398 = arith.muli %scan3A_391, %mul3A_397 : i32
        %swap3A_399 = arith.constant 3 : i32
        %swap3A_400 = arith.index_cast %swap3A_399 : i32 to index
        %swap3A_401 = arith.index_cast %mul3A_398 : i32 to index
        %swap3A_402 = tpu.vector_load %arg7[%swap3A_400, %swap3A_401] {strides = array<i32>} : memref<8x1024xf32, #tpu.memory_space<vmem>>, vector<16xf32>,
        tpu.vector_store %arg7[%swap3A_400, %swap3A_401], %gather3A_396 {strides = array<i32>} : memref<8x1024xf32, #tpu.memory_space<vmem>>, vector<16xf32>,
        %scan3A_403 = arith.constant 5 : i32
        %scan3A_404 = arith.addi %scan3A_341, %scan3A_403 : i32
        %mul3A_405 = arith.constant 64 : i32
        %mul3A_406 = arith.muli %scan3A_404, %mul3A_405 : i32
        %add3A_407 = vector.broadcast %mul3A_406 : i32 to vector<16xi32>
        %add3A_408 = arith.addi %add3A_8, %add3A_407 : vector<16xi32>
        %gather3A_409 = tpu.vector_load_idx %arg5[%broadcast_in_dim3A_228, %add3A_408] : memref<8x4096xf32, #tpu.memory_space<vmem>>[vector<16xi32>, vector<16xi32>], vector<16xf32>,
        %mul3A_410 = arith.constant 16 : i32
        %mul3A_411 = arith.muli %scan3A_404, %mul3A_410 : i32
        %swap3A_412 = arith.constant 3 : i32
        %swap3A_413 = arith.index_cast %swap3A_412 : i32 to index
        %swap3A_414 = arith.index_cast %mul3A_411 : i32 to index
        %swap3A_415 = tpu.vector_load %arg7[%swap3A_413, %swap3A_414] {strides = array<i32>} : memref<8x1024xf32, #tpu.memory_space<vmem>>, vector<16xf32>,
        tpu.vector_store %arg7[%swap3A_413, %swap3A_414], %gather3A_409 {strides = array<i32>} : memref<8x1024xf32, #tpu.memory_space<vmem>>, vector<16xf32>,
        %scan3A_416 = arith.constant 6 : i32
        %scan3A_417 = arith.addi %scan3A_341, %scan3A_416 : i32
        %mul3A_418 = arith.constant 64 : i32
        %mul3A_419 = arith.muli %scan3A_417, %mul3A_418 : i32
        %add3A_420 = vector.broadcast %mul3A_419 : i32 to vector<16xi32>
        %add3A_421 = arith.addi %add3A_8, %add3A_420 : vector<16xi32>
        %gather3A_422 = tpu.vector_load_idx %arg5[%broadcast_in_dim3A_228, %add3A_421] : memref<8x4096xf32, #tpu.memory_space<vmem>>[vector<16xi32>, vector<16xi32>], vector<16xf32>,
        %mul3A_423 = arith.constant 16 : i32
        %mul3A_424 = arith.muli %scan3A_417, %mul3A_423 : i32
        %swap3A_425 = arith.constant 3 : i32
        %swap3A_426 = arith.index_cast %swap3A_425 : i32 to index
        %swap3A_427 = arith.index_cast %mul3A_424 : i32 to index
        %swap3A_428 = tpu.vector_load %arg7[%swap3A_426, %swap3A_427] {strides = array<i32>} : memref<8x1024xf32, #tpu.memory_space<vmem>>, vector<16xf32>,
        tpu.vector_store %arg7[%swap3A_426, %swap3A_427], %gather3A_422 {strides = array<i32>} : memref<8x1024xf32, #tpu.memory_space<vmem>>, vector<16xf32>,
        %scan3A_429 = arith.constant 7 : i32
        %scan3A_430 = arith.addi %scan3A_341, %scan3A_429 : i32
        %mul3A_431 = arith.constant 64 : i32
        %mul3A_432 = arith.muli %scan3A_430, %mul3A_431 : i32
        %add3A_433 = vector.broadcast %mul3A_432 : i32 to vector<16xi32>
        %add3A_434 = arith.addi %add3A_8, %add3A_433 : vector<16xi32>
        %gather3A_435 = tpu.vector_load_idx %arg5[%broadcast_in_dim3A_228, %add3A_434] : memref<8x4096xf32, #tpu.memory_space<vmem>>[vector<16xi32>, vector<16xi32>], vector<16xf32>,
        %mul3A_436 = arith.constant 16 : i32
        %mul3A_437 = arith.muli %scan3A_430, %mul3A_436 : i32
        %swap3A_438 = arith.constant 3 : i32
        %swap3A_439 = arith.index_cast %swap3A_438 : i32 to index
        %swap3A_440 = arith.index_cast %mul3A_437 : i32 to index
        %swap3A_441 = tpu.vector_load %arg7[%swap3A_439, %swap3A_440] {strides = array<i32>} : memref<8x1024xf32, #tpu.memory_space<vmem>>, vector<16xf32>,
        tpu.vector_store %arg7[%swap3A_439, %swap3A_440], %gather3A_435 {strides = array<i32>} : memref<8x1024xf32, #tpu.memory_space<vmem>>, vector<16xf32>,
      }
      %scan3A_234 = arith.constant 64 : i32
      %broadcast_in_dim3A_235 = arith.constant 4 : i32
      %broadcast_in_dim3A_236 = vector.broadcast %broadcast_in_dim3A_235 : i32 to vector<16xi32>
      %scan3A_237 = arith.constant 0 : i32
      %scan3A_238 = arith.constant 0 : i32
      %scan3A_239 = arith.constant 64 : i32
      %scan3A_240 = arith.addi %scan3A_238, %scan3A_239 : i32
      %scan3A_241 = arith.constant 8 : i32
      scf.for %scan3A_341 = %scan3A_238 to %scan3A_240 step %scan3A_241  : i32 {
        %mul3A_342 = arith.constant 64 : i32
        %mul3A_343 = arith.muli %scan3A_341, %mul3A_342 : i32
        %add3A_344 = vector.broadcast %mul3A_343 : i32 to vector<16xi32>
        %add3A_345 = arith.addi %add3A_8, %add3A_344 : vector<16xi32>
        %gather3A = tpu.vector_load_idx %arg5[%broadcast_in_dim3A_236, %add3A_345] : memref<8x4096xf32, #tpu.memory_space<vmem>>[vector<16xi32>, vector<16xi32>], vector<16xf32>,
        %mul3A_346 = arith.constant 16 : i32
        %mul3A_347 = arith.muli %scan3A_341, %mul3A_346 : i32
        %swap3A = arith.constant 4 : i32
        %swap3A_348 = arith.index_cast %swap3A : i32 to index
        %swap3A_349 = arith.index_cast %mul3A_347 : i32 to index
        %swap3A_350 = tpu.vector_load %arg7[%swap3A_348, %swap3A_349] {strides = array<i32>} : memref<8x1024xf32, #tpu.memory_space<vmem>>, vector<16xf32>,
        tpu.vector_store %arg7[%swap3A_348, %swap3A_349], %gather3A {strides = array<i32>} : memref<8x1024xf32, #tpu.memory_space<vmem>>, vector<16xf32>,
        %scan3A_351 = arith.constant 1 : i32
        %scan3A_352 = arith.addi %scan3A_341, %scan3A_351 : i32
        %mul3A_353 = arith.constant 64 : i32
        %mul3A_354 = arith.muli %scan3A_352, %mul3A_353 : i32
        %add3A_355 = vector.broadcast %mul3A_354 : i32 to vector<16xi32>
        %add3A_356 = arith.addi %add3A_8, %add3A_355 : vector<16xi32>
        %gather3A_357 = tpu.vector_load_idx %arg5[%broadcast_in_dim3A_236, %add3A_356] : memref<8x4096xf32, #tpu.memory_space<vmem>>[vector<16xi32>, vector<16xi32>], vector<16xf32>,
        %mul3A_358 = arith.constant 16 : i32
        %mul3A_359 = arith.muli %scan3A_352, %mul3A_358 : i32
        %swap3A_360 = arith.constant 4 : i32
        %swap3A_361 = arith.index_cast %swap3A_360 : i32 to index
        %swap3A_362 = arith.index_cast %mul3A_359 : i32 to index
        %swap3A_363 = tpu.vector_load %arg7[%swap3A_361, %swap3A_362] {strides = array<i32>} : memref<8x1024xf32, #tpu.memory_space<vmem>>, vector<16xf32>,
        tpu.vector_store %arg7[%swap3A_361, %swap3A_362], %gather3A_357 {strides = array<i32>} : memref<8x1024xf32, #tpu.memory_space<vmem>>, vector<16xf32>,
        %scan3A_364 = arith.constant 2 : i32
        %scan3A_365 = arith.addi %scan3A_341, %scan3A_364 : i32
        %mul3A_366 = arith.constant 64 : i32
        %mul3A_367 = arith.muli %scan3A_365, %mul3A_366 : i32
        %add3A_368 = vector.broadcast %mul3A_367 : i32 to vector<16xi32>
        %add3A_369 = arith.addi %add3A_8, %add3A_368 : vector<16xi32>
        %gather3A_370 = tpu.vector_load_idx %arg5[%broadcast_in_dim3A_236, %add3A_369] : memref<8x4096xf32, #tpu.memory_space<vmem>>[vector<16xi32>, vector<16xi32>], vector<16xf32>,
        %mul3A_371 = arith.constant 16 : i32
        %mul3A_372 = arith.muli %scan3A_365, %mul3A_371 : i32
        %swap3A_373 = arith.constant 4 : i32
        %swap3A_374 = arith.index_cast %swap3A_373 : i32 to index
        %swap3A_375 = arith.index_cast %mul3A_372 : i32 to index
        %swap3A_376 = tpu.vector_load %arg7[%swap3A_374, %swap3A_375] {strides = array<i32>} : memref<8x1024xf32, #tpu.memory_space<vmem>>, vector<16xf32>,
        tpu.vector_store %arg7[%swap3A_374, %swap3A_375], %gather3A_370 {strides = array<i32>} : memref<8x1024xf32, #tpu.memory_space<vmem>>, vector<16xf32>,
        %scan3A_377 = arith.constant 3 : i32
        %scan3A_378 = arith.addi %scan3A_341, %scan3A_377 : i32
        %mul3A_379 = arith.constant 64 : i32
        %mul3A_380 = arith.muli %scan3A_378, %mul3A_379 : i32
        %add3A_381 = vector.broadcast %mul3A_380 : i32 to vector<16xi32>
        %add3A_382 = arith.addi %add3A_8, %add3A_381 : vector<16xi32>
        %gather3A_383 = tpu.vector_load_idx %arg5[%broadcast_in_dim3A_236, %add3A_382] : memref<8x4096xf32, #tpu.memory_space<vmem>>[vector<16xi32>, vector<16xi32>], vector<16xf32>,
        %mul3A_384 = arith.constant 16 : i32
        %mul3A_385 = arith.muli %scan3A_378, %mul3A_384 : i32
        %swap3A_386 = arith.constant 4 : i32
        %swap3A_387 = arith.index_cast %swap3A_386 : i32 to index
        %swap3A_388 = arith.index_cast %mul3A_385 : i32 to index
        %swap3A_389 = tpu.vector_load %arg7[%swap3A_387, %swap3A_388] {strides = array<i32>} : memref<8x1024xf32, #tpu.memory_space<vmem>>, vector<16xf32>,
        tpu.vector_store %arg7[%swap3A_387, %swap3A_388], %gather3A_383 {strides = array<i32>} : memref<8x1024xf32, #tpu.memory_space<vmem>>, vector<16xf32>,
        %scan3A_390 = arith.constant 4 : i32
        %scan3A_391 = arith.addi %scan3A_341, %scan3A_390 : i32
        %mul3A_392 = arith.constant 64 : i32
        %mul3A_393 = arith.muli %scan3A_391, %mul3A_392 : i32
        %add3A_394 = vector.broadcast %mul3A_393 : i32 to vector<16xi32>
        %add3A_395 = arith.addi %add3A_8, %add3A_394 : vector<16xi32>
        %gather3A_396 = tpu.vector_load_idx %arg5[%broadcast_in_dim3A_236, %add3A_395] : memref<8x4096xf32, #tpu.memory_space<vmem>>[vector<16xi32>, vector<16xi32>], vector<16xf32>,
        %mul3A_397 = arith.constant 16 : i32
        %mul3A_398 = arith.muli %scan3A_391, %mul3A_397 : i32
        %swap3A_399 = arith.constant 4 : i32
        %swap3A_400 = arith.index_cast %swap3A_399 : i32 to index
        %swap3A_401 = arith.index_cast %mul3A_398 : i32 to index
        %swap3A_402 = tpu.vector_load %arg7[%swap3A_400, %swap3A_401] {strides = array<i32>} : memref<8x1024xf32, #tpu.memory_space<vmem>>, vector<16xf32>,
        tpu.vector_store %arg7[%swap3A_400, %swap3A_401], %gather3A_396 {strides = array<i32>} : memref<8x1024xf32, #tpu.memory_space<vmem>>, vector<16xf32>,
        %scan3A_403 = arith.constant 5 : i32
        %scan3A_404 = arith.addi %scan3A_341, %scan3A_403 : i32
        %mul3A_405 = arith.constant 64 : i32
        %mul3A_406 = arith.muli %scan3A_404, %mul3A_405 : i32
        %add3A_407 = vector.broadcast %mul3A_406 : i32 to vector<16xi32>
        %add3A_408 = arith.addi %add3A_8, %add3A_407 : vector<16xi32>
        %gather3A_409 = tpu.vector_load_idx %arg5[%broadcast_in_dim3A_236, %add3A_408] : memref<8x4096xf32, #tpu.memory_space<vmem>>[vector<16xi32>, vector<16xi32>], vector<16xf32>,
        %mul3A_410 = arith.constant 16 : i32
        %mul3A_411 = arith.muli %scan3A_404, %mul3A_410 : i32
        %swap3A_412 = arith.constant 4 : i32
        %swap3A_413 = arith.index_cast %swap3A_412 : i32 to index
        %swap3A_414 = arith.index_cast %mul3A_411 : i32 to index
        %swap3A_415 = tpu.vector_load %arg7[%swap3A_413, %swap3A_414] {strides = array<i32>} : memref<8x1024xf32, #tpu.memory_space<vmem>>, vector<16xf32>,
        tpu.vector_store %arg7[%swap3A_413, %swap3A_414], %gather3A_409 {strides = array<i32>} : memref<8x1024xf32, #tpu.memory_space<vmem>>, vector<16xf32>,
        %scan3A_416 = arith.constant 6 : i32
        %scan3A_417 = arith.addi %scan3A_341, %scan3A_416 : i32
        %mul3A_418 = arith.constant 64 : i32
        %mul3A_419 = arith.muli %scan3A_417, %mul3A_418 : i32
        %add3A_420 = vector.broadcast %mul3A_419 : i32 to vector<16xi32>
        %add3A_421 = arith.addi %add3A_8, %add3A_420 : vector<16xi32>
        %gather3A_422 = tpu.vector_load_idx %arg5[%broadcast_in_dim3A_236, %add3A_421] : memref<8x4096xf32, #tpu.memory_space<vmem>>[vector<16xi32>, vector<16xi32>], vector<16xf32>,
        %mul3A_423 = arith.constant 16 : i32
        %mul3A_424 = arith.muli %scan3A_417, %mul3A_423 : i32
        %swap3A_425 = arith.constant 4 : i32
        %swap3A_426 = arith.index_cast %swap3A_425 : i32 to index
        %swap3A_427 = arith.index_cast %mul3A_424 : i32 to index
        %swap3A_428 = tpu.vector_load %arg7[%swap3A_426, %swap3A_427] {strides = array<i32>} : memref<8x1024xf32, #tpu.memory_space<vmem>>, vector<16xf32>,
        tpu.vector_store %arg7[%swap3A_426, %swap3A_427], %gather3A_422 {strides = array<i32>} : memref<8x1024xf32, #tpu.memory_space<vmem>>, vector<16xf32>,
        %scan3A_429 = arith.constant 7 : i32
        %scan3A_430 = arith.addi %scan3A_341, %scan3A_429 : i32
        %mul3A_431 = arith.constant 64 : i32
        %mul3A_432 = arith.muli %scan3A_430, %mul3A_431 : i32
        %add3A_433 = vector.broadcast %mul3A_432 : i32 to vector<16xi32>
        %add3A_434 = arith.addi %add3A_8, %add3A_433 : vector<16xi32>
        %gather3A_435 = tpu.vector_load_idx %arg5[%broadcast_in_dim3A_236, %add3A_434] : memref<8x4096xf32, #tpu.memory_space<vmem>>[vector<16xi32>, vector<16xi32>], vector<16xf32>,
        %mul3A_436 = arith.constant 16 : i32
        %mul3A_437 = arith.muli %scan3A_430, %mul3A_436 : i32
        %swap3A_438 = arith.constant 4 : i32
        %swap3A_439 = arith.index_cast %swap3A_438 : i32 to index
        %swap3A_440 = arith.index_cast %mul3A_437 : i32 to index
        %swap3A_441 = tpu.vector_load %arg7[%swap3A_439, %swap3A_440] {strides = array<i32>} : memref<8x1024xf32, #tpu.memory_space<vmem>>, vector<16xf32>,
        tpu.vector_store %arg7[%swap3A_439, %swap3A_440], %gather3A_435 {strides = array<i32>} : memref<8x1024xf32, #tpu.memory_space<vmem>>, vector<16xf32>,
      }
      %scan3A_242 = arith.constant 64 : i32
      %broadcast_in_dim3A_243 = arith.constant 5 : i32
      %broadcast_in_dim3A_244 = vector.broadcast %broadcast_in_dim3A_243 : i32 to vector<16xi32>
      %scan3A_245 = arith.constant 0 : i32
      %scan3A_246 = arith.constant 0 : i32
      %scan3A_247 = arith.constant 64 : i32
      %scan3A_248 = arith.addi %scan3A_246, %scan3A_247 : i32
      %scan3A_249 = arith.constant 8 : i32
      scf.for %scan3A_341 = %scan3A_246 to %scan3A_248 step %scan3A_249  : i32 {
        %mul3A_342 = arith.constant 64 : i32
        %mul3A_343 = arith.muli %scan3A_341, %mul3A_342 : i32
        %add3A_344 = vector.broadcast %mul3A_343 : i32 to vector<16xi32>
        %add3A_345 = arith.addi %add3A_8, %add3A_344 : vector<16xi32>
        %gather3A = tpu.vector_load_idx %arg5[%broadcast_in_dim3A_244, %add3A_345] : memref<8x4096xf32, #tpu.memory_space<vmem>>[vector<16xi32>, vector<16xi32>], vector<16xf32>,
        %mul3A_346 = arith.constant 16 : i32
        %mul3A_347 = arith.muli %scan3A_341, %mul3A_346 : i32
        %swap3A = arith.constant 5 : i32
        %swap3A_348 = arith.index_cast %swap3A : i32 to index
        %swap3A_349 = arith.index_cast %mul3A_347 : i32 to index
        %swap3A_350 = tpu.vector_load %arg7[%swap3A_348, %swap3A_349] {strides = array<i32>} : memref<8x1024xf32, #tpu.memory_space<vmem>>, vector<16xf32>,
        tpu.vector_store %arg7[%swap3A_348, %swap3A_349], %gather3A {strides = array<i32>} : memref<8x1024xf32, #tpu.memory_space<vmem>>, vector<16xf32>,
        %scan3A_351 = arith.constant 1 : i32
        %scan3A_352 = arith.addi %scan3A_341, %scan3A_351 : i32
        %mul3A_353 = arith.constant 64 : i32
        %mul3A_354 = arith.muli %scan3A_352, %mul3A_353 : i32
        %add3A_355 = vector.broadcast %mul3A_354 : i32 to vector<16xi32>
        %add3A_356 = arith.addi %add3A_8, %add3A_355 : vector<16xi32>
        %gather3A_357 = tpu.vector_load_idx %arg5[%broadcast_in_dim3A_244, %add3A_356] : memref<8x4096xf32, #tpu.memory_space<vmem>>[vector<16xi32>, vector<16xi32>], vector<16xf32>,
        %mul3A_358 = arith.constant 16 : i32
        %mul3A_359 = arith.muli %scan3A_352, %mul3A_358 : i32
        %swap3A_360 = arith.constant 5 : i32
        %swap3A_361 = arith.index_cast %swap3A_360 : i32 to index
        %swap3A_362 = arith.index_cast %mul3A_359 : i32 to index
        %swap3A_363 = tpu.vector_load %arg7[%swap3A_361, %swap3A_362] {strides = array<i32>} : memref<8x1024xf32, #tpu.memory_space<vmem>>, vector<16xf32>,
        tpu.vector_store %arg7[%swap3A_361, %swap3A_362], %gather3A_357 {strides = array<i32>} : memref<8x1024xf32, #tpu.memory_space<vmem>>, vector<16xf32>,
        %scan3A_364 = arith.constant 2 : i32
        %scan3A_365 = arith.addi %scan3A_341, %scan3A_364 : i32
        %mul3A_366 = arith.constant 64 : i32
        %mul3A_367 = arith.muli %scan3A_365, %mul3A_366 : i32
        %add3A_368 = vector.broadcast %mul3A_367 : i32 to vector<16xi32>
        %add3A_369 = arith.addi %add3A_8, %add3A_368 : vector<16xi32>
        %gather3A_370 = tpu.vector_load_idx %arg5[%broadcast_in_dim3A_244, %add3A_369] : memref<8x4096xf32, #tpu.memory_space<vmem>>[vector<16xi32>, vector<16xi32>], vector<16xf32>,
        %mul3A_371 = arith.constant 16 : i32
        %mul3A_372 = arith.muli %scan3A_365, %mul3A_371 : i32
        %swap3A_373 = arith.constant 5 : i32
        %swap3A_374 = arith.index_cast %swap3A_373 : i32 to index
        %swap3A_375 = arith.index_cast %mul3A_372 : i32 to index
        %swap3A_376 = tpu.vector_load %arg7[%swap3A_374, %swap3A_375] {strides = array<i32>} : memref<8x1024xf32, #tpu.memory_space<vmem>>, vector<16xf32>,
        tpu.vector_store %arg7[%swap3A_374, %swap3A_375], %gather3A_370 {strides = array<i32>} : memref<8x1024xf32, #tpu.memory_space<vmem>>, vector<16xf32>,
        %scan3A_377 = arith.constant 3 : i32
        %scan3A_378 = arith.addi %scan3A_341, %scan3A_377 : i32
        %mul3A_379 = arith.constant 64 : i32
        %mul3A_380 = arith.muli %scan3A_378, %mul3A_379 : i32
        %add3A_381 = vector.broadcast %mul3A_380 : i32 to vector<16xi32>
        %add3A_382 = arith.addi %add3A_8, %add3A_381 : vector<16xi32>
        %gather3A_383 = tpu.vector_load_idx %arg5[%broadcast_in_dim3A_244, %add3A_382] : memref<8x4096xf32, #tpu.memory_space<vmem>>[vector<16xi32>, vector<16xi32>], vector<16xf32>,
        %mul3A_384 = arith.constant 16 : i32
        %mul3A_385 = arith.muli %scan3A_378, %mul3A_384 : i32
        %swap3A_386 = arith.constant 5 : i32
        %swap3A_387 = arith.index_cast %swap3A_386 : i32 to index
        %swap3A_388 = arith.index_cast %mul3A_385 : i32 to index
        %swap3A_389 = tpu.vector_load %arg7[%swap3A_387, %swap3A_388] {strides = array<i32>} : memref<8x1024xf32, #tpu.memory_space<vmem>>, vector<16xf32>,
        tpu.vector_store %arg7[%swap3A_387, %swap3A_388], %gather3A_383 {strides = array<i32>} : memref<8x1024xf32, #tpu.memory_space<vmem>>, vector<16xf32>,
        %scan3A_390 = arith.constant 4 : i32
        %scan3A_391 = arith.addi %scan3A_341, %scan3A_390 : i32
        %mul3A_392 = arith.constant 64 : i32
        %mul3A_393 = arith.muli %scan3A_391, %mul3A_392 : i32
        %add3A_394 = vector.broadcast %mul3A_393 : i32 to vector<16xi32>
        %add3A_395 = arith.addi %add3A_8, %add3A_394 : vector<16xi32>
        %gather3A_396 = tpu.vector_load_idx %arg5[%broadcast_in_dim3A_244, %add3A_395] : memref<8x4096xf32, #tpu.memory_space<vmem>>[vector<16xi32>, vector<16xi32>], vector<16xf32>,
        %mul3A_397 = arith.constant 16 : i32
        %mul3A_398 = arith.muli %scan3A_391, %mul3A_397 : i32
        %swap3A_399 = arith.constant 5 : i32
        %swap3A_400 = arith.index_cast %swap3A_399 : i32 to index
        %swap3A_401 = arith.index_cast %mul3A_398 : i32 to index
        %swap3A_402 = tpu.vector_load %arg7[%swap3A_400, %swap3A_401] {strides = array<i32>} : memref<8x1024xf32, #tpu.memory_space<vmem>>, vector<16xf32>,
        tpu.vector_store %arg7[%swap3A_400, %swap3A_401], %gather3A_396 {strides = array<i32>} : memref<8x1024xf32, #tpu.memory_space<vmem>>, vector<16xf32>,
        %scan3A_403 = arith.constant 5 : i32
        %scan3A_404 = arith.addi %scan3A_341, %scan3A_403 : i32
        %mul3A_405 = arith.constant 64 : i32
        %mul3A_406 = arith.muli %scan3A_404, %mul3A_405 : i32
        %add3A_407 = vector.broadcast %mul3A_406 : i32 to vector<16xi32>
        %add3A_408 = arith.addi %add3A_8, %add3A_407 : vector<16xi32>
        %gather3A_409 = tpu.vector_load_idx %arg5[%broadcast_in_dim3A_244, %add3A_408] : memref<8x4096xf32, #tpu.memory_space<vmem>>[vector<16xi32>, vector<16xi32>], vector<16xf32>,
        %mul3A_410 = arith.constant 16 : i32
        %mul3A_411 = arith.muli %scan3A_404, %mul3A_410 : i32
        %swap3A_412 = arith.constant 5 : i32
        %swap3A_413 = arith.index_cast %swap3A_412 : i32 to index
        %swap3A_414 = arith.index_cast %mul3A_411 : i32 to index
        %swap3A_415 = tpu.vector_load %arg7[%swap3A_413, %swap3A_414] {strides = array<i32>} : memref<8x1024xf32, #tpu.memory_space<vmem>>, vector<16xf32>,
        tpu.vector_store %arg7[%swap3A_413, %swap3A_414], %gather3A_409 {strides = array<i32>} : memref<8x1024xf32, #tpu.memory_space<vmem>>, vector<16xf32>,
        %scan3A_416 = arith.constant 6 : i32
        %scan3A_417 = arith.addi %scan3A_341, %scan3A_416 : i32
        %mul3A_418 = arith.constant 64 : i32
        %mul3A_419 = arith.muli %scan3A_417, %mul3A_418 : i32
        %add3A_420 = vector.broadcast %mul3A_419 : i32 to vector<16xi32>
        %add3A_421 = arith.addi %add3A_8, %add3A_420 : vector<16xi32>
        %gather3A_422 = tpu.vector_load_idx %arg5[%broadcast_in_dim3A_244, %add3A_421] : memref<8x4096xf32, #tpu.memory_space<vmem>>[vector<16xi32>, vector<16xi32>], vector<16xf32>,
        %mul3A_423 = arith.constant 16 : i32
        %mul3A_424 = arith.muli %scan3A_417, %mul3A_423 : i32
        %swap3A_425 = arith.constant 5 : i32
        %swap3A_426 = arith.index_cast %swap3A_425 : i32 to index
        %swap3A_427 = arith.index_cast %mul3A_424 : i32 to index
        %swap3A_428 = tpu.vector_load %arg7[%swap3A_426, %swap3A_427] {strides = array<i32>} : memref<8x1024xf32, #tpu.memory_space<vmem>>, vector<16xf32>,
        tpu.vector_store %arg7[%swap3A_426, %swap3A_427], %gather3A_422 {strides = array<i32>} : memref<8x1024xf32, #tpu.memory_space<vmem>>, vector<16xf32>,
        %scan3A_429 = arith.constant 7 : i32
        %scan3A_430 = arith.addi %scan3A_341, %scan3A_429 : i32
        %mul3A_431 = arith.constant 64 : i32
        %mul3A_432 = arith.muli %scan3A_430, %mul3A_431 : i32
        %add3A_433 = vector.broadcast %mul3A_432 : i32 to vector<16xi32>
        %add3A_434 = arith.addi %add3A_8, %add3A_433 : vector<16xi32>
        %gather3A_435 = tpu.vector_load_idx %arg5[%broadcast_in_dim3A_244, %add3A_434] : memref<8x4096xf32, #tpu.memory_space<vmem>>[vector<16xi32>, vector<16xi32>], vector<16xf32>,
        %mul3A_436 = arith.constant 16 : i32
        %mul3A_437 = arith.muli %scan3A_430, %mul3A_436 : i32
        %swap3A_438 = arith.constant 5 : i32
        %swap3A_439 = arith.index_cast %swap3A_438 : i32 to index
        %swap3A_440 = arith.index_cast %mul3A_437 : i32 to index
        %swap3A_441 = tpu.vector_load %arg7[%swap3A_439, %swap3A_440] {strides = array<i32>} : memref<8x1024xf32, #tpu.memory_space<vmem>>, vector<16xf32>,
        tpu.vector_store %arg7[%swap3A_439, %swap3A_440], %gather3A_435 {strides = array<i32>} : memref<8x1024xf32, #tpu.memory_space<vmem>>, vector<16xf32>,
      }
      %scan3A_250 = arith.constant 64 : i32
      %broadcast_in_dim3A_251 = arith.constant 6 : i32
      %broadcast_in_dim3A_252 = vector.broadcast %broadcast_in_dim3A_251 : i32 to vector<16xi32>
      %scan3A_253 = arith.constant 0 : i32
      %scan3A_254 = arith.constant 0 : i32
      %scan3A_255 = arith.constant 64 : i32
      %scan3A_256 = arith.addi %scan3A_254, %scan3A_255 : i32
      %scan3A_257 = arith.constant 8 : i32
      scf.for %scan3A_341 = %scan3A_254 to %scan3A_256 step %scan3A_257  : i32 {
        %mul3A_342 = arith.constant 64 : i32
        %mul3A_343 = arith.muli %scan3A_341, %mul3A_342 : i32
        %add3A_344 = vector.broadcast %mul3A_343 : i32 to vector<16xi32>
        %add3A_345 = arith.addi %add3A_8, %add3A_344 : vector<16xi32>
        %gather3A = tpu.vector_load_idx %arg5[%broadcast_in_dim3A_252, %add3A_345] : memref<8x4096xf32, #tpu.memory_space<vmem>>[vector<16xi32>, vector<16xi32>], vector<16xf32>,
        %mul3A_346 = arith.constant 16 : i32
        %mul3A_347 = arith.muli %scan3A_341, %mul3A_346 : i32
        %swap3A = arith.constant 6 : i32
        %swap3A_348 = arith.index_cast %swap3A : i32 to index
        %swap3A_349 = arith.index_cast %mul3A_347 : i32 to index
        %swap3A_350 = tpu.vector_load %arg7[%swap3A_348, %swap3A_349] {strides = array<i32>} : memref<8x1024xf32, #tpu.memory_space<vmem>>, vector<16xf32>,
        tpu.vector_store %arg7[%swap3A_348, %swap3A_349], %gather3A {strides = array<i32>} : memref<8x1024xf32, #tpu.memory_space<vmem>>, vector<16xf32>,
        %scan3A_351 = arith.constant 1 : i32
        %scan3A_352 = arith.addi %scan3A_341, %scan3A_351 : i32
        %mul3A_353 = arith.constant 64 : i32
        %mul3A_354 = arith.muli %scan3A_352, %mul3A_353 : i32
        %add3A_355 = vector.broadcast %mul3A_354 : i32 to vector<16xi32>
        %add3A_356 = arith.addi %add3A_8, %add3A_355 : vector<16xi32>
        %gather3A_357 = tpu.vector_load_idx %arg5[%broadcast_in_dim3A_252, %add3A_356] : memref<8x4096xf32, #tpu.memory_space<vmem>>[vector<16xi32>, vector<16xi32>], vector<16xf32>,
        %mul3A_358 = arith.constant 16 : i32
        %mul3A_359 = arith.muli %scan3A_352, %mul3A_358 : i32
        %swap3A_360 = arith.constant 6 : i32
        %swap3A_361 = arith.index_cast %swap3A_360 : i32 to index
        %swap3A_362 = arith.index_cast %mul3A_359 : i32 to index
        %swap3A_363 = tpu.vector_load %arg7[%swap3A_361, %swap3A_362] {strides = array<i32>} : memref<8x1024xf32, #tpu.memory_space<vmem>>, vector<16xf32>,
        tpu.vector_store %arg7[%swap3A_361, %swap3A_362], %gather3A_357 {strides = array<i32>} : memref<8x1024xf32, #tpu.memory_space<vmem>>, vector<16xf32>,
        %scan3A_364 = arith.constant 2 : i32
        %scan3A_365 = arith.addi %scan3A_341, %scan3A_364 : i32
        %mul3A_366 = arith.constant 64 : i32
        %mul3A_367 = arith.muli %scan3A_365, %mul3A_366 : i32
        %add3A_368 = vector.broadcast %mul3A_367 : i32 to vector<16xi32>
        %add3A_369 = arith.addi %add3A_8, %add3A_368 : vector<16xi32>
        %gather3A_370 = tpu.vector_load_idx %arg5[%broadcast_in_dim3A_252, %add3A_369] : memref<8x4096xf32, #tpu.memory_space<vmem>>[vector<16xi32>, vector<16xi32>], vector<16xf32>,
        %mul3A_371 = arith.constant 16 : i32
        %mul3A_372 = arith.muli %scan3A_365, %mul3A_371 : i32
        %swap3A_373 = arith.constant 6 : i32
        %swap3A_374 = arith.index_cast %swap3A_373 : i32 to index
        %swap3A_375 = arith.index_cast %mul3A_372 : i32 to index
        %swap3A_376 = tpu.vector_load %arg7[%swap3A_374, %swap3A_375] {strides = array<i32>} : memref<8x1024xf32, #tpu.memory_space<vmem>>, vector<16xf32>,
        tpu.vector_store %arg7[%swap3A_374, %swap3A_375], %gather3A_370 {strides = array<i32>} : memref<8x1024xf32, #tpu.memory_space<vmem>>, vector<16xf32>,
        %scan3A_377 = arith.constant 3 : i32
        %scan3A_378 = arith.addi %scan3A_341, %scan3A_377 : i32
        %mul3A_379 = arith.constant 64 : i32
        %mul3A_380 = arith.muli %scan3A_378, %mul3A_379 : i32
        %add3A_381 = vector.broadcast %mul3A_380 : i32 to vector<16xi32>
        %add3A_382 = arith.addi %add3A_8, %add3A_381 : vector<16xi32>
        %gather3A_383 = tpu.vector_load_idx %arg5[%broadcast_in_dim3A_252, %add3A_382] : memref<8x4096xf32, #tpu.memory_space<vmem>>[vector<16xi32>, vector<16xi32>], vector<16xf32>,
        %mul3A_384 = arith.constant 16 : i32
        %mul3A_385 = arith.muli %scan3A_378, %mul3A_384 : i32
        %swap3A_386 = arith.constant 6 : i32
        %swap3A_387 = arith.index_cast %swap3A_386 : i32 to index
        %swap3A_388 = arith.index_cast %mul3A_385 : i32 to index
        %swap3A_389 = tpu.vector_load %arg7[%swap3A_387, %swap3A_388] {strides = array<i32>} : memref<8x1024xf32, #tpu.memory_space<vmem>>, vector<16xf32>,
        tpu.vector_store %arg7[%swap3A_387, %swap3A_388], %gather3A_383 {strides = array<i32>} : memref<8x1024xf32, #tpu.memory_space<vmem>>, vector<16xf32>,
        %scan3A_390 = arith.constant 4 : i32
        %scan3A_391 = arith.addi %scan3A_341, %scan3A_390 : i32
        %mul3A_392 = arith.constant 64 : i32
        %mul3A_393 = arith.muli %scan3A_391, %mul3A_392 : i32
        %add3A_394 = vector.broadcast %mul3A_393 : i32 to vector<16xi32>
        %add3A_395 = arith.addi %add3A_8, %add3A_394 : vector<16xi32>
        %gather3A_396 = tpu.vector_load_idx %arg5[%broadcast_in_dim3A_252, %add3A_395] : memref<8x4096xf32, #tpu.memory_space<vmem>>[vector<16xi32>, vector<16xi32>], vector<16xf32>,
        %mul3A_397 = arith.constant 16 : i32
        %mul3A_398 = arith.muli %scan3A_391, %mul3A_397 : i32
        %swap3A_399 = arith.constant 6 : i32
        %swap3A_400 = arith.index_cast %swap3A_399 : i32 to index
        %swap3A_401 = arith.index_cast %mul3A_398 : i32 to index
        %swap3A_402 = tpu.vector_load %arg7[%swap3A_400, %swap3A_401] {strides = array<i32>} : memref<8x1024xf32, #tpu.memory_space<vmem>>, vector<16xf32>,
        tpu.vector_store %arg7[%swap3A_400, %swap3A_401], %gather3A_396 {strides = array<i32>} : memref<8x1024xf32, #tpu.memory_space<vmem>>, vector<16xf32>,
        %scan3A_403 = arith.constant 5 : i32
        %scan3A_404 = arith.addi %scan3A_341, %scan3A_403 : i32
        %mul3A_405 = arith.constant 64 : i32
        %mul3A_406 = arith.muli %scan3A_404, %mul3A_405 : i32
        %add3A_407 = vector.broadcast %mul3A_406 : i32 to vector<16xi32>
        %add3A_408 = arith.addi %add3A_8, %add3A_407 : vector<16xi32>
        %gather3A_409 = tpu.vector_load_idx %arg5[%broadcast_in_dim3A_252, %add3A_408] : memref<8x4096xf32, #tpu.memory_space<vmem>>[vector<16xi32>, vector<16xi32>], vector<16xf32>,
        %mul3A_410 = arith.constant 16 : i32
        %mul3A_411 = arith.muli %scan3A_404, %mul3A_410 : i32
        %swap3A_412 = arith.constant 6 : i32
        %swap3A_413 = arith.index_cast %swap3A_412 : i32 to index
        %swap3A_414 = arith.index_cast %mul3A_411 : i32 to index
        %swap3A_415 = tpu.vector_load %arg7[%swap3A_413, %swap3A_414] {strides = array<i32>} : memref<8x1024xf32, #tpu.memory_space<vmem>>, vector<16xf32>,
        tpu.vector_store %arg7[%swap3A_413, %swap3A_414], %gather3A_409 {strides = array<i32>} : memref<8x1024xf32, #tpu.memory_space<vmem>>, vector<16xf32>,
        %scan3A_416 = arith.constant 6 : i32
        %scan3A_417 = arith.addi %scan3A_341, %scan3A_416 : i32
        %mul3A_418 = arith.constant 64 : i32
        %mul3A_419 = arith.muli %scan3A_417, %mul3A_418 : i32
        %add3A_420 = vector.broadcast %mul3A_419 : i32 to vector<16xi32>
        %add3A_421 = arith.addi %add3A_8, %add3A_420 : vector<16xi32>
        %gather3A_422 = tpu.vector_load_idx %arg5[%broadcast_in_dim3A_252, %add3A_421] : memref<8x4096xf32, #tpu.memory_space<vmem>>[vector<16xi32>, vector<16xi32>], vector<16xf32>,
        %mul3A_423 = arith.constant 16 : i32
        %mul3A_424 = arith.muli %scan3A_417, %mul3A_423 : i32
        %swap3A_425 = arith.constant 6 : i32
        %swap3A_426 = arith.index_cast %swap3A_425 : i32 to index
        %swap3A_427 = arith.index_cast %mul3A_424 : i32 to index
        %swap3A_428 = tpu.vector_load %arg7[%swap3A_426, %swap3A_427] {strides = array<i32>} : memref<8x1024xf32, #tpu.memory_space<vmem>>, vector<16xf32>,
        tpu.vector_store %arg7[%swap3A_426, %swap3A_427], %gather3A_422 {strides = array<i32>} : memref<8x1024xf32, #tpu.memory_space<vmem>>, vector<16xf32>,
        %scan3A_429 = arith.constant 7 : i32
        %scan3A_430 = arith.addi %scan3A_341, %scan3A_429 : i32
        %mul3A_431 = arith.constant 64 : i32
        %mul3A_432 = arith.muli %scan3A_430, %mul3A_431 : i32
        %add3A_433 = vector.broadcast %mul3A_432 : i32 to vector<16xi32>
        %add3A_434 = arith.addi %add3A_8, %add3A_433 : vector<16xi32>
        %gather3A_435 = tpu.vector_load_idx %arg5[%broadcast_in_dim3A_252, %add3A_434] : memref<8x4096xf32, #tpu.memory_space<vmem>>[vector<16xi32>, vector<16xi32>], vector<16xf32>,
        %mul3A_436 = arith.constant 16 : i32
        %mul3A_437 = arith.muli %scan3A_430, %mul3A_436 : i32
        %swap3A_438 = arith.constant 6 : i32
        %swap3A_439 = arith.index_cast %swap3A_438 : i32 to index
        %swap3A_440 = arith.index_cast %mul3A_437 : i32 to index
        %swap3A_441 = tpu.vector_load %arg7[%swap3A_439, %swap3A_440] {strides = array<i32>} : memref<8x1024xf32, #tpu.memory_space<vmem>>, vector<16xf32>,
        tpu.vector_store %arg7[%swap3A_439, %swap3A_440], %gather3A_435 {strides = array<i32>} : memref<8x1024xf32, #tpu.memory_space<vmem>>, vector<16xf32>,
      }
      %scan3A_258 = arith.constant 64 : i32
      %broadcast_in_dim3A_259 = arith.constant 7 : i32
      %broadcast_in_dim3A_260 = vector.broadcast %broadcast_in_dim3A_259 : i32 to vector<16xi32>
      %scan3A_261 = arith.constant 0 : i32
      %scan3A_262 = arith.constant 0 : i32
      %scan3A_263 = arith.constant 64 : i32
      %scan3A_264 = arith.addi %scan3A_262, %scan3A_263 : i32
      %scan3A_265 = arith.constant 8 : i32
      scf.for %scan3A_341 = %scan3A_262 to %scan3A_264 step %scan3A_265  : i32 {
        %mul3A_342 = arith.constant 64 : i32
        %mul3A_343 = arith.muli %scan3A_341, %mul3A_342 : i32
        %add3A_344 = vector.broadcast %mul3A_343 : i32 to vector<16xi32>
        %add3A_345 = arith.addi %add3A_8, %add3A_344 : vector<16xi32>
        %gather3A = tpu.vector_load_idx %arg5[%broadcast_in_dim3A_260, %add3A_345] : memref<8x4096xf32, #tpu.memory_space<vmem>>[vector<16xi32>, vector<16xi32>], vector<16xf32>,
        %mul3A_346 = arith.constant 16 : i32
        %mul3A_347 = arith.muli %scan3A_341, %mul3A_346 : i32
        %swap3A = arith.constant 7 : i32
        %swap3A_348 = arith.index_cast %swap3A : i32 to index
        %swap3A_349 = arith.index_cast %mul3A_347 : i32 to index
        %swap3A_350 = tpu.vector_load %arg7[%swap3A_348, %swap3A_349] {strides = array<i32>} : memref<8x1024xf32, #tpu.memory_space<vmem>>, vector<16xf32>,
        tpu.vector_store %arg7[%swap3A_348, %swap3A_349], %gather3A {strides = array<i32>} : memref<8x1024xf32, #tpu.memory_space<vmem>>, vector<16xf32>,
        %scan3A_351 = arith.constant 1 : i32
        %scan3A_352 = arith.addi %scan3A_341, %scan3A_351 : i32
        %mul3A_353 = arith.constant 64 : i32
        %mul3A_354 = arith.muli %scan3A_352, %mul3A_353 : i32
        %add3A_355 = vector.broadcast %mul3A_354 : i32 to vector<16xi32>
        %add3A_356 = arith.addi %add3A_8, %add3A_355 : vector<16xi32>
        %gather3A_357 = tpu.vector_load_idx %arg5[%broadcast_in_dim3A_260, %add3A_356] : memref<8x4096xf32, #tpu.memory_space<vmem>>[vector<16xi32>, vector<16xi32>], vector<16xf32>,
        %mul3A_358 = arith.constant 16 : i32
        %mul3A_359 = arith.muli %scan3A_352, %mul3A_358 : i32
        %swap3A_360 = arith.constant 7 : i32
        %swap3A_361 = arith.index_cast %swap3A_360 : i32 to index
        %swap3A_362 = arith.index_cast %mul3A_359 : i32 to index
        %swap3A_363 = tpu.vector_load %arg7[%swap3A_361, %swap3A_362] {strides = array<i32>} : memref<8x1024xf32, #tpu.memory_space<vmem>>, vector<16xf32>,
        tpu.vector_store %arg7[%swap3A_361, %swap3A_362], %gather3A_357 {strides = array<i32>} : memref<8x1024xf32, #tpu.memory_space<vmem>>, vector<16xf32>,
        %scan3A_364 = arith.constant 2 : i32
        %scan3A_365 = arith.addi %scan3A_341, %scan3A_364 : i32
        %mul3A_366 = arith.constant 64 : i32
        %mul3A_367 = arith.muli %scan3A_365, %mul3A_366 : i32
        %add3A_368 = vector.broadcast %mul3A_367 : i32 to vector<16xi32>
        %add3A_369 = arith.addi %add3A_8, %add3A_368 : vector<16xi32>
        %gather3A_370 = tpu.vector_load_idx %arg5[%broadcast_in_dim3A_260, %add3A_369] : memref<8x4096xf32, #tpu.memory_space<vmem>>[vector<16xi32>, vector<16xi32>], vector<16xf32>,
        %mul3A_371 = arith.constant 16 : i32
        %mul3A_372 = arith.muli %scan3A_365, %mul3A_371 : i32
        %swap3A_373 = arith.constant 7 : i32
        %swap3A_374 = arith.index_cast %swap3A_373 : i32 to index
        %swap3A_375 = arith.index_cast %mul3A_372 : i32 to index
        %swap3A_376 = tpu.vector_load %arg7[%swap3A_374, %swap3A_375] {strides = array<i32>} : memref<8x1024xf32, #tpu.memory_space<vmem>>, vector<16xf32>,
        tpu.vector_store %arg7[%swap3A_374, %swap3A_375], %gather3A_370 {strides = array<i32>} : memref<8x1024xf32, #tpu.memory_space<vmem>>, vector<16xf32>,
        %scan3A_377 = arith.constant 3 : i32
        %scan3A_378 = arith.addi %scan3A_341, %scan3A_377 : i32
        %mul3A_379 = arith.constant 64 : i32
        %mul3A_380 = arith.muli %scan3A_378, %mul3A_379 : i32
        %add3A_381 = vector.broadcast %mul3A_380 : i32 to vector<16xi32>
        %add3A_382 = arith.addi %add3A_8, %add3A_381 : vector<16xi32>
        %gather3A_383 = tpu.vector_load_idx %arg5[%broadcast_in_dim3A_260, %add3A_382] : memref<8x4096xf32, #tpu.memory_space<vmem>>[vector<16xi32>, vector<16xi32>], vector<16xf32>,
        %mul3A_384 = arith.constant 16 : i32
        %mul3A_385 = arith.muli %scan3A_378, %mul3A_384 : i32
        %swap3A_386 = arith.constant 7 : i32
        %swap3A_387 = arith.index_cast %swap3A_386 : i32 to index
        %swap3A_388 = arith.index_cast %mul3A_385 : i32 to index
        %swap3A_389 = tpu.vector_load %arg7[%swap3A_387, %swap3A_388] {strides = array<i32>} : memref<8x1024xf32, #tpu.memory_space<vmem>>, vector<16xf32>,
        tpu.vector_store %arg7[%swap3A_387, %swap3A_388], %gather3A_383 {strides = array<i32>} : memref<8x1024xf32, #tpu.memory_space<vmem>>, vector<16xf32>,
        %scan3A_390 = arith.constant 4 : i32
        %scan3A_391 = arith.addi %scan3A_341, %scan3A_390 : i32
        %mul3A_392 = arith.constant 64 : i32
        %mul3A_393 = arith.muli %scan3A_391, %mul3A_392 : i32
        %add3A_394 = vector.broadcast %mul3A_393 : i32 to vector<16xi32>
        %add3A_395 = arith.addi %add3A_8, %add3A_394 : vector<16xi32>
        %gather3A_396 = tpu.vector_load_idx %arg5[%broadcast_in_dim3A_260, %add3A_395] : memref<8x4096xf32, #tpu.memory_space<vmem>>[vector<16xi32>, vector<16xi32>], vector<16xf32>,
        %mul3A_397 = arith.constant 16 : i32
        %mul3A_398 = arith.muli %scan3A_391, %mul3A_397 : i32
        %swap3A_399 = arith.constant 7 : i32
        %swap3A_400 = arith.index_cast %swap3A_399 : i32 to index
        %swap3A_401 = arith.index_cast %mul3A_398 : i32 to index
        %swap3A_402 = tpu.vector_load %arg7[%swap3A_400, %swap3A_401] {strides = array<i32>} : memref<8x1024xf32, #tpu.memory_space<vmem>>, vector<16xf32>,
        tpu.vector_store %arg7[%swap3A_400, %swap3A_401], %gather3A_396 {strides = array<i32>} : memref<8x1024xf32, #tpu.memory_space<vmem>>, vector<16xf32>,
        %scan3A_403 = arith.constant 5 : i32
        %scan3A_404 = arith.addi %scan3A_341, %scan3A_403 : i32
        %mul3A_405 = arith.constant 64 : i32
        %mul3A_406 = arith.muli %scan3A_404, %mul3A_405 : i32
        %add3A_407 = vector.broadcast %mul3A_406 : i32 to vector<16xi32>
        %add3A_408 = arith.addi %add3A_8, %add3A_407 : vector<16xi32>
        %gather3A_409 = tpu.vector_load_idx %arg5[%broadcast_in_dim3A_260, %add3A_408] : memref<8x4096xf32, #tpu.memory_space<vmem>>[vector<16xi32>, vector<16xi32>], vector<16xf32>,
        %mul3A_410 = arith.constant 16 : i32
        %mul3A_411 = arith.muli %scan3A_404, %mul3A_410 : i32
        %swap3A_412 = arith.constant 7 : i32
        %swap3A_413 = arith.index_cast %swap3A_412 : i32 to index
        %swap3A_414 = arith.index_cast %mul3A_411 : i32 to index
        %swap3A_415 = tpu.vector_load %arg7[%swap3A_413, %swap3A_414] {strides = array<i32>} : memref<8x1024xf32, #tpu.memory_space<vmem>>, vector<16xf32>,
        tpu.vector_store %arg7[%swap3A_413, %swap3A_414], %gather3A_409 {strides = array<i32>} : memref<8x1024xf32, #tpu.memory_space<vmem>>, vector<16xf32>,
        %scan3A_416 = arith.constant 6 : i32
        %scan3A_417 = arith.addi %scan3A_341, %scan3A_416 : i32
        %mul3A_418 = arith.constant 64 : i32
        %mul3A_419 = arith.muli %scan3A_417, %mul3A_418 : i32
        %add3A_420 = vector.broadcast %mul3A_419 : i32 to vector<16xi32>
        %add3A_421 = arith.addi %add3A_8, %add3A_420 : vector<16xi32>
        %gather3A_422 = tpu.vector_load_idx %arg5[%broadcast_in_dim3A_260, %add3A_421] : memref<8x4096xf32, #tpu.memory_space<vmem>>[vector<16xi32>, vector<16xi32>], vector<16xf32>,
        %mul3A_423 = arith.constant 16 : i32
        %mul3A_424 = arith.muli %scan3A_417, %mul3A_423 : i32
        %swap3A_425 = arith.constant 7 : i32
        %swap3A_426 = arith.index_cast %swap3A_425 : i32 to index
        %swap3A_427 = arith.index_cast %mul3A_424 : i32 to index
        %swap3A_428 = tpu.vector_load %arg7[%swap3A_426, %swap3A_427] {strides = array<i32>} : memref<8x1024xf32, #tpu.memory_space<vmem>>, vector<16xf32>,
        tpu.vector_store %arg7[%swap3A_426, %swap3A_427], %gather3A_422 {strides = array<i32>} : memref<8x1024xf32, #tpu.memory_space<vmem>>, vector<16xf32>,
        %scan3A_429 = arith.constant 7 : i32
        %scan3A_430 = arith.addi %scan3A_341, %scan3A_429 : i32
        %mul3A_431 = arith.constant 64 : i32
        %mul3A_432 = arith.muli %scan3A_430, %mul3A_431 : i32
        %add3A_433 = vector.broadcast %mul3A_432 : i32 to vector<16xi32>
        %add3A_434 = arith.addi %add3A_8, %add3A_433 : vector<16xi32>
        %gather3A_435 = tpu.vector_load_idx %arg5[%broadcast_in_dim3A_260, %add3A_434] : memref<8x4096xf32, #tpu.memory_space<vmem>>[vector<16xi32>, vector<16xi32>], vector<16xf32>,
        %mul3A_436 = arith.constant 16 : i32
        %mul3A_437 = arith.muli %scan3A_430, %mul3A_436 : i32
        %swap3A_438 = arith.constant 7 : i32
        %swap3A_439 = arith.index_cast %swap3A_438 : i32 to index
        %swap3A_440 = arith.index_cast %mul3A_437 : i32 to index
        %swap3A_441 = tpu.vector_load %arg7[%swap3A_439, %swap3A_440] {strides = array<i32>} : memref<8x1024xf32, #tpu.memory_space<vmem>>, vector<16xf32>,
        tpu.vector_store %arg7[%swap3A_439, %swap3A_440], %gather3A_435 {strides = array<i32>} : memref<8x1024xf32, #tpu.memory_space<vmem>>, vector<16xf32>,
      }
      %scan3A_266 = arith.constant 64 : i32
      %jit3A_267 = arith.constant 2 : i32
      %div3A_268 = arith.divsi %add3A_184, %jit3A_267 : i32
      %sign3A_269 = arith.constant 0 : i32
      %sign3A_270 = arith.cmpi sgt, %add3A_184, %sign3A_269 : i32
      %sign3A_271 = arith.extui %sign3A_270 : i1 to i32
      %sign3A_272 = arith.constant 0 : i32
      %sign3A_273 = arith.cmpi slt, %add3A_184, %sign3A_272 : i32
      %sign3A_274 = arith.extui %sign3A_273 : i1 to i32
      %sign3A_275 = arith.subi %sign3A_271, %sign3A_274 : i32
      %sign3A_276 = arith.constant 0 : i32
      %sign3A_277 = arith.cmpi sgt, %jit3A_267, %sign3A_276 : i32
      %sign3A_278 = arith.extui %sign3A_277 : i1 to i32
      %sign3A_279 = arith.constant 0 : i32
      %sign3A_280 = arith.cmpi slt, %jit3A_267, %sign3A_279 : i32
      %sign3A_281 = arith.extui %sign3A_280 : i1 to i32
      %sign3A_282 = arith.subi %sign3A_278, %sign3A_281 : i32
      %ne3A_283 = arith.cmpi ne, %sign3A_275, %sign3A_282 : i32
      %rem3A_284 = arith.remsi %add3A_184, %jit3A_267 : i32
      %ne3A_285 = arith.constant 0 : i32
      %ne3A_286 = arith.cmpi ne, %rem3A_284, %ne3A_285 : i32
      %and3A_287 = arith.andi %ne3A_283, %ne3A_286 : i1
      %sub3A_288 = arith.constant 1 : i32
      %sub3A_289 = arith.subi %div3A_268, %sub3A_288 : i32
      %select_n3A_290 = arith.select %and3A_287, %sub3A_289, %div3A_268 : i32
      %mul3A_291 = arith.constant 8 : i32
      %mul3A_292 = arith.muli %select_n3A_290, %mul3A_291 : i32
      %add3A_293 = arith.addi %mul3A_2, %mul3A_292 : i32
      %multiple_of3A_294 = tpu.assume_multiple %add3A_293, 8 : i32
      %jit3A_295 = arith.constant 2 : i32
      %eq3A_296 = arith.constant 0 : i32
      %eq3A_297 = arith.cmpi eq, %jit3A_295, %eq3A_296 : i32
      %jit3A_298 = arith.constant 1 : i32
      %select_n3A_299 = arith.select %eq3A_297, %jit3A_298, %jit3A_295 : i32
      %rem3A_300 = arith.remsi %add3A_184, %select_n3A_299 : i32
      %ne3A_301 = arith.constant 0 : i32
      %ne3A_302 = arith.cmpi ne, %rem3A_300, %ne3A_301 : i32
      %lt3A_303 = arith.constant 0 : i32
      %lt3A_304 = arith.cmpi slt, %rem3A_300, %lt3A_303 : i32
      %lt3A_305 = arith.constant 0 : i32
      %lt3A_306 = arith.cmpi slt, %select_n3A_299, %lt3A_305 : i32
      %ne3A_307 = arith.xori %lt3A_304, %lt3A_306 : i1
      %and3A_308 = arith.andi %ne3A_307, %ne3A_302 : i1
      %add3A_309 = arith.addi %rem3A_300, %select_n3A_299 : i32
      %select_n3A_310 = arith.select %and3A_308, %add3A_309, %rem3A_300 : i32
      %mul3A_311 = arith.constant 4096 : i32
      %mul3A_312 = arith.muli %select_n3A_310, %mul3A_311 : i32
      %multiple_of3A_313 = tpu.assume_multiple %mul3A_312, 4096 : i32
      %jit3A_314 = arith.constant 4 : i32
      %div3A_315 = arith.divsi %multiple_of3A_313, %jit3A_314 : i32
      %sign3A_316 = arith.constant 0 : i32
      %sign3A_317 = arith.cmpi sgt, %multiple_of3A_313, %sign3A_316 : i32
      %sign3A_318 = arith.extui %sign3A_317 : i1 to i32
      %sign3A_319 = arith.constant 0 : i32
      %sign3A_320 = arith.cmpi slt, %multiple_of3A_313, %sign3A_319 : i32
      %sign3A_321 = arith.extui %sign3A_320 : i1 to i32
      %sign3A_322 = arith.subi %sign3A_318, %sign3A_321 : i32
      %sign3A_323 = arith.constant 0 : i32
      %sign3A_324 = arith.cmpi sgt, %jit3A_314, %sign3A_323 : i32
      %sign3A_325 = arith.extui %sign3A_324 : i1 to i32
      %sign3A_326 = arith.constant 0 : i32
      %sign3A_327 = arith.cmpi slt, %jit3A_314, %sign3A_326 : i32
      %sign3A_328 = arith.extui %sign3A_327 : i1 to i32
      %sign3A_329 = arith.subi %sign3A_325, %sign3A_328 : i32
      %ne3A_330 = arith.cmpi ne, %sign3A_322, %sign3A_329 : i32
      %rem3A_331 = arith.remsi %multiple_of3A_313, %jit3A_314 : i32
      %ne3A_332 = arith.constant 0 : i32
      %ne3A_333 = arith.cmpi ne, %rem3A_331, %ne3A_332 : i32
      %and3A_334 = arith.andi %ne3A_330, %ne3A_333 : i1
      %sub3A_335 = arith.constant 1 : i32
      %sub3A_336 = arith.subi %div3A_315, %sub3A_335 : i32
      %select_n3A_337 = arith.select %and3A_334, %sub3A_336, %div3A_315 : i32
      %multiple_of3A_338 = tpu.assume_multiple %select_n3A_337, 1024 : i32
      %dma_start3A_339 = tpu.memref_slice %arg3[%multiple_of3A_294, %multiple_of3A_338] : memref<8192x2048xf32, #tpu.memory_space<hbm>> -> memref<8x1024xf32, #tpu.memory_space<hbm>>
      %dma_start3A_340 = tpu.memref_slice %arg3[%multiple_of3A_294, %multiple_of3A_338] : memref<8192x2048xf32, #tpu.memory_space<hbm>> -> memref<8x1024xf32, #tpu.memory_space<hbm>>
      tpu.enqueue_dma source(%arg7 : memref<8x1024xf32, #tpu.memory_space<vmem>>) target(%dma_start3A_340 : memref<8x1024xf32, #tpu.memory_space<hbm>>) target_semaphore(%arg11 : memref<!tpu.dma_semaphore, #tpu.memory_space<semaphore_mem>>)
    }
    %scan3A_18 = arith.constant 32 : i32
    %dma_wait3A = arith.constant 0 : i32
    %dma_wait3A_19 = arith.constant 0 : i32
    %dma_wait3A_20 = tpu.memref_slice %arg3[%dma_wait3A, %dma_wait3A_19] : memref<8192x2048xf32, #tpu.memory_space<hbm>> -> memref<8x1024xf32, #tpu.memory_space<hbm>>
    %dma_wait3A_21 = arith.constant 0 : i32
    %dma_wait3A_22 = arith.constant 0 : i32
    %dma_wait3A_23 = tpu.memref_slice %arg3[%dma_wait3A_21, %dma_wait3A_22] : memref<8192x2048xf32, #tpu.memory_space<hbm>> -> memref<8x1024xf32, #tpu.memory_space<hbm>>
    tpu.wait_dma2 semaphore(%arg10 : memref<!tpu.dma_semaphore, #tpu.memory_space<semaphore_mem>>) src(%arg6 : memref<8x1024xf32, #tpu.memory_space<vmem>>) dst(%dma_wait3A_23 : memref<8x1024xf32, #tpu.memory_space<hbm>>)
    %dma_wait3A_24 = arith.constant 0 : i32
    %dma_wait3A_25 = arith.constant 0 : i32
    %dma_wait3A_26 = tpu.memref_slice %arg3[%dma_wait3A_24, %dma_wait3A_25] : memref<8192x2048xf32, #tpu.memory_space<hbm>> -> memref<8x1024xf32, #tpu.memory_space<hbm>>
    %dma_wait3A_27 = arith.constant 0 : i32
    %dma_wait3A_28 = arith.constant 0 : i32
    %dma_wait3A_29 = tpu.memref_slice %arg3[%dma_wait3A_27, %dma_wait3A_28] : memref<8192x2048xf32, #tpu.memory_space<hbm>> -> memref<8x1024xf32, #tpu.memory_space<hbm>>
    tpu.wait_dma2 semaphore(%arg11 : memref<!tpu.dma_semaphore, #tpu.memory_space<semaphore_mem>>) src(%arg7 : memref<8x1024xf32, #tpu.memory_space<vmem>>) dst(%dma_wait3A_29 : memref<8x1024xf32, #tpu.memory_space<hbm>>)
    return
  }
}

</mosaic_0001>

<sc_bundles>
// kernel: kernel.3.cloned.1.call-start
scs
__scs_entry_jumppad:
0x0: {  	(pc) =	sbr.rel $0x88, $3  }
0x1: {  	(tag) =	ssettag $0x0;
	lr =	simm.s32 $0x1  }
0x2: {  	[smem:$0x3FA0] =	sst lr;
	_ =	strace $0xD0000000  }
0x3: {  	_ = 	snop  }
0x4: {  	_ = 	snop  }
0x5: {  	_ = 	snop  }
0x6: {  	_ = 	snop  }
0x7: {  	_ = 	snop  }
__scs_overlays_trampoline_lowered:
0x8: {  	[smem:$0x3FAF] =	sst s0  }
0x9: {  	[smem:$0x3FB0] =	sst s1  }
0xa: {  	[smem:$0x3FB1] =	sst s2  }
0xb: {  	[smem:$0x3FB2] =	sst s3  }
0xc: {  	[smem:$0x3FB3] =	sst s4  }
0xd: {  	[smem:$0x3FB4] =	sst s5  }
0xe: {  	[smem:$0x3FB5] =	sst s6  }
0xf: {  	[smem:$0x3FB6] =	sst s7  }
0x10: {  	[smem:$0x3FB7] =	sst s8  }
0x11: {  	[smem:$0x3FB8] =	sst s9;
	s0 =	simm.s32 @!p0 $0x0  }
0x12: {  	s1 =	sld [smem:$0x3F9E];
	s0 =	simm.s32 @p0 $0x1  }
0x13: {  	[smem:$0x3FB9] =	sst s0;
	s0 =	simm.s32 @!p1 $0x0  }
0x14: {  	s2 =	sld [smem:$0x3F9D];
	s0 =	simm.s32 @p1 $0x1  }
0x15: {  	[smem:$0x3FBA] =	sst s0;
	s0 =	simm.s32 @!p2 $0x0  }
0x16: {  	s3 =	sld [smem:$0x3FDB];
	s0 =	simm.s32 @p2 $0x1  }
0x17: {  	s4 =	simm.s32 $0x1BF5;
	[smem:$0x3FBC] =	sst s0  }
0x18: {  	s0 =	sld [smem:$0x3F9F];
	_ =	swait.ge [sflag:s4], $0x0  }
0x19: {  	s7 =	sld [smem:$0x3FA0]  }
0x1a: {  	s8 =	sadd.s32 $0xFFFFE003, lr  }
0x1b: {  	s9 =	sadd.s32 $0xFFFFFEF7, lr;
	s5 =	simm.s32 $0xFFFFFFFF;
	p2 =	slt.u32 s8, $0xFFFFF086  }
0x1c: {  	p1 =	slt.u32 s9, $0xF7A;
	s5 =	simm.s32 @!p2 $0x0  }
0x1d: {  	s5 =	simm.s32 @p1 $0x1;
	p0 =	seq.s32 s7, s2  }
0x1e: {  	s7 =	smul.u32 @!p0 $0xF7A, s2;
	p2 =	seq.s32 @!p0 s5, $0x0  }
0x1f: {  	s9 =	smul.u32 $0xF7A, s1;
	s8 =	simm.s32 @!p0 $0x1BF5;
	p2 =	por !p2, p0  }
0x20: {  	[sflag:s8] =	ssyncset.s32 @!p0 $0xFFFFF086;
	s6 =	sadd.s32 @!p0 s3, s7;
	s7 =	simm.s32 @!p0 $0x108  }
0x21: {  	s3 =	sadd.s32 s3, s9;
	s6 =	sadd.s32 @!p0 $0x88, s6;
	s7 =	simm.s32 @p2 $0x1082  }
0x22: {  	[simem:s7], [sflag:s8] =	dma.local @!p0 [hbm:s6], $0xF7A  }
0x23: {  	s9 =	sor.u32 $0xD0000000, s2;
	s6 =	simm.s32 $0x108;
	_ =	swait.ge @!p0 [sflag:s8], $0x0  }
0x24: {  	s3 =	sadd.s32 $0x88, s3;
	s6 =	simm.s32 @!p1 $0x1082;
	[sflag:s4] =	ssyncset.s32 $0xFFFFF086  }
0x25: {  	[simem:s6], [sflag:s4] =	dma.local [hbm:s3], $0xF7A  }
0x26: {  	[smem:$0x3FA0] =	sst s1;
	(tag) =	ssettag s2;
	_ =	strace s9  }
0x27: {  	s1 =	sld [smem:$0x3FB0]  }
0x28: {  	s2 =	sld [smem:$0x3FB1]  }
0x29: {  	s4 =	sld [smem:$0x3FB3]  }
0x2a: {  	p0 =	seq.s32 s5, $0x0;
	s5 =	sld [smem:$0x3FB4]  }
0x2b: {  	s6 =	sld [smem:$0x3FB5]  }
0x2c: {  	s7 =	sld [smem:$0x3FB6]  }
0x2d: {  	s3 =	simm.s32 $0x108;
	s8 =	sld [smem:$0x3FB7]  }
0x2e: {  	s3 =	simm.s32 @!p0 $0x1082;
	s9 =	sld [smem:$0x3FB8]  }
0x2f: {  	lr =	sadd.s32 s0, s3;
	s0 =	sld [smem:$0x3FAF]  }
0x30: {  	s3 =	sld [smem:$0x3FB2]  }
0x31: {  	[smem:$0x3FBB] =	sst s10  }
0x32: {  	s10 =	sld [smem:$0x3FB9];
	_ =	sdelay $0x3  }
0x33: {  	p0 =	seq.s32 s10, $0x1;
	s10 =	sld [smem:$0x3FBB];
	_ =	sdelay $0x3  }
0x34: {  	[smem:$0x3FBB] =	sst s10  }
0x35: {  	s10 =	sld [smem:$0x3FBA];
	_ =	sdelay $0x3  }
0x36: {  	p1 =	seq.s32 s10, $0x1;
	s10 =	sld [smem:$0x3FBB];
	_ =	sdelay $0x3  }
0x37: {  	[smem:$0x3FBB] =	sst s10  }
0x38: {  	s10 =	sld [smem:$0x3FBC]  }
0x39: {  	_ = 	snop;
	(pc) =	sbr.ind lr, $3  }
0x3a: {  	_ = 	snop  }
0x3b: {  	_ = 	snop  }
0x3c: {  	p2 =	seq.s32 s10, $0x1;
	s10 =	sld [smem:$0x3FBB]  }
0x3d: {  	_ =	shalt  }
0x3e: {  	_ =	shalt  }
0x3f: {  	_ =	shalt  }
0x40: {  	_ =	shalt  }
0x41: {  	_ =	shalt  }
0x42: {  	_ =	shalt  }
0x43: {  	_ =	shalt  }
0x44: {  	_ =	shalt  }
0x45: {  	_ =	shalt  }
0x46: {  	_ =	shalt  }
0x47: {  	_ =	shalt  }
0x48: {  	_ =	shalt  }
0x49: {  	_ =	shalt  }
0x4a: {  	_ =	shalt  }
0x4b: {  	_ =	shalt  }
0x4c: {  	_ =	shalt  }
0x4d: {  	_ =	shalt  }
0x4e: {  	_ =	shalt  }
0x4f: {  	_ =	shalt  }
0x50: {  	_ =	shalt  }
0x51: {  	_ =	shalt  }
0x52: {  	_ =	shalt  }
0x53: {  	_ =	shalt  }
0x54: {  	_ =	shalt  }
0x55: {  	_ =	shalt  }
0x56: {  	_ =	shalt  }
0x57: {  	_ =	shalt  }
0x58: {  	_ =	shalt  }
0x59: {  	_ =	shalt  }
0x5a: {  	_ =	shalt  }
0x5b: {  	_ =	shalt  }
0x5c: {  	_ =	shalt  }
0x5d: {  	_ =	shalt  }
0x5e: {  	_ =	shalt  }
0x5f: {  	_ =	shalt  }
0x60: {  	_ =	shalt  }
0x61: {  	_ =	shalt  }
0x62: {  	_ =	shalt  }
0x63: {  	_ =	shalt  }
0x64: {  	_ =	shalt  }
0x65: {  	_ =	shalt  }
0x66: {  	_ =	shalt  }
0x67: {  	_ =	shalt  }
0x68: {  	_ =	shalt  }
0x69: {  	_ =	shalt  }
0x6a: {  	_ =	shalt  }
0x6b: {  	_ =	shalt  }
0x6c: {  	_ =	shalt  }
0x6d: {  	_ =	shalt  }
0x6e: {  	_ =	shalt  }
0x6f: {  	_ =	shalt  }
0x70: {  	_ =	shalt  }
0x71: {  	_ =	shalt  }
0x72: {  	_ =	shalt  }
0x73: {  	_ =	shalt  }
0x74: {  	_ =	shalt  }
0x75: {  	_ =	shalt  }
0x76: {  	_ =	shalt  }
0x77: {  	_ =	shalt  }
0x78: {  	_ =	shalt  }
0x79: {  	_ =	shalt  }
0x7a: {  	_ =	shalt  }
0x7b: {  	_ =	shalt  }
0x7c: {  	_ =	shalt  }
0x7d: {  	_ =	shalt  }
0x7e: {  	_ =	shalt  }
0x7f: {  	_ =	shalt  }
0x80: {  	_ =	shalt  }
0x81: {  	_ =	shalt  }
0x82: {  	_ =	shalt  }
0x83: {  	_ =	shalt  }
0x84: {  	_ =	shalt  }
0x85: {  	_ =	shalt  }
0x86: {  	_ =	shalt  }
0x87: {  	_ =	shalt  }
.Lfunc_end0:
.L_simem_size_0:
called_computation_lowered:
.L_overlay_start_0:
0x88: {  	s2 =	sld [smem:$0x3FD9]  }
0x89: {  	s3 =	sld [smem:$0x3FFE];
	_ =	sdelay $0x1  }
0x8a: {  	s1 =	srdreg.scid  }
0x8b: {  	s0 =	sand.u32 $0x1, s1  }
0x8c: {  	s18 =	sshll.u32 s0, $0xA;
	s2 =	sadd.s32 s3, s2  }
0x8d: {  	s2 =	sadd.s32 s2, s18  }
0x8e: {  	[smem:$0x3FC7] =	sst s2  }
0x8f: {  	_ = 	snop  }
0x90: {  	s2 =	sld [smem:$0x3FC9]  }
0x91: {  	s19 =	sld [smem:$0x3FD0];
	(tm) =	ssettm $0x1  }
0x92: {  	s4 =	sld [smem:$0x3FFB];
	_ =	sdelay $0x3  }
0x93: {  	_ =	strace s4  }
0x94: {  	s4 =	sld [smem:$0x3FFC];
	_ =	sdelay $0x3  }
0x95: {  	_ =	strace s4  }
0x96: {  	s4 =	sld [smem:$0x3FFD];
	_ =	sdelay $0x3  }
0x97: {  	_ =	strace s4  }
0x98: {  	_ =	strace $0x8FFFFFFF  }
0x99: {  	s20 =	sld [smem:$0x3FDB];
	_ =	sdelay $0x1  }
0x9a: {  	s5 =	simm.s32 $_scs_section_size  }
0x9b: {  	s6 =	simm.s32 $_size__tile_overlayer_lowered;
	s7 =	simm.s32 $_tile_overlayer_lowered  }
0x9c: {  	s23 =	simm.s32 $0x1BFF;
	s22 =	sshll.u32 s7, $0x1;
	s4 =	sadd.s32 s5, s20  }
0x9d: {  	s8 =	simm.s32 $0x0;
	s21 =	sshll.u32 s6, $0x1;
	s6 =	sadd.s32 s22, s4  }
0x9e: {  	[timem:s8], [sflag:s23] =	dma.local [hbm:s6], s21  }
0x9f: {  	_ =	swait.ge [sflag:s23], s21  }
0xa0: {  	s5 =	ssub.s32 $0x0, s21;
	[sflag:s23] =	ssyncset.done $0x0  }
0xa1: {  	[sflag:s23] =	ssyncadd.s32 s5;
	_ =	sdelay $0x1  }
0xa2: {  	s24 =	simm.s32 $0x1B8B  }
0xa3: {  	_ =	swait.ge [sflag:s24], $0x1  }
0xa4: {  	[sflag:s24] =	ssyncset.done $0x0  }
0xa5: {  	s25 =	simm.s32 $0x1B8E;
	[sflag:s24] =	ssyncadd.s32 $0xFFFFFFFF  }
0xa6: {  	s26 =	simm.s32 $execute0_lowered;
	[smem:$0x3FD2] =	sst s25  }
0xa7: {  	s5 =	sshll.u32 s26, $0x1;
	_ =	strace $0x80000046;
	[dreg:$0x1] =	wrdreg $0xFFFFFFFF  }
0xa8: {  	s28 =	simm.s32 $_size_execute0_lowered;
	s4 =	sadd.s32 s4, s5;
	[dreg:$0x0] =	wrdreg $0x0  }
0xa9: {  	s5 =	sshll.u32 s28, $0x1;
	[dreg:$0x2] =	wrdreg s4  }
0xaa: {  	[dreg:$0x3] =	wrdreg s5  }
0xab: {  	[dreg:$0x4] =	wrdreg $0xC0  }
0xac: {  	_ =	task [dreg:s8], $0x5FFFF  }
0xad: {  	[dreg:$0x1] =	wrdreg $0xFFFFFFFF  }
0xae: {  	[dreg:$0x0] =	wrdreg $0x60  }
0xaf: {  	[dreg:$0x2] =	wrdreg s2  }
0xb0: {  	[dreg:$0x3] =	wrdreg s19  }
0xb1: {  	[dreg:$0x4] =	wrdreg $0x9  }
0xb2: {  	_ =	task.clear_ibuf [dreg:s8], $0x5FFFF;
	_ =	strace $0x90000046  }
0xb3: {  	s29 =	simm.s32 $0x9;
	_ =	strace $0x80000048  }
0xb4: {  	_ =	swait.ge [sflag:s29], $0x1  }
0xb5: {  	[sflag:s29] =	ssyncadd.s32 $0xFFFFFFFF  }
0xb6: {  	_ =	strace $0x90000048  }
0xb7: {  	_ =	sfence  }
0xb8: {  	s30 =	sld [smem:$0x0];
	_ =	sdelay $0x2  }
0xb9: {  	s31 =	sshll.u32 s1, $0xD;
	s1 =	sshrl.u32 s1, $0x2  }
0xba: {  	s3 =	sand.u32 $0x4000, s31;
	s1 =	sadd.s32 s1, s30  }
0xbb: {  	s0 =	sor.u32 s3, s0;
	s1 =	sshll.u32 s1, $0x11  }
0xbc: {  	s0 =	sor.u32 s1, s0  }
0xbd: {  	s0 =	sadd.s32 $0x8F2B, s0  }
0xbe: {  	[sflag:s0] =	ssyncadd.remote.s32 $0x1  }
0xbf: {  	_ =	sfence.sel $0xFFFF  }
0xc0: {  	[dreg:$0x0] =	wrdreg $0xFFFFFFFF;
	(pc) =	sbr.abs _section_cstart, $3  }
0xc1: {  	[dreg:$0x1] =	wrdreg $0xFFFFFFFF  }
0xc2: {  	_ =	task.clear_ibuf [dreg:s8], $0x2FFFF;
	_ =	strace $0x9FFFFFFF  }
0xc3: {  	(tm) =	ssettm $0x7FFFFFFF  }
tec
execute0_lowered:
.L_overlay_start_1:
0x0: {  	(tag) =	ssettag $0x1  }
0x1: {  	s6 =	rddreg [dreg:$0x0]  }
0x2: {  	s2 =	rddreg [dreg:$0x1];
	s3 =	srdreg.scid  }
0x3: {  	s0 =	rddreg [dreg:$0x2];
	s1 =	stileid.u32;
	s10 =	simm.s32 $0x8000  }
0x4: {  	s11 =	simm.s32 $0x1;
	s12 =	simm.s32 $0x10000;
	s13 =	simm.s32 $0x2  }
0x5: {  	s14 =	simm.s32 $0x4;
	s15 =	simm.s32 $0x12000;
	s16 =	simm.s32 $0x3  }
0x6: {  	s17 =	simm.s32 $0x0;
	s4 =	sand.u32 $0x1, s3;
	s3 =	simm.s32 $0x0  }
0x7: {  	s5 =	sshll.u32 s1, $0x9;
	s7 =	sshll.u32 s4, $0x8;
	s4 =	ssub.s32 $0x2, s4  }
0x8: {  	v0 =	vlaneseq.u32;
	[smem:$0x7FF] =	sst s3;
	s5 =	sor.u32 s7, s5;
	s31 =	sshrl.u32 s4, $0x1  }
0x9: {  	v2 =	vmul.u32 $0x4, v0;
	_ =	strace $0x80000047;
	s8 =	sshll.u32 s5, $0xA;
	s9 =	ssub.s32 s4, s31  }
0xa: {  	vm0 =	vcmask $0x300;
	v0 =	vimm.s32 $0x0;
	s5 =	sshrl.u32 s5, $0x3;
	s4 =	sadd.s32 s6, s8;
	s6 =	sadd.s32 $0x1000, s6  }
0xb: {  	v0 =	vsel vm0, $0xA, v0;
	v1 =	vor.u32 $0x2, v2;
	v2 =	vor.u32 $0x42, v2;
	s8 =	sadd.s32 $0x400, s2;
	s9 =	smax.u32 s9, $0x1;
	s7 =	sadd.s32 $0x2000, s4  }
.LBB2_1:
0xc: {  	[tilespmem:s3], [sflag:$0x1] =	stream.linear.gather [hbm4b:s4+s3], $0x8000, $0x38;
	[tilespmem:$0x14000] =	vst v63  }
0xd: {  	s18 =	simm.s32 $0x0  }
.LBB2_2:
0xe: {  	s20 =	simm.s32 $0x0  }
0xf: {  	s19 =	sor.u32 s5, s18;
	v3 =	vmov s20  }
0x10: {  	s21 =	sshll.u32 s19, $0xD;
	v3 =	vshrl.u32 v3, $0x7  }
0x11: {  	s21 =	sadd.s32 s21, s6;
	v3 =	vshll.u32 v3, v0  }
0x12: {  	[tilespmem:s10], [sflag:$0x2] =	stream.linear.gather [hbm4b:s21+s3], $0x8000, $0x38;
	v4 =	vbroadcast v3, $0x0;
	[tilespmem:$0x14000] =	vst v63  }
0x13: {  	_ =	swait.ge [sflag:s11], $0x8000  }
0x14: {  	p0 =	seq.s32 s18, $0x0;
	[sflag:s11] =	ssyncset.done $0x0;
	v5 =	vor.u32 v1, v4  }
0x15: {  	s21 =	simm.s32 @!p0 $0x3;
	[sflag:s11] =	ssyncadd.s32 $0xFFFF8000  }
0x16: {  	_ =	swait.ge @!p0 [sflag:s21], $0x2000  }
0x17: {  	[sflag:s21] =	ssyncset.done @!p0 $0x0  }
0x18: {  	[sflag:s21] =	ssyncadd.s32 @!p0 $0xFFFFE000  }
0x19: {  	v5 =	vld.idx.msk [tilespmem:v5+s20+$0x0], $0xffff  }
0x1a: {  	s26 =	simm.s32 $0x80;
	v6 =	vor.u32 v2, v4  }
0x1b: {  	v4 =	vmov s26  }
0x1c: {  	v4 =	vshrl.u32 v4, $0x7  }
0x1d: {  	v4 =	vshll.u32 v4, v0;
	s21 =	simm.s32 $0x10040  }
0x1e: {  	[tilespmem:s21+$0xFFFFFFC0] =	vst v5;
	v5 =	vbroadcast v4, $0x0  }
0x1f: {  	v6 =	vld.idx.msk [tilespmem:v6+s20+$0x0], $0xffff  }
0x20: {  	s22 =	simm.s32 $0xC0;
	v7 =	vor.u32 v1, v5  }
0x21: {  	v5 =	vmov s22  }
0x22: {  	v5 =	vshrl.u32 v5, $0x7  }
0x23: {  	v5 =	vshll.u32 v5, v0  }
0x24: {  	[tilespmem:s21+$0xFFFFFFD0] =	vst v6;
	v6 =	vbroadcast v5, $0x0  }
0x25: {  	v7 =	vld.idx.msk [tilespmem:v7+s20+$0x0], $0xffff  }
0x26: {  	s28 =	simm.s32 $0x100;
	v8 =	vor.u32 v2, v6  }
0x27: {  	v6 =	vmov s28  }
0x28: {  	v6 =	vshrl.u32 v6, $0x7  }
0x29: {  	v6 =	vshll.u32 v6, v0  }
0x2a: {  	[tilespmem:s21+$0xFFFFFFE0] =	vst v7;
	v7 =	vbroadcast v6, $0x0  }
0x2b: {  	v8 =	vld.idx.msk [tilespmem:v8+s20+$0x0], $0xffff  }
0x2c: {  	s29 =	simm.s32 $0x140;
	v9 =	vor.u32 v1, v7  }
0x2d: {  	v7 =	vmov s29  }
0x2e: {  	v7 =	vshrl.u32 v7, $0x7  }
0x2f: {  	v7 =	vshll.u32 v7, v0  }
0x30: {  	[tilespmem:s21+$0xFFFFFFF0] =	vst v8;
	v8 =	vbroadcast v7, $0x0  }
0x31: {  	v9 =	vld.idx.msk [tilespmem:v9+s20+$0x0], $0xffff  }
0x32: {  	s30 =	simm.s32 $0x180;
	v10 =	vor.u32 v2, v8  }
0x33: {  	v8 =	vmov s30  }
0x34: {  	v8 =	vshrl.u32 v8, $0x7  }
0x35: {  	v8 =	vshll.u32 v8, v0  }
0x36: {  	[tilespmem:s21+$0x0] =	vst v9;
	v9 =	vbroadcast v8, $0x0  }
0x37: {  	v10 =	vld.idx.msk [tilespmem:v10+s20+$0x0], $0xffff  }
0x38: {  	s31 =	simm.s32 $0x1C0;
	v11 =	vor.u32 v1, v9  }
0x39: {  	v9 =	vmov s31  }
0x3a: {  	v9 =	vshrl.u32 v9, $0x7  }
0x3b: {  	v9 =	vshll.u32 v9, v0  }
0x3c: {  	v12 =	vbroadcast v9, $0x0;
	[tilespmem:s21+$0x10] =	vst v10  }
0x3d: {  	v10 =	vld.idx.msk [tilespmem:v11+s20+$0x0], $0xffff  }
0x3e: {  	v11 =	vor.u32 v2, v12  }
0x3f: {  	s23 =	simm.s32 $0x0;
	s24 =	simm.s32 $0x200  }
.LBB2_3:
0x40: {  	v12 =	vmov s24;
	s23 =	sadd.s32 $0x8, s23  }
0x41: {  	v12 =	vshrl.u32 v12, $0x7;
	p1 =	slt.u32 s23, $0x38  }
0x42: {  	v12 =	vshll.u32 v12, v0;
	[tilespmem:s21+$0x20] =	vst v10  }
0x43: {  	v10 =	vbroadcast v12, $0x0;
	v11 =	vld.idx.msk [tilespmem:v11+s20+$0x0], $0xffff;
	_ =	sdelay $0x1  }
0x44: {  	v12 =	vor.u32 v1, v10;
	_ =	sdelay $0x3  }
0x45: {  	s22 =	simm.s32 $0x100F0;
	[tilespmem:s21+$0x30] =	vst v11  }
0x46: {  	v11 =	vld.idx.msk [tilespmem:v12+s20+$0x0], $0xffff;
	_ =	sdelay $0x1  }
0x47: {  	v10 =	vor.u32 v2, v10  }
0x48: {  	s25 =	sadd.s32 $0x80, s24  }
0x49: {  	v12 =	vmov s25  }
0x4a: {  	s21 =	sadd.s32 $0x400, s21;
	v12 =	vshrl.u32 v12, $0x7  }
0x4b: {  	[tilespmem:s21+$0xFFFFFFC0] =	vst v11;
	v11 =	vshll.u32 v12, v0  }
0x4c: {  	v10 =	vld.idx.msk [tilespmem:v10+s20+$0x0], $0xffff;
	v11 =	vbroadcast v11, $0x0;
	_ =	sdelay $0x1  }
0x4d: {  	v11 =	vor.u32 v1, v11  }
0x4e: {  	s25 =	sadd.s32 $0xC0, s24  }
0x4f: {  	v12 =	vmov s25  }
0x50: {  	v12 =	vshrl.u32 v12, $0x7  }
0x51: {  	[tilespmem:s21+$0xFFFFFFD0] =	vst v10;
	v10 =	vshll.u32 v12, v0  }
0x52: {  	v11 =	vld.idx.msk [tilespmem:v11+s20+$0x0], $0xffff;
	v10 =	vbroadcast v10, $0x0;
	_ =	sdelay $0x1  }
0x53: {  	v10 =	vor.u32 v2, v10  }
0x54: {  	s25 =	sadd.s32 $0x100, s24  }
0x55: {  	v12 =	vmov s25  }
0x56: {  	v12 =	vshrl.u32 v12, $0x7  }
0x57: {  	[tilespmem:s21+$0xFFFFFFE0] =	vst v11;
	v11 =	vshll.u32 v12, v0  }
0x58: {  	v10 =	vld.idx.msk [tilespmem:v10+s20+$0x0], $0xffff;
	v11 =	vbroadcast v11, $0x0;
	_ =	sdelay $0x1  }
0x59: {  	v11 =	vor.u32 v1, v11  }
0x5a: {  	s25 =	sadd.s32 $0x140, s24  }
0x5b: {  	v12 =	vmov s25  }
0x5c: {  	v12 =	vshrl.u32 v12, $0x7  }
0x5d: {  	[tilespmem:s21+$0xFFFFFFF0] =	vst v10;
	v10 =	vshll.u32 v12, v0  }
0x5e: {  	v11 =	vld.idx.msk [tilespmem:v11+s20+$0x0], $0xffff;
	v10 =	vbroadcast v10, $0x0;
	_ =	sdelay $0x1  }
0x5f: {  	v10 =	vor.u32 v2, v10  }
0x60: {  	s25 =	sadd.s32 $0x180, s24  }
0x61: {  	v12 =	vmov s25  }
0x62: {  	v12 =	vshrl.u32 v12, $0x7  }
0x63: {  	[tilespmem:s21+$0x0] =	vst v11;
	v11 =	vshll.u32 v12, v0  }
0x64: {  	v10 =	vld.idx.msk [tilespmem:v10+s20+$0x0], $0xffff;
	v11 =	vbroadcast v11, $0x0;
	_ =	sdelay $0x1  }
0x65: {  	v11 =	vor.u32 v1, v11  }
0x66: {  	s25 =	sadd.s32 $0x1C0, s24  }
0x67: {  	v12 =	vmov s25  }
0x68: {  	v12 =	vshrl.u32 v12, $0x7  }
.Ltmp0:
0x69: {  	v12 =	vshll.u32 v12, v0;
	[tilespmem:s21+$0x10] =	vst v10;
	(pc) =	sbr.rel @p1 .LBB2_3-.Ltmp0, $3  }
0x6a: {  	v10 =	vld.idx.msk [tilespmem:v11+s20+$0x0], $0xffff;
	v11 =	vbroadcast v12, $0x0;
	_ =	sdelay $0x1  }
0x6b: {  	v11 =	vor.u32 v2, v11  }
0x6c: {  	s24 =	sadd.s32 $0x200, s24  }
0x6d: {  	_ =	sdelay $0x1  }
0x6e: {  	v3 =	vadd.s32 $0x80, v3  }
0x6f: {  	[tilespmem:s21+$0x20] =	vst v10;
	v3 =	vbroadcast v3, $0x0  }
0x70: {  	v10 =	vld.idx.msk [tilespmem:v11+s20+$0x0], $0xffff  }
0x71: {  	v63 =	vor.u32 v1, v3;
	_ =	sdelay $0x3  }
0x72: {  	s20 =	simm.s32 $0x0;
	[tilespmem:s21+$0x30] =	vst v10  }
0x73: {  	v10 =	vld.idx.msk [tilespmem:v63+s20+$0x0], $0xffff  }
0x74: {  	v3 =	vor.u32 v2, v3;
	_ =	sdelay $0x2  }
0x75: {  	v4 =	vadd.s32 $0x80, v4  }
0x76: {  	v4 =	vbroadcast v4, $0x0;
	[tilespmem:s22+$0xFFFFFF90] =	vst v10  }
0x77: {  	v3 =	vld.idx.msk [tilespmem:v3+s20+$0x0], $0xffff  }
0x78: {  	v4 =	vor.u32 v1, v4;
	_ =	sdelay $0x2  }
0x79: {  	v5 =	vadd.s32 $0x80, v5  }
0x7a: {  	[tilespmem:s22+$0xFFFFFFA0] =	vst v3;
	v3 =	vbroadcast v5, $0x0  }
0x7b: {  	v4 =	vld.idx.msk [tilespmem:v4+s20+$0x0], $0xffff  }
0x7c: {  	v3 =	vor.u32 v2, v3;
	_ =	sdelay $0x2  }
0x7d: {  	v5 =	vadd.s32 $0x80, v6  }
0x7e: {  	[tilespmem:s22+$0xFFFFFFB0] =	vst v4;
	v4 =	vbroadcast v5, $0x0  }
0x7f: {  	v3 =	vld.idx.msk [tilespmem:v3+s20+$0x0], $0xffff  }
0x80: {  	v4 =	vor.u32 v1, v4;
	_ =	sdelay $0x2  }
0x81: {  	v5 =	vadd.s32 $0x80, v7  }
0x82: {  	[tilespmem:s22+$0xFFFFFFC0] =	vst v3;
	v3 =	vbroadcast v5, $0x0  }
0x83: {  	v4 =	vld.idx.msk [tilespmem:v4+s20+$0x0], $0xffff  }
0x84: {  	v3 =	vor.u32 v2, v3;
	_ =	sdelay $0x2  }
0x85: {  	v5 =	vadd.s32 $0x80, v8  }
0x86: {  	[tilespmem:s22+$0xFFFFFFD0] =	vst v4;
	v4 =	vbroadcast v5, $0x0  }
0x87: {  	v3 =	vld.idx.msk [tilespmem:v3+s20+$0x0], $0xffff  }
0x88: {  	v4 =	vor.u32 v1, v4;
	_ =	sdelay $0x2  }
0x89: {  	v5 =	vadd.s32 $0x80, v9  }
0x8a: {  	v5 =	vbroadcast v5, $0x0;
	[tilespmem:s22+$0xFFFFFFE0] =	vst v3  }
0x8b: {  	v4 =	vld.idx.msk [tilespmem:v4+s20+$0x0], $0xffff  }
0x8c: {  	s23 =	simm.s32 $0x0;
	s24 =	simm.s32 $0x200;
	v5 =	vor.u32 v2, v5  }
.LBB2_5:
0x8d: {  	v3 =	vmov s24;
	s23 =	sadd.s32 $0x8, s23  }
0x8e: {  	v3 =	vshrl.u32 v3, $0x7;
	p1 =	slt.u32 s23, $0x38  }
0x8f: {  	v3 =	vshll.u32 v3, v0  }
0x90: {  	v3 =	vadd.s32 $0x80, v3;
	[tilespmem:s22+$0xFFFFFFF0] =	vst v4  }
0x91: {  	v3 =	vbroadcast v3, $0x0;
	v4 =	vld.idx.msk [tilespmem:v5+s20+$0x0], $0xffff;
	_ =	sdelay $0x1  }
0x92: {  	v5 =	vor.u32 v1, v3;
	_ =	sdelay $0x3  }
0x93: {  	s21 =	simm.s32 $0x10170;
	[tilespmem:s22+$0x0] =	vst v4  }
0x94: {  	v4 =	vld.idx.msk [tilespmem:v5+s20+$0x0], $0xffff;
	_ =	sdelay $0x1  }
0x95: {  	s25 =	sadd.s32 $0x80, s24;
	v3 =	vor.u32 v2, v3  }
0x96: {  	v5 =	vmov s25  }
0x97: {  	v5 =	vshrl.u32 v5, $0x7  }
0x98: {  	s22 =	sadd.s32 $0x400, s22;
	v5 =	vshll.u32 v5, v0  }
0x99: {  	[tilespmem:s22+$0xFFFFFF90] =	vst v4;
	v4 =	vadd.s32 $0x80, v5  }
0x9a: {  	v3 =	vld.idx.msk [tilespmem:v3+s20+$0x0], $0xffff;
	v4 =	vbroadcast v4, $0x0;
	_ =	sdelay $0x1  }
0x9b: {  	s25 =	sadd.s32 $0xC0, s24;
	v4 =	vor.u32 v1, v4  }
0x9c: {  	v5 =	vmov s25  }
0x9d: {  	v5 =	vshrl.u32 v5, $0x7  }
0x9e: {  	v5 =	vshll.u32 v5, v0  }
0x9f: {  	[tilespmem:s22+$0xFFFFFFA0] =	vst v3;
	v3 =	vadd.s32 $0x80, v5  }
0xa0: {  	v4 =	vld.idx.msk [tilespmem:v4+s20+$0x0], $0xffff;
	v3 =	vbroadcast v3, $0x0;
	_ =	sdelay $0x1  }
0xa1: {  	s25 =	sadd.s32 $0x100, s24;
	v3 =	vor.u32 v2, v3  }
0xa2: {  	v5 =	vmov s25  }
0xa3: {  	v5 =	vshrl.u32 v5, $0x7  }
0xa4: {  	v5 =	vshll.u32 v5, v0  }
0xa5: {  	[tilespmem:s22+$0xFFFFFFB0] =	vst v4;
	v4 =	vadd.s32 $0x80, v5  }
0xa6: {  	v3 =	vld.idx.msk [tilespmem:v3+s20+$0x0], $0xffff;
	v4 =	vbroadcast v4, $0x0;
	_ =	sdelay $0x1  }
0xa7: {  	s25 =	sadd.s32 $0x140, s24;
	v4 =	vor.u32 v1, v4  }
0xa8: {  	v5 =	vmov s25  }
0xa9: {  	v5 =	vshrl.u32 v5, $0x7  }
0xaa: {  	v5 =	vshll.u32 v5, v0  }
0xab: {  	[tilespmem:s22+$0xFFFFFFC0] =	vst v3;
	v3 =	vadd.s32 $0x80, v5  }
0xac: {  	v4 =	vld.idx.msk [tilespmem:v4+s20+$0x0], $0xffff;
	v3 =	vbroadcast v3, $0x0;
	_ =	sdelay $0x1  }
0xad: {  	s25 =	sadd.s32 $0x180, s24;
	v3 =	vor.u32 v2, v3  }
0xae: {  	v5 =	vmov s25  }
0xaf: {  	v5 =	vshrl.u32 v5, $0x7  }
0xb0: {  	v5 =	vshll.u32 v5, v0  }
0xb1: {  	[tilespmem:s22+$0xFFFFFFD0] =	vst v4;
	v4 =	vadd.s32 $0x80, v5  }
0xb2: {  	v3 =	vld.idx.msk [tilespmem:v3+s20+$0x0], $0xffff;
	v4 =	vbroadcast v4, $0x0;
	_ =	sdelay $0x1  }
0xb3: {  	s25 =	sadd.s32 $0x1C0, s24;
	v4 =	vor.u32 v1, v4  }
0xb4: {  	v5 =	vmov s25  }
0xb5: {  	v5 =	vshrl.u32 v5, $0x7  }
.Ltmp1:
0xb6: {  	v5 =	vshll.u32 v5, v0;
	(pc) =	sbr.rel @p1 .LBB2_5-.Ltmp1, $3  }
0xb7: {  	[tilespmem:s22+$0xFFFFFFE0] =	vst v3;
	v3 =	vadd.s32 $0x80, v5  }
0xb8: {  	v4 =	vld.idx.msk [tilespmem:v4+s20+$0x0], $0xffff;
	v3 =	vbroadcast v3, $0x0;
	_ =	sdelay $0x1  }
0xb9: {  	s24 =	sadd.s32 $0x200, s24;
	v5 =	vor.u32 v2, v3  }
0xba: {  	v3 =	vmov s20  }
0xbb: {  	v3 =	vshrl.u32 v3, $0x7  }
0xbc: {  	v3 =	vshll.u32 v3, v0  }
0xbd: {  	v6 =	vadd.s32 $0x100, v3  }
0xbe: {  	[tilespmem:s22+$0xFFFFFFF0] =	vst v4;
	v4 =	vbroadcast v6, $0x0  }
0xbf: {  	v5 =	vld.idx.msk [tilespmem:v5+s20+$0x0], $0xffff  }
0xc0: {  	v6 =	vor.u32 v1, v4;
	_ =	sdelay $0x3  }
0xc1: {  	[tilespmem:s22+$0x0] =	vst v5  }
0xc2: {  	s25 =	simm.s32 $0x80;
	v5 =	vld.idx.msk [tilespmem:v6+s20+$0x0], $0xffff  }
0xc3: {  	v6 =	vor.u32 v2, v4;
	v4 =	vmov s25  }
0xc4: {  	v4 =	vshrl.u32 v4, $0x7  }
0xc5: {  	v4 =	vshll.u32 v4, v0  }
0xc6: {  	v7 =	vadd.s32 $0x100, v4  }
0xc7: {  	[tilespmem:s21+$0xFFFFFF90] =	vst v5;
	v5 =	vbroadcast v7, $0x0  }
0xc8: {  	s26 =	simm.s32 $0xC0;
	v6 =	vld.idx.msk [tilespmem:v6+s20+$0x0], $0xffff  }
0xc9: {  	v7 =	vor.u32 v1, v5;
	v5 =	vmov s26  }
0xca: {  	v5 =	vshrl.u32 v5, $0x7  }
0xcb: {  	v5 =	vshll.u32 v5, v0  }
0xcc: {  	v8 =	vadd.s32 $0x100, v5  }
0xcd: {  	[tilespmem:s21+$0xFFFFFFA0] =	vst v6;
	v6 =	vbroadcast v8, $0x0  }
0xce: {  	s28 =	simm.s32 $0x100;
	v7 =	vld.idx.msk [tilespmem:v7+s20+$0x0], $0xffff  }
0xcf: {  	v8 =	vor.u32 v2, v6;
	v6 =	vmov s28  }
0xd0: {  	v6 =	vshrl.u32 v6, $0x7  }
0xd1: {  	v6 =	vshll.u32 v6, v0  }
0xd2: {  	v9 =	vadd.s32 $0x100, v6  }
0xd3: {  	[tilespmem:s21+$0xFFFFFFB0] =	vst v7;
	v7 =	vbroadcast v9, $0x0  }
0xd4: {  	s29 =	simm.s32 $0x140;
	v8 =	vld.idx.msk [tilespmem:v8+s20+$0x0], $0xffff  }
0xd5: {  	v9 =	vor.u32 v1, v7;
	v7 =	vmov s29  }
0xd6: {  	v7 =	vshrl.u32 v7, $0x7  }
0xd7: {  	v7 =	vshll.u32 v7, v0  }
0xd8: {  	v10 =	vadd.s32 $0x100, v7  }
0xd9: {  	[tilespmem:s21+$0xFFFFFFC0] =	vst v8;
	v8 =	vbroadcast v10, $0x0  }
0xda: {  	s30 =	simm.s32 $0x180;
	v9 =	vld.idx.msk [tilespmem:v9+s20+$0x0], $0xffff  }
0xdb: {  	v10 =	vor.u32 v2, v8;
	v8 =	vmov s30  }
0xdc: {  	v8 =	vshrl.u32 v8, $0x7  }
0xdd: {  	v8 =	vshll.u32 v8, v0  }
0xde: {  	v11 =	vadd.s32 $0x100, v8  }
0xdf: {  	[tilespmem:s21+$0xFFFFFFD0] =	vst v9;
	v9 =	vbroadcast v11, $0x0  }
0xe0: {  	s31 =	simm.s32 $0x1C0;
	v10 =	vld.idx.msk [tilespmem:v10+s20+$0x0], $0xffff  }
0xe1: {  	v11 =	vmov s31;
	v12 =	vor.u32 v1, v9  }
0xe2: {  	v9 =	vshrl.u32 v11, $0x7  }
0xe3: {  	v9 =	vshll.u32 v9, v0  }
0xe4: {  	v11 =	vadd.s32 $0x100, v9  }
0xe5: {  	v11 =	vbroadcast v11, $0x0;
	[tilespmem:s21+$0xFFFFFFE0] =	vst v10  }
0xe6: {  	v10 =	vld.idx.msk [tilespmem:v12+s20+$0x0], $0xffff  }
0xe7: {  	s23 =	simm.s32 $0x0;
	s24 =	simm.s32 $0x200;
	v11 =	vor.u32 v2, v11  }
.LBB2_7:
0xe8: {  	v12 =	vmov s24;
	s23 =	sadd.s32 $0x8, s23  }
0xe9: {  	v12 =	vshrl.u32 v12, $0x7;
	p1 =	slt.u32 s23, $0x38  }
0xea: {  	v12 =	vshll.u32 v12, v0  }
0xeb: {  	v12 =	vadd.s32 $0x100, v12;
	[tilespmem:s21+$0xFFFFFFF0] =	vst v10  }
0xec: {  	v10 =	vbroadcast v12, $0x0;
	v11 =	vld.idx.msk [tilespmem:v11+s20+$0x0], $0xffff;
	_ =	sdelay $0x1  }
0xed: {  	v12 =	vor.u32 v1, v10;
	_ =	sdelay $0x3  }
0xee: {  	s22 =	simm.s32 $0x101F0;
	[tilespmem:s21+$0x0] =	vst v11  }
0xef: {  	v11 =	vld.idx.msk [tilespmem:v12+s20+$0x0], $0xffff;
	_ =	sdelay $0x1  }
0xf0: {  	s25 =	sadd.s32 $0x80, s24;
	v10 =	vor.u32 v2, v10  }
0xf1: {  	v12 =	vmov s25  }
0xf2: {  	v12 =	vshrl.u32 v12, $0x7  }
0xf3: {  	s21 =	sadd.s32 $0x400, s21;
	v12 =	vshll.u32 v12, v0  }
0xf4: {  	[tilespmem:s21+$0xFFFFFF90] =	vst v11;
	v11 =	vadd.s32 $0x100, v12  }
0xf5: {  	v10 =	vld.idx.msk [tilespmem:v10+s20+$0x0], $0xffff;
	v11 =	vbroadcast v11, $0x0;
	_ =	sdelay $0x1  }
0xf6: {  	s25 =	sadd.s32 $0xC0, s24;
	v11 =	vor.u32 v1, v11  }
0xf7: {  	v12 =	vmov s25  }
0xf8: {  	v12 =	vshrl.u32 v12, $0x7  }
0xf9: {  	v12 =	vshll.u32 v12, v0  }
0xfa: {  	[tilespmem:s21+$0xFFFFFFA0] =	vst v10;
	v10 =	vadd.s32 $0x100, v12  }
0xfb: {  	v11 =	vld.idx.msk [tilespmem:v11+s20+$0x0], $0xffff;
	v10 =	vbroadcast v10, $0x0;
	_ =	sdelay $0x1  }
0xfc: {  	s25 =	sadd.s32 $0x100, s24;
	v10 =	vor.u32 v2, v10  }
0xfd: {  	v12 =	vmov s25  }
0xfe: {  	v12 =	vshrl.u32 v12, $0x7  }
0xff: {  	v12 =	vshll.u32 v12, v0  }
0x100: {  	[tilespmem:s21+$0xFFFFFFB0] =	vst v11;
	v11 =	vadd.s32 $0x100, v12  }
0x101: {  	v10 =	vld.idx.msk [tilespmem:v10+s20+$0x0], $0xffff;
	v11 =	vbroadcast v11, $0x0;
	_ =	sdelay $0x1  }
0x102: {  	s25 =	sadd.s32 $0x140, s24;
	v11 =	vor.u32 v1, v11  }
0x103: {  	v12 =	vmov s25  }
0x104: {  	v12 =	vshrl.u32 v12, $0x7  }
0x105: {  	v12 =	vshll.u32 v12, v0  }
0x106: {  	[tilespmem:s21+$0xFFFFFFC0] =	vst v10;
	v10 =	vadd.s32 $0x100, v12  }
0x107: {  	v11 =	vld.idx.msk [tilespmem:v11+s20+$0x0], $0xffff;
	v10 =	vbroadcast v10, $0x0;
	_ =	sdelay $0x1  }
0x108: {  	s25 =	sadd.s32 $0x180, s24;
	v10 =	vor.u32 v2, v10  }
0x109: {  	v12 =	vmov s25  }
0x10a: {  	v12 =	vshrl.u32 v12, $0x7  }
0x10b: {  	v12 =	vshll.u32 v12, v0  }
0x10c: {  	[tilespmem:s21+$0xFFFFFFD0] =	vst v11;
	v11 =	vadd.s32 $0x100, v12  }
0x10d: {  	v10 =	vld.idx.msk [tilespmem:v10+s20+$0x0], $0xffff;
	v11 =	vbroadcast v11, $0x0;
	_ =	sdelay $0x1  }
0x10e: {  	s25 =	sadd.s32 $0x1C0, s24;
	v11 =	vor.u32 v1, v11  }
0x10f: {  	v12 =	vmov s25  }
0x110: {  	v12 =	vshrl.u32 v12, $0x7  }
.Ltmp2:
0x111: {  	v12 =	vshll.u32 v12, v0;
	(pc) =	sbr.rel @p1 .LBB2_7-.Ltmp2, $3  }
0x112: {  	v12 =	vadd.s32 $0x100, v12;
	[tilespmem:s21+$0xFFFFFFE0] =	vst v10  }
0x113: {  	v10 =	vld.idx.msk [tilespmem:v11+s20+$0x0], $0xffff;
	v11 =	vbroadcast v12, $0x0;
	_ =	sdelay $0x1  }
0x114: {  	s24 =	sadd.s32 $0x200, s24;
	v11 =	vor.u32 v2, v11  }
0x115: {  	_ =	sdelay $0x1  }
0x116: {  	v3 =	vadd.s32 $0x180, v3  }
0x117: {  	v3 =	vbroadcast v3, $0x0;
	[tilespmem:s21+$0xFFFFFFF0] =	vst v10  }
0x118: {  	v10 =	vld.idx.msk [tilespmem:v11+s20+$0x0], $0xffff  }
0x119: {  	v63 =	vor.u32 v1, v3;
	_ =	sdelay $0x3  }
0x11a: {  	s20 =	simm.s32 $0x0;
	[tilespmem:s21+$0x0] =	vst v10  }
0x11b: {  	v10 =	vld.idx.msk [tilespmem:v63+s20+$0x0], $0xffff  }
0x11c: {  	v3 =	vor.u32 v2, v3;
	_ =	sdelay $0x2  }
0x11d: {  	v4 =	vadd.s32 $0x180, v4  }
0x11e: {  	v4 =	vbroadcast v4, $0x0;
	[tilespmem:s22+$0xFFFFFF90] =	vst v10  }
0x11f: {  	v3 =	vld.idx.msk [tilespmem:v3+s20+$0x0], $0xffff  }
0x120: {  	v4 =	vor.u32 v1, v4;
	_ =	sdelay $0x2  }
0x121: {  	v5 =	vadd.s32 $0x180, v5  }
0x122: {  	[tilespmem:s22+$0xFFFFFFA0] =	vst v3;
	v3 =	vbroadcast v5, $0x0  }
0x123: {  	v4 =	vld.idx.msk [tilespmem:v4+s20+$0x0], $0xffff  }
0x124: {  	v3 =	vor.u32 v2, v3;
	_ =	sdelay $0x2  }
0x125: {  	v5 =	vadd.s32 $0x180, v6  }
0x126: {  	[tilespmem:s22+$0xFFFFFFB0] =	vst v4;
	v4 =	vbroadcast v5, $0x0  }
0x127: {  	v3 =	vld.idx.msk [tilespmem:v3+s20+$0x0], $0xffff  }
0x128: {  	v4 =	vor.u32 v1, v4;
	_ =	sdelay $0x2  }
0x129: {  	v5 =	vadd.s32 $0x180, v7  }
0x12a: {  	[tilespmem:s22+$0xFFFFFFC0] =	vst v3;
	v3 =	vbroadcast v5, $0x0  }
0x12b: {  	v4 =	vld.idx.msk [tilespmem:v4+s20+$0x0], $0xffff  }
0x12c: {  	v3 =	vor.u32 v2, v3;
	_ =	sdelay $0x2  }
0x12d: {  	v5 =	vadd.s32 $0x180, v8  }
0x12e: {  	[tilespmem:s22+$0xFFFFFFD0] =	vst v4;
	v4 =	vbroadcast v5, $0x0  }
0x12f: {  	v3 =	vld.idx.msk [tilespmem:v3+s20+$0x0], $0xffff  }
0x130: {  	v4 =	vor.u32 v1, v4;
	_ =	sdelay $0x2  }
0x131: {  	v5 =	vadd.s32 $0x180, v9  }
0x132: {  	v5 =	vbroadcast v5, $0x0;
	[tilespmem:s22+$0xFFFFFFE0] =	vst v3  }
0x133: {  	v4 =	vld.idx.msk [tilespmem:v4+s20+$0x0], $0xffff  }
0x134: {  	s23 =	simm.s32 $0x0;
	s24 =	simm.s32 $0x200;
	v5 =	vor.u32 v2, v5  }
.LBB2_9:
0x135: {  	v3 =	vmov s24;
	s23 =	sadd.s32 $0x8, s23  }
0x136: {  	v3 =	vshrl.u32 v3, $0x7;
	p1 =	slt.u32 s23, $0x38  }
0x137: {  	v3 =	vshll.u32 v3, v0  }
0x138: {  	v3 =	vadd.s32 $0x180, v3;
	[tilespmem:s22+$0xFFFFFFF0] =	vst v4  }
0x139: {  	v3 =	vbroadcast v3, $0x0;
	v4 =	vld.idx.msk [tilespmem:v5+s20+$0x0], $0xffff;
	_ =	sdelay $0x1  }
0x13a: {  	v5 =	vor.u32 v1, v3;
	_ =	sdelay $0x3  }
0x13b: {  	s21 =	simm.s32 $0x10270;
	[tilespmem:s22+$0x0] =	vst v4  }
0x13c: {  	v4 =	vld.idx.msk [tilespmem:v5+s20+$0x0], $0xffff;
	_ =	sdelay $0x1  }
0x13d: {  	s25 =	sadd.s32 $0x80, s24;
	v3 =	vor.u32 v2, v3  }
0x13e: {  	v5 =	vmov s25  }
0x13f: {  	v5 =	vshrl.u32 v5, $0x7  }
0x140: {  	s22 =	sadd.s32 $0x400, s22;
	v5 =	vshll.u32 v5, v0  }
0x141: {  	[tilespmem:s22+$0xFFFFFF90] =	vst v4;
	v4 =	vadd.s32 $0x180, v5  }
0x142: {  	v3 =	vld.idx.msk [tilespmem:v3+s20+$0x0], $0xffff;
	v4 =	vbroadcast v4, $0x0;
	_ =	sdelay $0x1  }
0x143: {  	s25 =	sadd.s32 $0xC0, s24;
	v4 =	vor.u32 v1, v4  }
0x144: {  	v5 =	vmov s25  }
0x145: {  	v5 =	vshrl.u32 v5, $0x7  }
0x146: {  	v5 =	vshll.u32 v5, v0  }
0x147: {  	[tilespmem:s22+$0xFFFFFFA0] =	vst v3;
	v3 =	vadd.s32 $0x180, v5  }
0x148: {  	v4 =	vld.idx.msk [tilespmem:v4+s20+$0x0], $0xffff;
	v3 =	vbroadcast v3, $0x0;
	_ =	sdelay $0x1  }
0x149: {  	s25 =	sadd.s32 $0x100, s24;
	v3 =	vor.u32 v2, v3  }
0x14a: {  	v5 =	vmov s25  }
0x14b: {  	v5 =	vshrl.u32 v5, $0x7  }
0x14c: {  	v5 =	vshll.u32 v5, v0  }
0x14d: {  	[tilespmem:s22+$0xFFFFFFB0] =	vst v4;
	v4 =	vadd.s32 $0x180, v5  }
0x14e: {  	v3 =	vld.idx.msk [tilespmem:v3+s20+$0x0], $0xffff;
	v4 =	vbroadcast v4, $0x0;
	_ =	sdelay $0x1  }
0x14f: {  	s25 =	sadd.s32 $0x140, s24;
	v4 =	vor.u32 v1, v4  }
0x150: {  	v5 =	vmov s25  }
0x151: {  	v5 =	vshrl.u32 v5, $0x7  }
0x152: {  	v5 =	vshll.u32 v5, v0  }
0x153: {  	[tilespmem:s22+$0xFFFFFFC0] =	vst v3;
	v3 =	vadd.s32 $0x180, v5  }
0x154: {  	v4 =	vld.idx.msk [tilespmem:v4+s20+$0x0], $0xffff;
	v3 =	vbroadcast v3, $0x0;
	_ =	sdelay $0x1  }
0x155: {  	s25 =	sadd.s32 $0x180, s24;
	v3 =	vor.u32 v2, v3  }
0x156: {  	v5 =	vmov s25  }
0x157: {  	v5 =	vshrl.u32 v5, $0x7  }
0x158: {  	v5 =	vshll.u32 v5, v0  }
0x159: {  	[tilespmem:s22+$0xFFFFFFD0] =	vst v4;
	v4 =	vadd.s32 $0x180, v5  }
0x15a: {  	v3 =	vld.idx.msk [tilespmem:v3+s20+$0x0], $0xffff;
	v4 =	vbroadcast v4, $0x0;
	_ =	sdelay $0x1  }
0x15b: {  	s25 =	sadd.s32 $0x1C0, s24;
	v4 =	vor.u32 v1, v4  }
0x15c: {  	v5 =	vmov s25  }
0x15d: {  	v5 =	vshrl.u32 v5, $0x7  }
.Ltmp3:
0x15e: {  	v5 =	vshll.u32 v5, v0;
	(pc) =	sbr.rel @p1 .LBB2_9-.Ltmp3, $3  }
0x15f: {  	[tilespmem:s22+$0xFFFFFFE0] =	vst v3;
	v3 =	vadd.s32 $0x180, v5  }
0x160: {  	v4 =	vld.idx.msk [tilespmem:v4+s20+$0x0], $0xffff;
	v3 =	vbroadcast v3, $0x0;
	_ =	sdelay $0x1  }
0x161: {  	s24 =	sadd.s32 $0x200, s24;
	v5 =	vor.u32 v2, v3  }
0x162: {  	v3 =	vmov s20  }
0x163: {  	v3 =	vshrl.u32 v3, $0x7  }
0x164: {  	v3 =	vshll.u32 v3, v0  }
0x165: {  	v6 =	vadd.s32 $0x200, v3  }
0x166: {  	[tilespmem:s22+$0xFFFFFFF0] =	vst v4;
	v4 =	vbroadcast v6, $0x0  }
0x167: {  	v5 =	vld.idx.msk [tilespmem:v5+s20+$0x0], $0xffff  }
0x168: {  	v6 =	vor.u32 v1, v4;
	_ =	sdelay $0x3  }
0x169: {  	[tilespmem:s22+$0x0] =	vst v5  }
0x16a: {  	s25 =	simm.s32 $0x80;
	v5 =	vld.idx.msk [tilespmem:v6+s20+$0x0], $0xffff  }
0x16b: {  	v6 =	vor.u32 v2, v4;
	v4 =	vmov s25  }
0x16c: {  	v4 =	vshrl.u32 v4, $0x7  }
0x16d: {  	v4 =	vshll.u32 v4, v0  }
0x16e: {  	v7 =	vadd.s32 $0x200, v4  }
0x16f: {  	[tilespmem:s21+$0xFFFFFF90] =	vst v5;
	v5 =	vbroadcast v7, $0x0  }
0x170: {  	s26 =	simm.s32 $0xC0;
	v6 =	vld.idx.msk [tilespmem:v6+s20+$0x0], $0xffff  }
0x171: {  	v7 =	vor.u32 v1, v5;
	v5 =	vmov s26  }
0x172: {  	v5 =	vshrl.u32 v5, $0x7  }
0x173: {  	v5 =	vshll.u32 v5, v0  }
0x174: {  	v8 =	vadd.s32 $0x200, v5  }
0x175: {  	[tilespmem:s21+$0xFFFFFFA0] =	vst v6;
	v6 =	vbroadcast v8, $0x0  }
0x176: {  	s28 =	simm.s32 $0x100;
	v7 =	vld.idx.msk [tilespmem:v7+s20+$0x0], $0xffff  }
0x177: {  	v8 =	vor.u32 v2, v6;
	v6 =	vmov s28  }
0x178: {  	v6 =	vshrl.u32 v6, $0x7  }
0x179: {  	v6 =	vshll.u32 v6, v0  }
0x17a: {  	v9 =	vadd.s32 $0x200, v6  }
0x17b: {  	[tilespmem:s21+$0xFFFFFFB0] =	vst v7;
	v7 =	vbroadcast v9, $0x0  }
0x17c: {  	s29 =	simm.s32 $0x140;
	v8 =	vld.idx.msk [tilespmem:v8+s20+$0x0], $0xffff  }
0x17d: {  	v9 =	vor.u32 v1, v7;
	v7 =	vmov s29  }
0x17e: {  	v7 =	vshrl.u32 v7, $0x7  }
0x17f: {  	v7 =	vshll.u32 v7, v0  }
0x180: {  	v10 =	vadd.s32 $0x200, v7  }
0x181: {  	[tilespmem:s21+$0xFFFFFFC0] =	vst v8;
	v8 =	vbroadcast v10, $0x0  }
0x182: {  	s30 =	simm.s32 $0x180;
	v9 =	vld.idx.msk [tilespmem:v9+s20+$0x0], $0xffff  }
0x183: {  	v10 =	vor.u32 v2, v8;
	v8 =	vmov s30  }
0x184: {  	v8 =	vshrl.u32 v8, $0x7  }
0x185: {  	v8 =	vshll.u32 v8, v0  }
0x186: {  	v11 =	vadd.s32 $0x200, v8  }
0x187: {  	[tilespmem:s21+$0xFFFFFFD0] =	vst v9;
	v9 =	vbroadcast v11, $0x0  }
0x188: {  	s31 =	simm.s32 $0x1C0;
	v10 =	vld.idx.msk [tilespmem:v10+s20+$0x0], $0xffff  }
0x189: {  	v11 =	vmov s31;
	v12 =	vor.u32 v1, v9  }
0x18a: {  	v9 =	vshrl.u32 v11, $0x7  }
0x18b: {  	v9 =	vshll.u32 v9, v0  }
0x18c: {  	v11 =	vadd.s32 $0x200, v9  }
0x18d: {  	v11 =	vbroadcast v11, $0x0;
	[tilespmem:s21+$0xFFFFFFE0] =	vst v10  }
0x18e: {  	v10 =	vld.idx.msk [tilespmem:v12+s20+$0x0], $0xffff  }
0x18f: {  	s23 =	simm.s32 $0x0;
	s24 =	simm.s32 $0x200;
	v11 =	vor.u32 v2, v11  }
.LBB2_11:
0x190: {  	v12 =	vmov s24;
	s23 =	sadd.s32 $0x8, s23  }
0x191: {  	v12 =	vshrl.u32 v12, $0x7;
	p1 =	slt.u32 s23, $0x38  }
0x192: {  	v12 =	vshll.u32 v12, v0  }
0x193: {  	v12 =	vadd.s32 $0x200, v12;
	[tilespmem:s21+$0xFFFFFFF0] =	vst v10  }
0x194: {  	v10 =	vbroadcast v12, $0x0;
	v11 =	vld.idx.msk [tilespmem:v11+s20+$0x0], $0xffff;
	_ =	sdelay $0x1  }
0x195: {  	v12 =	vor.u32 v1, v10;
	_ =	sdelay $0x3  }
0x196: {  	s22 =	simm.s32 $0x102F0;
	[tilespmem:s21+$0x0] =	vst v11  }
0x197: {  	v11 =	vld.idx.msk [tilespmem:v12+s20+$0x0], $0xffff;
	_ =	sdelay $0x1  }
0x198: {  	s25 =	sadd.s32 $0x80, s24;
	v10 =	vor.u32 v2, v10  }
0x199: {  	v12 =	vmov s25  }
0x19a: {  	v12 =	vshrl.u32 v12, $0x7  }
0x19b: {  	s21 =	sadd.s32 $0x400, s21;
	v12 =	vshll.u32 v12, v0  }
0x19c: {  	[tilespmem:s21+$0xFFFFFF90] =	vst v11;
	v11 =	vadd.s32 $0x200, v12  }
0x19d: {  	v10 =	vld.idx.msk [tilespmem:v10+s20+$0x0], $0xffff;
	v11 =	vbroadcast v11, $0x0;
	_ =	sdelay $0x1  }
0x19e: {  	s25 =	sadd.s32 $0xC0, s24;
	v11 =	vor.u32 v1, v11  }
0x19f: {  	v12 =	vmov s25  }
0x1a0: {  	v12 =	vshrl.u32 v12, $0x7  }
0x1a1: {  	v12 =	vshll.u32 v12, v0  }
0x1a2: {  	[tilespmem:s21+$0xFFFFFFA0] =	vst v10;
	v10 =	vadd.s32 $0x200, v12  }
0x1a3: {  	v11 =	vld.idx.msk [tilespmem:v11+s20+$0x0], $0xffff;
	v10 =	vbroadcast v10, $0x0;
	_ =	sdelay $0x1  }
0x1a4: {  	s25 =	sadd.s32 $0x100, s24;
	v10 =	vor.u32 v2, v10  }
0x1a5: {  	v12 =	vmov s25  }
0x1a6: {  	v12 =	vshrl.u32 v12, $0x7  }
0x1a7: {  	v12 =	vshll.u32 v12, v0  }
0x1a8: {  	[tilespmem:s21+$0xFFFFFFB0] =	vst v11;
	v11 =	vadd.s32 $0x200, v12  }
0x1a9: {  	v10 =	vld.idx.msk [tilespmem:v10+s20+$0x0], $0xffff;
	v11 =	vbroadcast v11, $0x0;
	_ =	sdelay $0x1  }
0x1aa: {  	s25 =	sadd.s32 $0x140, s24;
	v11 =	vor.u32 v1, v11  }
0x1ab: {  	v12 =	vmov s25  }
0x1ac: {  	v12 =	vshrl.u32 v12, $0x7  }
0x1ad: {  	v12 =	vshll.u32 v12, v0  }
0x1ae: {  	[tilespmem:s21+$0xFFFFFFC0] =	vst v10;
	v10 =	vadd.s32 $0x200, v12  }
0x1af: {  	v11 =	vld.idx.msk [tilespmem:v11+s20+$0x0], $0xffff;
	v10 =	vbroadcast v10, $0x0;
	_ =	sdelay $0x1  }
0x1b0: {  	s25 =	sadd.s32 $0x180, s24;
	v10 =	vor.u32 v2, v10  }
0x1b1: {  	v12 =	vmov s25  }
0x1b2: {  	v12 =	vshrl.u32 v12, $0x7  }
0x1b3: {  	v12 =	vshll.u32 v12, v0  }
0x1b4: {  	[tilespmem:s21+$0xFFFFFFD0] =	vst v11;
	v11 =	vadd.s32 $0x200, v12  }
0x1b5: {  	v10 =	vld.idx.msk [tilespmem:v10+s20+$0x0], $0xffff;
	v11 =	vbroadcast v11, $0x0;
	_ =	sdelay $0x1  }
0x1b6: {  	s25 =	sadd.s32 $0x1C0, s24;
	v11 =	vor.u32 v1, v11  }
0x1b7: {  	v12 =	vmov s25  }
0x1b8: {  	v12 =	vshrl.u32 v12, $0x7  }
.Ltmp4:
0x1b9: {  	v12 =	vshll.u32 v12, v0;
	(pc) =	sbr.rel @p1 .LBB2_11-.Ltmp4, $3  }
0x1ba: {  	v12 =	vadd.s32 $0x200, v12;
	[tilespmem:s21+$0xFFFFFFE0] =	vst v10  }
0x1bb: {  	v10 =	vld.idx.msk [tilespmem:v11+s20+$0x0], $0xffff;
	v11 =	vbroadcast v12, $0x0;
	_ =	sdelay $0x1  }
0x1bc: {  	s24 =	sadd.s32 $0x200, s24;
	v11 =	vor.u32 v2, v11  }
0x1bd: {  	_ =	sdelay $0x1  }
0x1be: {  	v3 =	vadd.s32 $0x280, v3  }
0x1bf: {  	v3 =	vbroadcast v3, $0x0;
	[tilespmem:s21+$0xFFFFFFF0] =	vst v10  }
0x1c0: {  	v10 =	vld.idx.msk [tilespmem:v11+s20+$0x0], $0xffff  }
0x1c1: {  	v63 =	vor.u32 v1, v3;
	_ =	sdelay $0x3  }
0x1c2: {  	s20 =	simm.s32 $0x0;
	[tilespmem:s21+$0x0] =	vst v10  }
0x1c3: {  	v10 =	vld.idx.msk [tilespmem:v63+s20+$0x0], $0xffff  }
0x1c4: {  	v3 =	vor.u32 v2, v3;
	_ =	sdelay $0x2  }
0x1c5: {  	v4 =	vadd.s32 $0x280, v4  }
0x1c6: {  	v4 =	vbroadcast v4, $0x0;
	[tilespmem:s22+$0xFFFFFF90] =	vst v10  }
0x1c7: {  	v3 =	vld.idx.msk [tilespmem:v3+s20+$0x0], $0xffff  }
0x1c8: {  	v4 =	vor.u32 v1, v4;
	_ =	sdelay $0x2  }
0x1c9: {  	v5 =	vadd.s32 $0x280, v5  }
0x1ca: {  	[tilespmem:s22+$0xFFFFFFA0] =	vst v3;
	v3 =	vbroadcast v5, $0x0  }
0x1cb: {  	v4 =	vld.idx.msk [tilespmem:v4+s20+$0x0], $0xffff  }
0x1cc: {  	v3 =	vor.u32 v2, v3;
	_ =	sdelay $0x2  }
0x1cd: {  	v5 =	vadd.s32 $0x280, v6  }
0x1ce: {  	[tilespmem:s22+$0xFFFFFFB0] =	vst v4;
	v4 =	vbroadcast v5, $0x0  }
0x1cf: {  	v3 =	vld.idx.msk [tilespmem:v3+s20+$0x0], $0xffff  }
0x1d0: {  	v4 =	vor.u32 v1, v4;
	_ =	sdelay $0x2  }
0x1d1: {  	v5 =	vadd.s32 $0x280, v7  }
0x1d2: {  	[tilespmem:s22+$0xFFFFFFC0] =	vst v3;
	v3 =	vbroadcast v5, $0x0  }
0x1d3: {  	v4 =	vld.idx.msk [tilespmem:v4+s20+$0x0], $0xffff  }
0x1d4: {  	v3 =	vor.u32 v2, v3;
	_ =	sdelay $0x2  }
0x1d5: {  	v5 =	vadd.s32 $0x280, v8  }
0x1d6: {  	[tilespmem:s22+$0xFFFFFFD0] =	vst v4;
	v4 =	vbroadcast v5, $0x0  }
0x1d7: {  	v3 =	vld.idx.msk [tilespmem:v3+s20+$0x0], $0xffff  }
0x1d8: {  	v4 =	vor.u32 v1, v4;
	_ =	sdelay $0x2  }
0x1d9: {  	v5 =	vadd.s32 $0x280, v9  }
0x1da: {  	v5 =	vbroadcast v5, $0x0;
	[tilespmem:s22+$0xFFFFFFE0] =	vst v3  }
0x1db: {  	v4 =	vld.idx.msk [tilespmem:v4+s20+$0x0], $0xffff  }
0x1dc: {  	s23 =	simm.s32 $0x0;
	s24 =	simm.s32 $0x200;
	v5 =	vor.u32 v2, v5  }
.LBB2_13:
0x1dd: {  	v3 =	vmov s24;
	s23 =	sadd.s32 $0x8, s23  }
0x1de: {  	v3 =	vshrl.u32 v3, $0x7;
	p1 =	slt.u32 s23, $0x38  }
0x1df: {  	v3 =	vshll.u32 v3, v0  }
0x1e0: {  	v3 =	vadd.s32 $0x280, v3;
	[tilespmem:s22+$0xFFFFFFF0] =	vst v4  }
0x1e1: {  	v3 =	vbroadcast v3, $0x0;
	v4 =	vld.idx.msk [tilespmem:v5+s20+$0x0], $0xffff;
	_ =	sdelay $0x1  }
0x1e2: {  	v5 =	vor.u32 v1, v3;
	_ =	sdelay $0x3  }
0x1e3: {  	s21 =	simm.s32 $0x10370;
	[tilespmem:s22+$0x0] =	vst v4  }
0x1e4: {  	v4 =	vld.idx.msk [tilespmem:v5+s20+$0x0], $0xffff;
	_ =	sdelay $0x1  }
0x1e5: {  	s25 =	sadd.s32 $0x80, s24;
	v3 =	vor.u32 v2, v3  }
0x1e6: {  	v5 =	vmov s25  }
0x1e7: {  	v5 =	vshrl.u32 v5, $0x7  }
0x1e8: {  	s22 =	sadd.s32 $0x400, s22;
	v5 =	vshll.u32 v5, v0  }
0x1e9: {  	[tilespmem:s22+$0xFFFFFF90] =	vst v4;
	v4 =	vadd.s32 $0x280, v5  }
0x1ea: {  	v3 =	vld.idx.msk [tilespmem:v3+s20+$0x0], $0xffff;
	v4 =	vbroadcast v4, $0x0;
	_ =	sdelay $0x1  }
0x1eb: {  	s25 =	sadd.s32 $0xC0, s24;
	v4 =	vor.u32 v1, v4  }
0x1ec: {  	v5 =	vmov s25  }
0x1ed: {  	v5 =	vshrl.u32 v5, $0x7  }
0x1ee: {  	v5 =	vshll.u32 v5, v0  }
0x1ef: {  	[tilespmem:s22+$0xFFFFFFA0] =	vst v3;
	v3 =	vadd.s32 $0x280, v5  }
0x1f0: {  	v4 =	vld.idx.msk [tilespmem:v4+s20+$0x0], $0xffff;
	v3 =	vbroadcast v3, $0x0;
	_ =	sdelay $0x1  }
0x1f1: {  	s25 =	sadd.s32 $0x100, s24;
	v3 =	vor.u32 v2, v3  }
0x1f2: {  	v5 =	vmov s25  }
0x1f3: {  	v5 =	vshrl.u32 v5, $0x7  }
0x1f4: {  	v5 =	vshll.u32 v5, v0  }
0x1f5: {  	[tilespmem:s22+$0xFFFFFFB0] =	vst v4;
	v4 =	vadd.s32 $0x280, v5  }
0x1f6: {  	v3 =	vld.idx.msk [tilespmem:v3+s20+$0x0], $0xffff;
	v4 =	vbroadcast v4, $0x0;
	_ =	sdelay $0x1  }
0x1f7: {  	s25 =	sadd.s32 $0x140, s24;
	v4 =	vor.u32 v1, v4  }
0x1f8: {  	v5 =	vmov s25  }
0x1f9: {  	v5 =	vshrl.u32 v5, $0x7  }
0x1fa: {  	v5 =	vshll.u32 v5, v0  }
0x1fb: {  	[tilespmem:s22+$0xFFFFFFC0] =	vst v3;
	v3 =	vadd.s32 $0x280, v5  }
0x1fc: {  	v4 =	vld.idx.msk [tilespmem:v4+s20+$0x0], $0xffff;
	v3 =	vbroadcast v3, $0x0;
	_ =	sdelay $0x1  }
0x1fd: {  	s25 =	sadd.s32 $0x180, s24;
	v3 =	vor.u32 v2, v3  }
0x1fe: {  	v5 =	vmov s25  }
0x1ff: {  	v5 =	vshrl.u32 v5, $0x7  }
0x200: {  	v5 =	vshll.u32 v5, v0  }
0x201: {  	[tilespmem:s22+$0xFFFFFFD0] =	vst v4;
	v4 =	vadd.s32 $0x280, v5  }
0x202: {  	v3 =	vld.idx.msk [tilespmem:v3+s20+$0x0], $0xffff;
	v4 =	vbroadcast v4, $0x0;
	_ =	sdelay $0x1  }
0x203: {  	s25 =	sadd.s32 $0x1C0, s24;
	v4 =	vor.u32 v1, v4  }
0x204: {  	v5 =	vmov s25  }
0x205: {  	v5 =	vshrl.u32 v5, $0x7  }
.Ltmp5:
0x206: {  	v5 =	vshll.u32 v5, v0;
	(pc) =	sbr.rel @p1 .LBB2_13-.Ltmp5, $3  }
0x207: {  	[tilespmem:s22+$0xFFFFFFE0] =	vst v3;
	v3 =	vadd.s32 $0x280, v5  }
0x208: {  	v4 =	vld.idx.msk [tilespmem:v4+s20+$0x0], $0xffff;
	v3 =	vbroadcast v3, $0x0;
	_ =	sdelay $0x1  }
0x209: {  	s24 =	sadd.s32 $0x200, s24;
	v5 =	vor.u32 v2, v3  }
0x20a: {  	v3 =	vmov s20  }
0x20b: {  	v3 =	vshrl.u32 v3, $0x7  }
0x20c: {  	v3 =	vshll.u32 v3, v0  }
0x20d: {  	v6 =	vadd.s32 $0x300, v3  }
0x20e: {  	[tilespmem:s22+$0xFFFFFFF0] =	vst v4;
	v4 =	vbroadcast v6, $0x0  }
0x20f: {  	v5 =	vld.idx.msk [tilespmem:v5+s20+$0x0], $0xffff  }
0x210: {  	v6 =	vor.u32 v1, v4;
	_ =	sdelay $0x3  }
0x211: {  	[tilespmem:s22+$0x0] =	vst v5  }
0x212: {  	s25 =	simm.s32 $0x80;
	v5 =	vld.idx.msk [tilespmem:v6+s20+$0x0], $0xffff  }
0x213: {  	v6 =	vor.u32 v2, v4;
	v4 =	vmov s25  }
0x214: {  	v4 =	vshrl.u32 v4, $0x7  }
0x215: {  	v4 =	vshll.u32 v4, v0  }
0x216: {  	v7 =	vadd.s32 $0x300, v4  }
0x217: {  	[tilespmem:s21+$0xFFFFFF90] =	vst v5;
	v5 =	vbroadcast v7, $0x0  }
0x218: {  	s26 =	simm.s32 $0xC0;
	v6 =	vld.idx.msk [tilespmem:v6+s20+$0x0], $0xffff  }
0x219: {  	v7 =	vor.u32 v1, v5;
	v5 =	vmov s26  }
0x21a: {  	v5 =	vshrl.u32 v5, $0x7  }
0x21b: {  	v5 =	vshll.u32 v5, v0  }
0x21c: {  	v8 =	vadd.s32 $0x300, v5  }
0x21d: {  	[tilespmem:s21+$0xFFFFFFA0] =	vst v6;
	v6 =	vbroadcast v8, $0x0  }
0x21e: {  	s28 =	simm.s32 $0x100;
	v7 =	vld.idx.msk [tilespmem:v7+s20+$0x0], $0xffff  }
0x21f: {  	v8 =	vor.u32 v2, v6;
	v6 =	vmov s28  }
0x220: {  	v6 =	vshrl.u32 v6, $0x7  }
0x221: {  	v6 =	vshll.u32 v6, v0  }
0x222: {  	v9 =	vadd.s32 $0x300, v6  }
0x223: {  	[tilespmem:s21+$0xFFFFFFB0] =	vst v7;
	v7 =	vbroadcast v9, $0x0  }
0x224: {  	s29 =	simm.s32 $0x140;
	v8 =	vld.idx.msk [tilespmem:v8+s20+$0x0], $0xffff  }
0x225: {  	v9 =	vor.u32 v1, v7;
	v7 =	vmov s29  }
0x226: {  	v7 =	vshrl.u32 v7, $0x7  }
0x227: {  	v7 =	vshll.u32 v7, v0  }
0x228: {  	v10 =	vadd.s32 $0x300, v7  }
0x229: {  	[tilespmem:s21+$0xFFFFFFC0] =	vst v8;
	v8 =	vbroadcast v10, $0x0  }
0x22a: {  	s30 =	simm.s32 $0x180;
	v9 =	vld.idx.msk [tilespmem:v9+s20+$0x0], $0xffff  }
0x22b: {  	v10 =	vor.u32 v2, v8;
	v8 =	vmov s30  }
0x22c: {  	v8 =	vshrl.u32 v8, $0x7  }
0x22d: {  	v8 =	vshll.u32 v8, v0  }
0x22e: {  	v11 =	vadd.s32 $0x300, v8  }
0x22f: {  	[tilespmem:s21+$0xFFFFFFD0] =	vst v9;
	v9 =	vbroadcast v11, $0x0  }
0x230: {  	s31 =	simm.s32 $0x1C0;
	v10 =	vld.idx.msk [tilespmem:v10+s20+$0x0], $0xffff  }
0x231: {  	v11 =	vmov s31;
	v12 =	vor.u32 v1, v9  }
0x232: {  	v9 =	vshrl.u32 v11, $0x7  }
0x233: {  	v9 =	vshll.u32 v9, v0  }
0x234: {  	v11 =	vadd.s32 $0x300, v9  }
0x235: {  	v11 =	vbroadcast v11, $0x0;
	[tilespmem:s21+$0xFFFFFFE0] =	vst v10  }
0x236: {  	v10 =	vld.idx.msk [tilespmem:v12+s20+$0x0], $0xffff  }
0x237: {  	s23 =	simm.s32 $0x0;
	s24 =	simm.s32 $0x200;
	v11 =	vor.u32 v2, v11  }
.LBB2_15:
0x238: {  	v12 =	vmov s24;
	s23 =	sadd.s32 $0x8, s23  }
0x239: {  	v12 =	vshrl.u32 v12, $0x7;
	p1 =	slt.u32 s23, $0x38  }
0x23a: {  	v12 =	vshll.u32 v12, v0  }
0x23b: {  	v12 =	vadd.s32 $0x300, v12;
	[tilespmem:s21+$0xFFFFFFF0] =	vst v10  }
0x23c: {  	v10 =	vbroadcast v12, $0x0;
	v11 =	vld.idx.msk [tilespmem:v11+s20+$0x0], $0xffff;
	_ =	sdelay $0x1  }
0x23d: {  	v12 =	vor.u32 v1, v10;
	_ =	sdelay $0x3  }
0x23e: {  	s22 =	simm.s32 $0x103F0;
	[tilespmem:s21+$0x0] =	vst v11  }
0x23f: {  	v11 =	vld.idx.msk [tilespmem:v12+s20+$0x0], $0xffff;
	_ =	sdelay $0x1  }
0x240: {  	s25 =	sadd.s32 $0x80, s24;
	v10 =	vor.u32 v2, v10  }
0x241: {  	v12 =	vmov s25  }
0x242: {  	v12 =	vshrl.u32 v12, $0x7  }
0x243: {  	s21 =	sadd.s32 $0x400, s21;
	v12 =	vshll.u32 v12, v0  }
0x244: {  	[tilespmem:s21+$0xFFFFFF90] =	vst v11;
	v11 =	vadd.s32 $0x300, v12  }
0x245: {  	v10 =	vld.idx.msk [tilespmem:v10+s20+$0x0], $0xffff;
	v11 =	vbroadcast v11, $0x0;
	_ =	sdelay $0x1  }
0x246: {  	s25 =	sadd.s32 $0xC0, s24;
	v11 =	vor.u32 v1, v11  }
0x247: {  	v12 =	vmov s25  }
0x248: {  	v12 =	vshrl.u32 v12, $0x7  }
0x249: {  	v12 =	vshll.u32 v12, v0  }
0x24a: {  	[tilespmem:s21+$0xFFFFFFA0] =	vst v10;
	v10 =	vadd.s32 $0x300, v12  }
0x24b: {  	v11 =	vld.idx.msk [tilespmem:v11+s20+$0x0], $0xffff;
	v10 =	vbroadcast v10, $0x0;
	_ =	sdelay $0x1  }
0x24c: {  	s25 =	sadd.s32 $0x100, s24;
	v10 =	vor.u32 v2, v10  }
0x24d: {  	v12 =	vmov s25  }
0x24e: {  	v12 =	vshrl.u32 v12, $0x7  }
0x24f: {  	v12 =	vshll.u32 v12, v0  }
0x250: {  	[tilespmem:s21+$0xFFFFFFB0] =	vst v11;
	v11 =	vadd.s32 $0x300, v12  }
0x251: {  	v10 =	vld.idx.msk [tilespmem:v10+s20+$0x0], $0xffff;
	v11 =	vbroadcast v11, $0x0;
	_ =	sdelay $0x1  }
0x252: {  	s25 =	sadd.s32 $0x140, s24;
	v11 =	vor.u32 v1, v11  }
0x253: {  	v12 =	vmov s25  }
0x254: {  	v12 =	vshrl.u32 v12, $0x7  }
0x255: {  	v12 =	vshll.u32 v12, v0  }
0x256: {  	[tilespmem:s21+$0xFFFFFFC0] =	vst v10;
	v10 =	vadd.s32 $0x300, v12  }
0x257: {  	v11 =	vld.idx.msk [tilespmem:v11+s20+$0x0], $0xffff;
	v10 =	vbroadcast v10, $0x0;
	_ =	sdelay $0x1  }
0x258: {  	s25 =	sadd.s32 $0x180, s24;
	v10 =	vor.u32 v2, v10  }
0x259: {  	v12 =	vmov s25  }
0x25a: {  	v12 =	vshrl.u32 v12, $0x7  }
0x25b: {  	v12 =	vshll.u32 v12, v0  }
0x25c: {  	[tilespmem:s21+$0xFFFFFFD0] =	vst v11;
	v11 =	vadd.s32 $0x300, v12  }
0x25d: {  	v10 =	vld.idx.msk [tilespmem:v10+s20+$0x0], $0xffff;
	v11 =	vbroadcast v11, $0x0;
	_ =	sdelay $0x1  }
0x25e: {  	s25 =	sadd.s32 $0x1C0, s24;
	v11 =	vor.u32 v1, v11  }
0x25f: {  	v12 =	vmov s25  }
0x260: {  	v12 =	vshrl.u32 v12, $0x7  }
.Ltmp6:
0x261: {  	v12 =	vshll.u32 v12, v0;
	(pc) =	sbr.rel @p1 .LBB2_15-.Ltmp6, $3  }
0x262: {  	v12 =	vadd.s32 $0x300, v12;
	[tilespmem:s21+$0xFFFFFFE0] =	vst v10  }
0x263: {  	v10 =	vld.idx.msk [tilespmem:v11+s20+$0x0], $0xffff;
	v11 =	vbroadcast v12, $0x0;
	_ =	sdelay $0x1  }
0x264: {  	s24 =	sadd.s32 $0x200, s24;
	v11 =	vor.u32 v2, v11  }
0x265: {  	_ =	sdelay $0x1  }
0x266: {  	v3 =	vadd.s32 $0x380, v3  }
0x267: {  	v3 =	vbroadcast v3, $0x0;
	[tilespmem:s21+$0xFFFFFFF0] =	vst v10  }
0x268: {  	v10 =	vld.idx.msk [tilespmem:v11+s20+$0x0], $0xffff  }
0x269: {  	v63 =	vor.u32 v1, v3;
	_ =	sdelay $0x3  }
0x26a: {  	[tilespmem:s21+$0x0] =	vst v10  }
0x26b: {  	v10 =	vld.idx.msk [tilespmem:v63+s3+$0x0], $0xffff  }
0x26c: {  	v3 =	vor.u32 v2, v3;
	_ =	sdelay $0x2  }
0x26d: {  	v4 =	vadd.s32 $0x380, v4  }
0x26e: {  	v4 =	vbroadcast v4, $0x0;
	[tilespmem:s22+$0xFFFFFF90] =	vst v10  }
0x26f: {  	v3 =	vld.idx.msk [tilespmem:v3+s3+$0x0], $0xffff  }
0x270: {  	v4 =	vor.u32 v1, v4;
	_ =	sdelay $0x2  }
0x271: {  	v5 =	vadd.s32 $0x380, v5  }
0x272: {  	[tilespmem:s22+$0xFFFFFFA0] =	vst v3;
	v3 =	vbroadcast v5, $0x0  }
0x273: {  	v4 =	vld.idx.msk [tilespmem:v4+s3+$0x0], $0xffff  }
0x274: {  	v3 =	vor.u32 v2, v3;
	_ =	sdelay $0x2  }
0x275: {  	v5 =	vadd.s32 $0x380, v6  }
0x276: {  	[tilespmem:s22+$0xFFFFFFB0] =	vst v4;
	v4 =	vbroadcast v5, $0x0  }
0x277: {  	v3 =	vld.idx.msk [tilespmem:v3+s3+$0x0], $0xffff  }
0x278: {  	v4 =	vor.u32 v1, v4;
	_ =	sdelay $0x2  }
0x279: {  	v5 =	vadd.s32 $0x380, v7  }
0x27a: {  	[tilespmem:s22+$0xFFFFFFC0] =	vst v3;
	v3 =	vbroadcast v5, $0x0  }
0x27b: {  	v4 =	vld.idx.msk [tilespmem:v4+s3+$0x0], $0xffff  }
0x27c: {  	v3 =	vor.u32 v2, v3;
	_ =	sdelay $0x2  }
0x27d: {  	v5 =	vadd.s32 $0x380, v8  }
0x27e: {  	[tilespmem:s22+$0xFFFFFFD0] =	vst v4;
	v4 =	vbroadcast v5, $0x0  }
0x27f: {  	v3 =	vld.idx.msk [tilespmem:v3+s3+$0x0], $0xffff  }
0x280: {  	v4 =	vor.u32 v1, v4;
	_ =	sdelay $0x2  }
0x281: {  	v5 =	vadd.s32 $0x380, v9  }
0x282: {  	v5 =	vbroadcast v5, $0x0;
	[tilespmem:s22+$0xFFFFFFE0] =	vst v3  }
0x283: {  	v3 =	vld.idx.msk [tilespmem:v4+s3+$0x0], $0xffff  }
0x284: {  	s20 =	simm.s32 $0x0;
	s21 =	simm.s32 $0x200;
	v4 =	vor.u32 v2, v5  }
.LBB2_17:
0x285: {  	v5 =	vmov s21;
	s20 =	sadd.s32 $0x8, s20  }
0x286: {  	v5 =	vshrl.u32 v5, $0x7;
	p1 =	slt.u32 s20, $0x38  }
0x287: {  	v5 =	vshll.u32 v5, v0  }
0x288: {  	v5 =	vadd.s32 $0x380, v5;
	[tilespmem:s22+$0xFFFFFFF0] =	vst v3  }
0x289: {  	v3 =	vbroadcast v5, $0x0;
	v4 =	vld.idx.msk [tilespmem:v4+s3+$0x0], $0xffff;
	_ =	sdelay $0x1  }
0x28a: {  	v5 =	vor.u32 v1, v3;
	_ =	sdelay $0x3  }
0x28b: {  	[tilespmem:s22+$0x0] =	vst v4  }
0x28c: {  	v4 =	vld.idx.msk [tilespmem:v5+s3+$0x0], $0xffff;
	_ =	sdelay $0x1  }
0x28d: {  	s23 =	sadd.s32 $0x80, s21;
	v3 =	vor.u32 v2, v3  }
0x28e: {  	v5 =	vmov s23  }
0x28f: {  	v5 =	vshrl.u32 v5, $0x7  }
0x290: {  	s22 =	sadd.s32 $0x400, s22;
	v5 =	vshll.u32 v5, v0  }
0x291: {  	[tilespmem:s22+$0xFFFFFF90] =	vst v4;
	v4 =	vadd.s32 $0x380, v5  }
0x292: {  	v3 =	vld.idx.msk [tilespmem:v3+s3+$0x0], $0xffff;
	v4 =	vbroadcast v4, $0x0;
	_ =	sdelay $0x1  }
0x293: {  	s23 =	sadd.s32 $0xC0, s21;
	v4 =	vor.u32 v1, v4  }
0x294: {  	v5 =	vmov s23  }
0x295: {  	v5 =	vshrl.u32 v5, $0x7  }
0x296: {  	v5 =	vshll.u32 v5, v0  }
0x297: {  	[tilespmem:s22+$0xFFFFFFA0] =	vst v3;
	v3 =	vadd.s32 $0x380, v5  }
0x298: {  	v4 =	vld.idx.msk [tilespmem:v4+s3+$0x0], $0xffff;
	v3 =	vbroadcast v3, $0x0;
	_ =	sdelay $0x1  }
0x299: {  	s23 =	sadd.s32 $0x100, s21;
	v3 =	vor.u32 v2, v3  }
0x29a: {  	v5 =	vmov s23  }
0x29b: {  	v5 =	vshrl.u32 v5, $0x7  }
0x29c: {  	v5 =	vshll.u32 v5, v0  }
0x29d: {  	[tilespmem:s22+$0xFFFFFFB0] =	vst v4;
	v4 =	vadd.s32 $0x380, v5  }
0x29e: {  	v3 =	vld.idx.msk [tilespmem:v3+s3+$0x0], $0xffff;
	v4 =	vbroadcast v4, $0x0;
	_ =	sdelay $0x1  }
0x29f: {  	s23 =	sadd.s32 $0x140, s21;
	v4 =	vor.u32 v1, v4  }
0x2a0: {  	v5 =	vmov s23  }
0x2a1: {  	v5 =	vshrl.u32 v5, $0x7  }
0x2a2: {  	v5 =	vshll.u32 v5, v0  }
0x2a3: {  	[tilespmem:s22+$0xFFFFFFC0] =	vst v3;
	v3 =	vadd.s32 $0x380, v5  }
0x2a4: {  	v4 =	vld.idx.msk [tilespmem:v4+s3+$0x0], $0xffff;
	v3 =	vbroadcast v3, $0x0;
	_ =	sdelay $0x1  }
0x2a5: {  	s23 =	sadd.s32 $0x180, s21;
	v3 =	vor.u32 v2, v3  }
0x2a6: {  	v5 =	vmov s23  }
0x2a7: {  	v5 =	vshrl.u32 v5, $0x7  }
0x2a8: {  	v5 =	vshll.u32 v5, v0  }
0x2a9: {  	[tilespmem:s22+$0xFFFFFFD0] =	vst v4;
	v4 =	vadd.s32 $0x380, v5  }
0x2aa: {  	v3 =	vld.idx.msk [tilespmem:v3+s3+$0x0], $0xffff;
	v4 =	vbroadcast v4, $0x0;
	_ =	sdelay $0x1  }
0x2ab: {  	s23 =	sadd.s32 $0x1C0, s21;
	v4 =	vor.u32 v1, v4  }
0x2ac: {  	v5 =	vmov s23  }
0x2ad: {  	v5 =	vshrl.u32 v5, $0x7  }
.Ltmp7:
0x2ae: {  	v5 =	vshll.u32 v5, v0;
	(pc) =	sbr.rel @p1 .LBB2_17-.Ltmp7, $3  }
0x2af: {  	v5 =	vadd.s32 $0x380, v5;
	[tilespmem:s22+$0xFFFFFFE0] =	vst v3  }
0x2b0: {  	v3 =	vld.idx.msk [tilespmem:v4+s3+$0x0], $0xffff;
	v4 =	vbroadcast v5, $0x0;
	_ =	sdelay $0x1  }
0x2b1: {  	s21 =	sadd.s32 $0x200, s21;
	v4 =	vor.u32 v2, v4  }
0x2b2: {  	_ =	sdelay $0x2  }
0x2b3: {  	[tilespmem:s22+$0xFFFFFFF0] =	vst v3  }
0x2b4: {  	v3 =	vld.idx.msk [tilespmem:v4+s3+$0x0], $0xffff  }
0x2b5: {  	p1 =	sne.s32 s18, $0x1F  }
.Ltmp8:
0x2b6: {  	_ = 	snop;
	(pc) =	sbr.rel @p1 .LBB2_20-.Ltmp8, $4  }
0x2b7: {  	_ = 	snop  }
0x2b8: {  	s19 =	sshll.u32 s19, $0xB  }
0x2b9: {  	s20 =	sadd.s32 s2, s19;
	[tilespmem:s22+$0x0] =	vst v3  }
0x2ba: {  	[hbm4b:s20+s3] =	stream.linear.scatter [tilespmem:s12], [sflag:$0x3], $0x2000, $0x38;
	[tilespmem:$0x14000] =	vst v63  }
.Ltmp9:
0x2bb: {  	(pc) =	sbr.rel .LBB2_21-.Ltmp9, $4  }
0x2bc: {  	_ = 	snop  }
0x2bd: {  	_ =	swait.ge [sflag:s13], $0x8000  }
0x2be: {  	[sflag:s13] =	ssyncset.done $0x0  }
0x2bf: {  	[sflag:s13] =	ssyncadd.s32 $0xFFFF8000  }
.LBB2_20:
0x2c0: {  	s20 =	sshll.u32 s18, $0xD  }
.Ltmp10:
0x2c1: {  	s20 =	sadd.s32 s20, s7;
	(pc) =	sbr.rel @p0 .LBB2_22-.Ltmp10, $4  }
0x2c2: {  	[tilespmem:s3], [sflag:$0x1] =	stream.linear.gather [hbm4b:s20+s3], $0x8000, $0x38;
	[tilespmem:$0x14000] =	vst v63  }
0x2c3: {  	_ =	swait.ge [sflag:s13], $0x8000  }
0x2c4: {  	[sflag:s13] =	ssyncset.done $0x0  }
0x2c5: {  	[sflag:s13] =	ssyncadd.s32 $0xFFFF8000  }
.LBB2_21:
0x2c6: {  	_ =	swait.ge [sflag:s14], $0x2000  }
0x2c7: {  	[sflag:s14] =	ssyncset.done $0x0  }
0x2c8: {  	[sflag:s14] =	ssyncadd.s32 $0xFFFFE000  }
.LBB2_22:
0x2c9: {  	s20 =	simm.s32 $0x0  }
0x2ca: {  	v3 =	vmov s20  }
0x2cb: {  	v3 =	vshrl.u32 v3, $0x7  }
0x2cc: {  	v3 =	vshll.u32 v3, v0  }
0x2cd: {  	v4 =	vbroadcast v3, $0x0;
	_ =	sdelay $0x1  }
0x2ce: {  	v5 =	vor.u32 v1, v4;
	_ =	sdelay $0x4  }
0x2cf: {  	v5 =	vld.idx.msk [tilespmem:v5+s10+$0x0], $0xffff  }
0x2d0: {  	s26 =	simm.s32 $0x80;
	v6 =	vor.u32 v2, v4  }
0x2d1: {  	v4 =	vmov s26  }
0x2d2: {  	v4 =	vshrl.u32 v4, $0x7  }
0x2d3: {  	s20 =	simm.s32 $0x12040;
	v4 =	vshll.u32 v4, v0  }
0x2d4: {  	[tilespmem:s20+$0xFFFFFFC0] =	vst v5;
	v5 =	vbroadcast v4, $0x0  }
0x2d5: {  	v6 =	vld.idx.msk [tilespmem:v6+s10+$0x0], $0xffff  }
0x2d6: {  	s21 =	simm.s32 $0xC0;
	v7 =	vor.u32 v1, v5  }
0x2d7: {  	v5 =	vmov s21  }
0x2d8: {  	v5 =	vshrl.u32 v5, $0x7  }
0x2d9: {  	v5 =	vshll.u32 v5, v0  }
0x2da: {  	[tilespmem:s20+$0xFFFFFFD0] =	vst v6;
	v6 =	vbroadcast v5, $0x0  }
0x2db: {  	v7 =	vld.idx.msk [tilespmem:v7+s10+$0x0], $0xffff  }
0x2dc: {  	s28 =	simm.s32 $0x100;
	v8 =	vor.u32 v2, v6  }
0x2dd: {  	v6 =	vmov s28  }
0x2de: {  	v6 =	vshrl.u32 v6, $0x7  }
0x2df: {  	v6 =	vshll.u32 v6, v0  }
0x2e0: {  	[tilespmem:s20+$0xFFFFFFE0] =	vst v7;
	v7 =	vbroadcast v6, $0x0  }
0x2e1: {  	v8 =	vld.idx.msk [tilespmem:v8+s10+$0x0], $0xffff  }
0x2e2: {  	s29 =	simm.s32 $0x140;
	v9 =	vor.u32 v1, v7  }
0x2e3: {  	v7 =	vmov s29  }
0x2e4: {  	v7 =	vshrl.u32 v7, $0x7  }
0x2e5: {  	v7 =	vshll.u32 v7, v0  }
0x2e6: {  	[tilespmem:s20+$0xFFFFFFF0] =	vst v8;
	v8 =	vbroadcast v7, $0x0  }
0x2e7: {  	v9 =	vld.idx.msk [tilespmem:v9+s10+$0x0], $0xffff  }
0x2e8: {  	s30 =	simm.s32 $0x180;
	v10 =	vor.u32 v2, v8  }
0x2e9: {  	v8 =	vmov s30  }
0x2ea: {  	v8 =	vshrl.u32 v8, $0x7  }
0x2eb: {  	v8 =	vshll.u32 v8, v0  }
0x2ec: {  	[tilespmem:s20+$0x0] =	vst v9;
	v9 =	vbroadcast v8, $0x0  }
0x2ed: {  	v10 =	vld.idx.msk [tilespmem:v10+s10+$0x0], $0xffff  }
0x2ee: {  	s31 =	simm.s32 $0x1C0;
	v11 =	vor.u32 v1, v9  }
0x2ef: {  	v9 =	vmov s31  }
0x2f0: {  	v9 =	vshrl.u32 v9, $0x7  }
0x2f1: {  	v9 =	vshll.u32 v9, v0  }
0x2f2: {  	v12 =	vbroadcast v9, $0x0;
	[tilespmem:s20+$0x10] =	vst v10  }
0x2f3: {  	v10 =	vld.idx.msk [tilespmem:v11+s10+$0x0], $0xffff  }
0x2f4: {  	v11 =	vor.u32 v2, v12  }
0x2f5: {  	s22 =	simm.s32 $0x0;
	s23 =	simm.s32 $0x200  }
.LBB2_23:
0x2f6: {  	v12 =	vmov s23;
	s22 =	sadd.s32 $0x8, s22  }
0x2f7: {  	v12 =	vshrl.u32 v12, $0x7;
	p0 =	slt.u32 s22, $0x38  }
0x2f8: {  	v12 =	vshll.u32 v12, v0;
	[tilespmem:s20+$0x20] =	vst v10  }
0x2f9: {  	v10 =	vbroadcast v12, $0x0;
	v11 =	vld.idx.msk [tilespmem:v11+s10+$0x0], $0xffff;
	_ =	sdelay $0x1  }
0x2fa: {  	v12 =	vor.u32 v1, v10;
	_ =	sdelay $0x3  }
0x2fb: {  	s21 =	simm.s32 $0x120F0;
	[tilespmem:s20+$0x30] =	vst v11  }
0x2fc: {  	v11 =	vld.idx.msk [tilespmem:v12+s10+$0x0], $0xffff;
	_ =	sdelay $0x1  }
0x2fd: {  	v10 =	vor.u32 v2, v10  }
0x2fe: {  	s24 =	sadd.s32 $0x80, s23  }
0x2ff: {  	v12 =	vmov s24  }
0x300: {  	s20 =	sadd.s32 $0x400, s20;
	v12 =	vshrl.u32 v12, $0x7  }
0x301: {  	[tilespmem:s20+$0xFFFFFFC0] =	vst v11;
	v11 =	vshll.u32 v12, v0  }
0x302: {  	v10 =	vld.idx.msk [tilespmem:v10+s10+$0x0], $0xffff;
	v11 =	vbroadcast v11, $0x0;
	_ =	sdelay $0x1  }
0x303: {  	v11 =	vor.u32 v1, v11  }
0x304: {  	s24 =	sadd.s32 $0xC0, s23  }
0x305: {  	v12 =	vmov s24  }
0x306: {  	v12 =	vshrl.u32 v12, $0x7  }
0x307: {  	[tilespmem:s20+$0xFFFFFFD0] =	vst v10;
	v10 =	vshll.u32 v12, v0  }
0x308: {  	v11 =	vld.idx.msk [tilespmem:v11+s10+$0x0], $0xffff;
	v10 =	vbroadcast v10, $0x0;
	_ =	sdelay $0x1  }
0x309: {  	v10 =	vor.u32 v2, v10  }
0x30a: {  	s24 =	sadd.s32 $0x100, s23  }
0x30b: {  	v12 =	vmov s24  }
0x30c: {  	v12 =	vshrl.u32 v12, $0x7  }
0x30d: {  	[tilespmem:s20+$0xFFFFFFE0] =	vst v11;
	v11 =	vshll.u32 v12, v0  }
0x30e: {  	v10 =	vld.idx.msk [tilespmem:v10+s10+$0x0], $0xffff;
	v11 =	vbroadcast v11, $0x0;
	_ =	sdelay $0x1  }
0x30f: {  	v11 =	vor.u32 v1, v11  }
0x310: {  	s24 =	sadd.s32 $0x140, s23  }
0x311: {  	v12 =	vmov s24  }
0x312: {  	v12 =	vshrl.u32 v12, $0x7  }
0x313: {  	[tilespmem:s20+$0xFFFFFFF0] =	vst v10;
	v10 =	vshll.u32 v12, v0  }
0x314: {  	v11 =	vld.idx.msk [tilespmem:v11+s10+$0x0], $0xffff;
	v10 =	vbroadcast v10, $0x0;
	_ =	sdelay $0x1  }
0x315: {  	v10 =	vor.u32 v2, v10  }
0x316: {  	s24 =	sadd.s32 $0x180, s23  }
0x317: {  	v12 =	vmov s24  }
0x318: {  	v12 =	vshrl.u32 v12, $0x7  }
0x319: {  	[tilespmem:s20+$0x0] =	vst v11;
	v11 =	vshll.u32 v12, v0  }
0x31a: {  	v10 =	vld.idx.msk [tilespmem:v10+s10+$0x0], $0xffff;
	v11 =	vbroadcast v11, $0x0;
	_ =	sdelay $0x1  }
0x31b: {  	v11 =	vor.u32 v1, v11  }
0x31c: {  	s24 =	sadd.s32 $0x1C0, s23  }
0x31d: {  	v12 =	vmov s24  }
0x31e: {  	v12 =	vshrl.u32 v12, $0x7  }
.Ltmp11:
0x31f: {  	v12 =	vshll.u32 v12, v0;
	[tilespmem:s20+$0x10] =	vst v10;
	(pc) =	sbr.rel @p0 .LBB2_23-.Ltmp11, $3  }
0x320: {  	v10 =	vld.idx.msk [tilespmem:v11+s10+$0x0], $0xffff;
	v11 =	vbroadcast v12, $0x0;
	_ =	sdelay $0x1  }
0x321: {  	v11 =	vor.u32 v2, v11  }
0x322: {  	s23 =	sadd.s32 $0x200, s23  }
0x323: {  	_ =	sdelay $0x1  }
0x324: {  	v3 =	vadd.s32 $0x80, v3  }
0x325: {  	[tilespmem:s20+$0x20] =	vst v10;
	v3 =	vbroadcast v3, $0x0  }
0x326: {  	v10 =	vld.idx.msk [tilespmem:v11+s10+$0x0], $0xffff  }
0x327: {  	v63 =	vor.u32 v1, v3;
	_ =	sdelay $0x3  }
0x328: {  	[tilespmem:s20+$0x30] =	vst v10  }
0x329: {  	v10 =	vld.idx.msk [tilespmem:v63+s10+$0x0], $0xffff  }
0x32a: {  	v3 =	vor.u32 v2, v3;
	_ =	sdelay $0x2  }
0x32b: {  	v4 =	vadd.s32 $0x80, v4  }
0x32c: {  	v4 =	vbroadcast v4, $0x0;
	[tilespmem:s21+$0xFFFFFF90] =	vst v10  }
0x32d: {  	v3 =	vld.idx.msk [tilespmem:v3+s10+$0x0], $0xffff  }
0x32e: {  	v4 =	vor.u32 v1, v4;
	_ =	sdelay $0x2  }
0x32f: {  	v5 =	vadd.s32 $0x80, v5  }
0x330: {  	[tilespmem:s21+$0xFFFFFFA0] =	vst v3;
	v3 =	vbroadcast v5, $0x0  }
0x331: {  	v4 =	vld.idx.msk [tilespmem:v4+s10+$0x0], $0xffff  }
0x332: {  	v3 =	vor.u32 v2, v3;
	_ =	sdelay $0x2  }
0x333: {  	v5 =	vadd.s32 $0x80, v6  }
0x334: {  	[tilespmem:s21+$0xFFFFFFB0] =	vst v4;
	v4 =	vbroadcast v5, $0x0  }
0x335: {  	v3 =	vld.idx.msk [tilespmem:v3+s10+$0x0], $0xffff  }
0x336: {  	v4 =	vor.u32 v1, v4;
	_ =	sdelay $0x2  }
0x337: {  	v5 =	vadd.s32 $0x80, v7  }
0x338: {  	[tilespmem:s21+$0xFFFFFFC0] =	vst v3;
	v3 =	vbroadcast v5, $0x0  }
0x339: {  	v4 =	vld.idx.msk [tilespmem:v4+s10+$0x0], $0xffff  }
0x33a: {  	v3 =	vor.u32 v2, v3;
	_ =	sdelay $0x2  }
0x33b: {  	v5 =	vadd.s32 $0x80, v8  }
0x33c: {  	[tilespmem:s21+$0xFFFFFFD0] =	vst v4;
	v4 =	vbroadcast v5, $0x0  }
0x33d: {  	v3 =	vld.idx.msk [tilespmem:v3+s10+$0x0], $0xffff  }
0x33e: {  	v4 =	vor.u32 v1, v4;
	_ =	sdelay $0x2  }
0x33f: {  	v5 =	vadd.s32 $0x80, v9  }
0x340: {  	v5 =	vbroadcast v5, $0x0;
	[tilespmem:s21+$0xFFFFFFE0] =	vst v3  }
0x341: {  	v4 =	vld.idx.msk [tilespmem:v4+s10+$0x0], $0xffff  }
0x342: {  	s22 =	simm.s32 $0x0;
	s23 =	simm.s32 $0x200;
	v5 =	vor.u32 v2, v5  }
.LBB2_25:
0x343: {  	v3 =	vmov s23;
	s22 =	sadd.s32 $0x8, s22  }
0x344: {  	v3 =	vshrl.u32 v3, $0x7;
	p0 =	slt.u32 s22, $0x38  }
0x345: {  	v3 =	vshll.u32 v3, v0  }
0x346: {  	v3 =	vadd.s32 $0x80, v3;
	[tilespmem:s21+$0xFFFFFFF0] =	vst v4  }
0x347: {  	v3 =	vbroadcast v3, $0x0;
	v4 =	vld.idx.msk [tilespmem:v5+s10+$0x0], $0xffff;
	_ =	sdelay $0x1  }
0x348: {  	v5 =	vor.u32 v1, v3;
	_ =	sdelay $0x3  }
0x349: {  	s20 =	simm.s32 $0x12170;
	[tilespmem:s21+$0x0] =	vst v4  }
0x34a: {  	v4 =	vld.idx.msk [tilespmem:v5+s10+$0x0], $0xffff;
	_ =	sdelay $0x1  }
0x34b: {  	s24 =	sadd.s32 $0x80, s23;
	v3 =	vor.u32 v2, v3  }
0x34c: {  	v5 =	vmov s24  }
0x34d: {  	v5 =	vshrl.u32 v5, $0x7  }
0x34e: {  	s21 =	sadd.s32 $0x400, s21;
	v5 =	vshll.u32 v5, v0  }
0x34f: {  	[tilespmem:s21+$0xFFFFFF90] =	vst v4;
	v4 =	vadd.s32 $0x80, v5  }
0x350: {  	v3 =	vld.idx.msk [tilespmem:v3+s10+$0x0], $0xffff;
	v4 =	vbroadcast v4, $0x0;
	_ =	sdelay $0x1  }
0x351: {  	s24 =	sadd.s32 $0xC0, s23;
	v4 =	vor.u32 v1, v4  }
0x352: {  	v5 =	vmov s24  }
0x353: {  	v5 =	vshrl.u32 v5, $0x7  }
0x354: {  	v5 =	vshll.u32 v5, v0  }
0x355: {  	[tilespmem:s21+$0xFFFFFFA0] =	vst v3;
	v3 =	vadd.s32 $0x80, v5  }
0x356: {  	v4 =	vld.idx.msk [tilespmem:v4+s10+$0x0], $0xffff;
	v3 =	vbroadcast v3, $0x0;
	_ =	sdelay $0x1  }
0x357: {  	s24 =	sadd.s32 $0x100, s23;
	v3 =	vor.u32 v2, v3  }
0x358: {  	v5 =	vmov s24  }
0x359: {  	v5 =	vshrl.u32 v5, $0x7  }
0x35a: {  	v5 =	vshll.u32 v5, v0  }
0x35b: {  	[tilespmem:s21+$0xFFFFFFB0] =	vst v4;
	v4 =	vadd.s32 $0x80, v5  }
0x35c: {  	v3 =	vld.idx.msk [tilespmem:v3+s10+$0x0], $0xffff;
	v4 =	vbroadcast v4, $0x0;
	_ =	sdelay $0x1  }
0x35d: {  	s24 =	sadd.s32 $0x140, s23;
	v4 =	vor.u32 v1, v4  }
0x35e: {  	v5 =	vmov s24  }
0x35f: {  	v5 =	vshrl.u32 v5, $0x7  }
0x360: {  	v5 =	vshll.u32 v5, v0  }
0x361: {  	[tilespmem:s21+$0xFFFFFFC0] =	vst v3;
	v3 =	vadd.s32 $0x80, v5  }
0x362: {  	v4 =	vld.idx.msk [tilespmem:v4+s10+$0x0], $0xffff;
	v3 =	vbroadcast v3, $0x0;
	_ =	sdelay $0x1  }
0x363: {  	s24 =	sadd.s32 $0x180, s23;
	v3 =	vor.u32 v2, v3  }
0x364: {  	v5 =	vmov s24  }
0x365: {  	v5 =	vshrl.u32 v5, $0x7  }
0x366: {  	v5 =	vshll.u32 v5, v0  }
0x367: {  	[tilespmem:s21+$0xFFFFFFD0] =	vst v4;
	v4 =	vadd.s32 $0x80, v5  }
0x368: {  	v3 =	vld.idx.msk [tilespmem:v3+s10+$0x0], $0xffff;
	v4 =	vbroadcast v4, $0x0;
	_ =	sdelay $0x1  }
0x369: {  	s24 =	sadd.s32 $0x1C0, s23;
	v4 =	vor.u32 v1, v4  }
0x36a: {  	v5 =	vmov s24  }
0x36b: {  	v5 =	vshrl.u32 v5, $0x7  }
.Ltmp12:
0x36c: {  	v5 =	vshll.u32 v5, v0;
	(pc) =	sbr.rel @p0 .LBB2_25-.Ltmp12, $3  }
0x36d: {  	[tilespmem:s21+$0xFFFFFFE0] =	vst v3;
	v3 =	vadd.s32 $0x80, v5  }
0x36e: {  	v4 =	vld.idx.msk [tilespmem:v4+s10+$0x0], $0xffff;
	v3 =	vbroadcast v3, $0x0;
	_ =	sdelay $0x1  }
0x36f: {  	s23 =	sadd.s32 $0x200, s23;
	v5 =	vor.u32 v2, v3  }
0x370: {  	s22 =	simm.s32 $0x0  }
0x371: {  	v3 =	vmov s22  }
0x372: {  	v3 =	vshrl.u32 v3, $0x7  }
0x373: {  	v3 =	vshll.u32 v3, v0  }
0x374: {  	v6 =	vadd.s32 $0x100, v3  }
0x375: {  	[tilespmem:s21+$0xFFFFFFF0] =	vst v4;
	v4 =	vbroadcast v6, $0x0  }
0x376: {  	v5 =	vld.idx.msk [tilespmem:v5+s10+$0x0], $0xffff  }
0x377: {  	v6 =	vor.u32 v1, v4;
	_ =	sdelay $0x3  }
0x378: {  	[tilespmem:s21+$0x0] =	vst v5  }
0x379: {  	s25 =	simm.s32 $0x80;
	v5 =	vld.idx.msk [tilespmem:v6+s10+$0x0], $0xffff  }
0x37a: {  	v6 =	vor.u32 v2, v4;
	v4 =	vmov s25  }
0x37b: {  	v4 =	vshrl.u32 v4, $0x7  }
0x37c: {  	v4 =	vshll.u32 v4, v0  }
0x37d: {  	v7 =	vadd.s32 $0x100, v4  }
0x37e: {  	[tilespmem:s20+$0xFFFFFF90] =	vst v5;
	v5 =	vbroadcast v7, $0x0  }
0x37f: {  	s26 =	simm.s32 $0xC0;
	v6 =	vld.idx.msk [tilespmem:v6+s10+$0x0], $0xffff  }
0x380: {  	v7 =	vor.u32 v1, v5;
	v5 =	vmov s26  }
0x381: {  	v5 =	vshrl.u32 v5, $0x7  }
0x382: {  	v5 =	vshll.u32 v5, v0  }
0x383: {  	v8 =	vadd.s32 $0x100, v5  }
0x384: {  	[tilespmem:s20+$0xFFFFFFA0] =	vst v6;
	v6 =	vbroadcast v8, $0x0  }
0x385: {  	s28 =	simm.s32 $0x100;
	v7 =	vld.idx.msk [tilespmem:v7+s10+$0x0], $0xffff  }
0x386: {  	v8 =	vor.u32 v2, v6;
	v6 =	vmov s28  }
0x387: {  	v6 =	vshrl.u32 v6, $0x7  }
0x388: {  	v6 =	vshll.u32 v6, v0  }
0x389: {  	v9 =	vadd.s32 $0x100, v6  }
0x38a: {  	[tilespmem:s20+$0xFFFFFFB0] =	vst v7;
	v7 =	vbroadcast v9, $0x0  }
0x38b: {  	s29 =	simm.s32 $0x140;
	v8 =	vld.idx.msk [tilespmem:v8+s10+$0x0], $0xffff  }
0x38c: {  	v9 =	vor.u32 v1, v7;
	v7 =	vmov s29  }
0x38d: {  	v7 =	vshrl.u32 v7, $0x7  }
0x38e: {  	v7 =	vshll.u32 v7, v0  }
0x38f: {  	v10 =	vadd.s32 $0x100, v7  }
0x390: {  	[tilespmem:s20+$0xFFFFFFC0] =	vst v8;
	v8 =	vbroadcast v10, $0x0  }
0x391: {  	s30 =	simm.s32 $0x180;
	v9 =	vld.idx.msk [tilespmem:v9+s10+$0x0], $0xffff  }
0x392: {  	v10 =	vor.u32 v2, v8;
	v8 =	vmov s30  }
0x393: {  	v8 =	vshrl.u32 v8, $0x7  }
0x394: {  	v8 =	vshll.u32 v8, v0  }
0x395: {  	v11 =	vadd.s32 $0x100, v8  }
0x396: {  	[tilespmem:s20+$0xFFFFFFD0] =	vst v9;
	v9 =	vbroadcast v11, $0x0  }
0x397: {  	s31 =	simm.s32 $0x1C0;
	v10 =	vld.idx.msk [tilespmem:v10+s10+$0x0], $0xffff  }
0x398: {  	v11 =	vmov s31;
	v12 =	vor.u32 v1, v9  }
0x399: {  	v9 =	vshrl.u32 v11, $0x7  }
0x39a: {  	v9 =	vshll.u32 v9, v0  }
0x39b: {  	v11 =	vadd.s32 $0x100, v9  }
0x39c: {  	v11 =	vbroadcast v11, $0x0;
	[tilespmem:s20+$0xFFFFFFE0] =	vst v10  }
0x39d: {  	v10 =	vld.idx.msk [tilespmem:v12+s10+$0x0], $0xffff  }
0x39e: {  	s23 =	simm.s32 $0x200;
	s22 =	simm.s32 $0x0;
	v11 =	vor.u32 v2, v11  }
.LBB2_27:
0x39f: {  	v12 =	vmov s23;
	s22 =	sadd.s32 $0x8, s22  }
0x3a0: {  	v12 =	vshrl.u32 v12, $0x7;
	p0 =	slt.u32 s22, $0x38  }
0x3a1: {  	v12 =	vshll.u32 v12, v0  }
0x3a2: {  	v12 =	vadd.s32 $0x100, v12;
	[tilespmem:s20+$0xFFFFFFF0] =	vst v10  }
0x3a3: {  	v10 =	vbroadcast v12, $0x0;
	v11 =	vld.idx.msk [tilespmem:v11+s10+$0x0], $0xffff;
	_ =	sdelay $0x1  }
0x3a4: {  	v12 =	vor.u32 v1, v10;
	_ =	sdelay $0x3  }
0x3a5: {  	s21 =	simm.s32 $0x121F0;
	[tilespmem:s20+$0x0] =	vst v11  }
0x3a6: {  	v11 =	vld.idx.msk [tilespmem:v12+s10+$0x0], $0xffff;
	_ =	sdelay $0x1  }
0x3a7: {  	s24 =	sadd.s32 $0x80, s23;
	v10 =	vor.u32 v2, v10  }
0x3a8: {  	v12 =	vmov s24  }
0x3a9: {  	v12 =	vshrl.u32 v12, $0x7  }
0x3aa: {  	s20 =	sadd.s32 $0x400, s20;
	v12 =	vshll.u32 v12, v0  }
0x3ab: {  	[tilespmem:s20+$0xFFFFFF90] =	vst v11;
	v11 =	vadd.s32 $0x100, v12  }
0x3ac: {  	v10 =	vld.idx.msk [tilespmem:v10+s10+$0x0], $0xffff;
	v11 =	vbroadcast v11, $0x0;
	_ =	sdelay $0x1  }
0x3ad: {  	s24 =	sadd.s32 $0xC0, s23;
	v11 =	vor.u32 v1, v11  }
0x3ae: {  	v12 =	vmov s24  }
0x3af: {  	v12 =	vshrl.u32 v12, $0x7  }
0x3b0: {  	v12 =	vshll.u32 v12, v0  }
0x3b1: {  	[tilespmem:s20+$0xFFFFFFA0] =	vst v10;
	v10 =	vadd.s32 $0x100, v12  }
0x3b2: {  	v11 =	vld.idx.msk [tilespmem:v11+s10+$0x0], $0xffff;
	v10 =	vbroadcast v10, $0x0;
	_ =	sdelay $0x1  }
0x3b3: {  	s24 =	sadd.s32 $0x100, s23;
	v10 =	vor.u32 v2, v10  }
0x3b4: {  	v12 =	vmov s24  }
0x3b5: {  	v12 =	vshrl.u32 v12, $0x7  }
0x3b6: {  	v12 =	vshll.u32 v12, v0  }
0x3b7: {  	[tilespmem:s20+$0xFFFFFFB0] =	vst v11;
	v11 =	vadd.s32 $0x100, v12  }
0x3b8: {  	v10 =	vld.idx.msk [tilespmem:v10+s10+$0x0], $0xffff;
	v11 =	vbroadcast v11, $0x0;
	_ =	sdelay $0x1  }
0x3b9: {  	s24 =	sadd.s32 $0x140, s23;
	v11 =	vor.u32 v1, v11  }
0x3ba: {  	v12 =	vmov s24  }
0x3bb: {  	v12 =	vshrl.u32 v12, $0x7  }
0x3bc: {  	v12 =	vshll.u32 v12, v0  }
0x3bd: {  	[tilespmem:s20+$0xFFFFFFC0] =	vst v10;
	v10 =	vadd.s32 $0x100, v12  }
0x3be: {  	v11 =	vld.idx.msk [tilespmem:v11+s10+$0x0], $0xffff;
	v10 =	vbroadcast v10, $0x0;
	_ =	sdelay $0x1  }
0x3bf: {  	s24 =	sadd.s32 $0x180, s23;
	v10 =	vor.u32 v2, v10  }
0x3c0: {  	v12 =	vmov s24  }
0x3c1: {  	v12 =	vshrl.u32 v12, $0x7  }
0x3c2: {  	v12 =	vshll.u32 v12, v0  }
0x3c3: {  	[tilespmem:s20+$0xFFFFFFD0] =	vst v11;
	v11 =	vadd.s32 $0x100, v12  }
0x3c4: {  	v10 =	vld.idx.msk [tilespmem:v10+s10+$0x0], $0xffff;
	v11 =	vbroadcast v11, $0x0;
	_ =	sdelay $0x1  }
0x3c5: {  	s24 =	sadd.s32 $0x1C0, s23;
	v11 =	vor.u32 v1, v11  }
0x3c6: {  	v12 =	vmov s24  }
0x3c7: {  	v12 =	vshrl.u32 v12, $0x7  }
.Ltmp13:
0x3c8: {  	v12 =	vshll.u32 v12, v0;
	(pc) =	sbr.rel @p0 .LBB2_27-.Ltmp13, $3  }
0x3c9: {  	v12 =	vadd.s32 $0x100, v12;
	[tilespmem:s20+$0xFFFFFFE0] =	vst v10  }
0x3ca: {  	v10 =	vld.idx.msk [tilespmem:v11+s10+$0x0], $0xffff;
	v11 =	vbroadcast v12, $0x0;
	_ =	sdelay $0x1  }
0x3cb: {  	s23 =	sadd.s32 $0x200, s23;
	v11 =	vor.u32 v2, v11  }
0x3cc: {  	_ =	sdelay $0x1  }
0x3cd: {  	v3 =	vadd.s32 $0x180, v3  }
0x3ce: {  	v3 =	vbroadcast v3, $0x0;
	[tilespmem:s20+$0xFFFFFFF0] =	vst v10  }
0x3cf: {  	v10 =	vld.idx.msk [tilespmem:v11+s10+$0x0], $0xffff  }
0x3d0: {  	v63 =	vor.u32 v1, v3;
	_ =	sdelay $0x3  }
0x3d1: {  	[tilespmem:s20+$0x0] =	vst v10  }
0x3d2: {  	v10 =	vld.idx.msk [tilespmem:v63+s10+$0x0], $0xffff  }
0x3d3: {  	v3 =	vor.u32 v2, v3;
	_ =	sdelay $0x2  }
0x3d4: {  	v4 =	vadd.s32 $0x180, v4  }
0x3d5: {  	v4 =	vbroadcast v4, $0x0;
	[tilespmem:s21+$0xFFFFFF90] =	vst v10  }
0x3d6: {  	v3 =	vld.idx.msk [tilespmem:v3+s10+$0x0], $0xffff  }
0x3d7: {  	v4 =	vor.u32 v1, v4;
	_ =	sdelay $0x2  }
0x3d8: {  	v5 =	vadd.s32 $0x180, v5  }
0x3d9: {  	[tilespmem:s21+$0xFFFFFFA0] =	vst v3;
	v3 =	vbroadcast v5, $0x0  }
0x3da: {  	v4 =	vld.idx.msk [tilespmem:v4+s10+$0x0], $0xffff  }
0x3db: {  	v3 =	vor.u32 v2, v3;
	_ =	sdelay $0x2  }
0x3dc: {  	v5 =	vadd.s32 $0x180, v6  }
0x3dd: {  	[tilespmem:s21+$0xFFFFFFB0] =	vst v4;
	v4 =	vbroadcast v5, $0x0  }
0x3de: {  	v3 =	vld.idx.msk [tilespmem:v3+s10+$0x0], $0xffff  }
0x3df: {  	v4 =	vor.u32 v1, v4;
	_ =	sdelay $0x2  }
0x3e0: {  	v5 =	vadd.s32 $0x180, v7  }
0x3e1: {  	[tilespmem:s21+$0xFFFFFFC0] =	vst v3;
	v3 =	vbroadcast v5, $0x0  }
0x3e2: {  	v4 =	vld.idx.msk [tilespmem:v4+s10+$0x0], $0xffff  }
0x3e3: {  	v3 =	vor.u32 v2, v3;
	_ =	sdelay $0x2  }
0x3e4: {  	v5 =	vadd.s32 $0x180, v8  }
0x3e5: {  	[tilespmem:s21+$0xFFFFFFD0] =	vst v4;
	v4 =	vbroadcast v5, $0x0  }
0x3e6: {  	v3 =	vld.idx.msk [tilespmem:v3+s10+$0x0], $0xffff  }
0x3e7: {  	v4 =	vor.u32 v1, v4;
	_ =	sdelay $0x2  }
0x3e8: {  	v5 =	vadd.s32 $0x180, v9  }
0x3e9: {  	v5 =	vbroadcast v5, $0x0;
	[tilespmem:s21+$0xFFFFFFE0] =	vst v3  }
0x3ea: {  	v4 =	vld.idx.msk [tilespmem:v4+s10+$0x0], $0xffff  }
0x3eb: {  	s22 =	simm.s32 $0x0;
	s23 =	simm.s32 $0x200;
	v5 =	vor.u32 v2, v5  }
.LBB2_29:
0x3ec: {  	v3 =	vmov s23;
	s22 =	sadd.s32 $0x8, s22  }
0x3ed: {  	v3 =	vshrl.u32 v3, $0x7;
	p0 =	slt.u32 s22, $0x38  }
0x3ee: {  	v3 =	vshll.u32 v3, v0  }
0x3ef: {  	v3 =	vadd.s32 $0x180, v3;
	[tilespmem:s21+$0xFFFFFFF0] =	vst v4  }
0x3f0: {  	v3 =	vbroadcast v3, $0x0;
	v4 =	vld.idx.msk [tilespmem:v5+s10+$0x0], $0xffff;
	_ =	sdelay $0x1  }
0x3f1: {  	v5 =	vor.u32 v1, v3;
	_ =	sdelay $0x3  }
0x3f2: {  	s20 =	simm.s32 $0x12270;
	[tilespmem:s21+$0x0] =	vst v4  }
0x3f3: {  	v4 =	vld.idx.msk [tilespmem:v5+s10+$0x0], $0xffff;
	_ =	sdelay $0x1  }
0x3f4: {  	s24 =	sadd.s32 $0x80, s23;
	v3 =	vor.u32 v2, v3  }
0x3f5: {  	v5 =	vmov s24  }
0x3f6: {  	v5 =	vshrl.u32 v5, $0x7  }
0x3f7: {  	s21 =	sadd.s32 $0x400, s21;
	v5 =	vshll.u32 v5, v0  }
0x3f8: {  	[tilespmem:s21+$0xFFFFFF90] =	vst v4;
	v4 =	vadd.s32 $0x180, v5  }
0x3f9: {  	v3 =	vld.idx.msk [tilespmem:v3+s10+$0x0], $0xffff;
	v4 =	vbroadcast v4, $0x0;
	_ =	sdelay $0x1  }
0x3fa: {  	s24 =	sadd.s32 $0xC0, s23;
	v4 =	vor.u32 v1, v4  }
0x3fb: {  	v5 =	vmov s24  }
0x3fc: {  	v5 =	vshrl.u32 v5, $0x7  }
0x3fd: {  	v5 =	vshll.u32 v5, v0  }
0x3fe: {  	[tilespmem:s21+$0xFFFFFFA0] =	vst v3;
	v3 =	vadd.s32 $0x180, v5  }
0x3ff: {  	v4 =	vld.idx.msk [tilespmem:v4+s10+$0x0], $0xffff;
	v3 =	vbroadcast v3, $0x0;
	_ =	sdelay $0x1  }
0x400: {  	s24 =	sadd.s32 $0x100, s23;
	v3 =	vor.u32 v2, v3  }
0x401: {  	v5 =	vmov s24  }
0x402: {  	v5 =	vshrl.u32 v5, $0x7  }
0x403: {  	v5 =	vshll.u32 v5, v0  }
0x404: {  	[tilespmem:s21+$0xFFFFFFB0] =	vst v4;
	v4 =	vadd.s32 $0x180, v5  }
0x405: {  	v3 =	vld.idx.msk [tilespmem:v3+s10+$0x0], $0xffff;
	v4 =	vbroadcast v4, $0x0;
	_ =	sdelay $0x1  }
0x406: {  	s24 =	sadd.s32 $0x140, s23;
	v4 =	vor.u32 v1, v4  }
0x407: {  	v5 =	vmov s24  }
0x408: {  	v5 =	vshrl.u32 v5, $0x7  }
0x409: {  	v5 =	vshll.u32 v5, v0  }
0x40a: {  	[tilespmem:s21+$0xFFFFFFC0] =	vst v3;
	v3 =	vadd.s32 $0x180, v5  }
0x40b: {  	v4 =	vld.idx.msk [tilespmem:v4+s10+$0x0], $0xffff;
	v3 =	vbroadcast v3, $0x0;
	_ =	sdelay $0x1  }
0x40c: {  	s24 =	sadd.s32 $0x180, s23;
	v3 =	vor.u32 v2, v3  }
0x40d: {  	v5 =	vmov s24  }
0x40e: {  	v5 =	vshrl.u32 v5, $0x7  }
0x40f: {  	v5 =	vshll.u32 v5, v0  }
0x410: {  	[tilespmem:s21+$0xFFFFFFD0] =	vst v4;
	v4 =	vadd.s32 $0x180, v5  }
0x411: {  	v3 =	vld.idx.msk [tilespmem:v3+s10+$0x0], $0xffff;
	v4 =	vbroadcast v4, $0x0;
	_ =	sdelay $0x1  }
0x412: {  	s24 =	sadd.s32 $0x1C0, s23;
	v4 =	vor.u32 v1, v4  }
0x413: {  	v5 =	vmov s24  }
0x414: {  	v5 =	vshrl.u32 v5, $0x7  }
.Ltmp14:
0x415: {  	v5 =	vshll.u32 v5, v0;
	(pc) =	sbr.rel @p0 .LBB2_29-.Ltmp14, $3  }
0x416: {  	[tilespmem:s21+$0xFFFFFFE0] =	vst v3;
	v3 =	vadd.s32 $0x180, v5  }
0x417: {  	v4 =	vld.idx.msk [tilespmem:v4+s10+$0x0], $0xffff;
	v3 =	vbroadcast v3, $0x0;
	_ =	sdelay $0x1  }
0x418: {  	s23 =	sadd.s32 $0x200, s23;
	v5 =	vor.u32 v2, v3  }
0x419: {  	s22 =	simm.s32 $0x0  }
0x41a: {  	v3 =	vmov s22  }
0x41b: {  	v3 =	vshrl.u32 v3, $0x7  }
0x41c: {  	v3 =	vshll.u32 v3, v0  }
0x41d: {  	v6 =	vadd.s32 $0x200, v3  }
0x41e: {  	[tilespmem:s21+$0xFFFFFFF0] =	vst v4;
	v4 =	vbroadcast v6, $0x0  }
0x41f: {  	v5 =	vld.idx.msk [tilespmem:v5+s10+$0x0], $0xffff  }
0x420: {  	v6 =	vor.u32 v1, v4;
	_ =	sdelay $0x3  }
0x421: {  	[tilespmem:s21+$0x0] =	vst v5  }
0x422: {  	s25 =	simm.s32 $0x80;
	v5 =	vld.idx.msk [tilespmem:v6+s10+$0x0], $0xffff  }
0x423: {  	v6 =	vor.u32 v2, v4;
	v4 =	vmov s25  }
0x424: {  	v4 =	vshrl.u32 v4, $0x7  }
0x425: {  	v4 =	vshll.u32 v4, v0  }
0x426: {  	v7 =	vadd.s32 $0x200, v4  }
0x427: {  	[tilespmem:s20+$0xFFFFFF90] =	vst v5;
	v5 =	vbroadcast v7, $0x0  }
0x428: {  	s26 =	simm.s32 $0xC0;
	v6 =	vld.idx.msk [tilespmem:v6+s10+$0x0], $0xffff  }
0x429: {  	v7 =	vor.u32 v1, v5;
	v5 =	vmov s26  }
0x42a: {  	v5 =	vshrl.u32 v5, $0x7  }
0x42b: {  	v5 =	vshll.u32 v5, v0  }
0x42c: {  	v8 =	vadd.s32 $0x200, v5  }
0x42d: {  	[tilespmem:s20+$0xFFFFFFA0] =	vst v6;
	v6 =	vbroadcast v8, $0x0  }
0x42e: {  	s28 =	simm.s32 $0x100;
	v7 =	vld.idx.msk [tilespmem:v7+s10+$0x0], $0xffff  }
0x42f: {  	v8 =	vor.u32 v2, v6;
	v6 =	vmov s28  }
0x430: {  	v6 =	vshrl.u32 v6, $0x7  }
0x431: {  	v6 =	vshll.u32 v6, v0  }
0x432: {  	v9 =	vadd.s32 $0x200, v6  }
0x433: {  	[tilespmem:s20+$0xFFFFFFB0] =	vst v7;
	v7 =	vbroadcast v9, $0x0  }
0x434: {  	s29 =	simm.s32 $0x140;
	v8 =	vld.idx.msk [tilespmem:v8+s10+$0x0], $0xffff  }
0x435: {  	v9 =	vor.u32 v1, v7;
	v7 =	vmov s29  }
0x436: {  	v7 =	vshrl.u32 v7, $0x7  }
0x437: {  	v7 =	vshll.u32 v7, v0  }
0x438: {  	v10 =	vadd.s32 $0x200, v7  }
0x439: {  	[tilespmem:s20+$0xFFFFFFC0] =	vst v8;
	v8 =	vbroadcast v10, $0x0  }
0x43a: {  	s30 =	simm.s32 $0x180;
	v9 =	vld.idx.msk [tilespmem:v9+s10+$0x0], $0xffff  }
0x43b: {  	v10 =	vor.u32 v2, v8;
	v8 =	vmov s30  }
0x43c: {  	v8 =	vshrl.u32 v8, $0x7  }
0x43d: {  	v8 =	vshll.u32 v8, v0  }
0x43e: {  	v11 =	vadd.s32 $0x200, v8  }
0x43f: {  	[tilespmem:s20+$0xFFFFFFD0] =	vst v9;
	v9 =	vbroadcast v11, $0x0  }
0x440: {  	s31 =	simm.s32 $0x1C0;
	v10 =	vld.idx.msk [tilespmem:v10+s10+$0x0], $0xffff  }
0x441: {  	v11 =	vmov s31;
	v12 =	vor.u32 v1, v9  }
0x442: {  	v9 =	vshrl.u32 v11, $0x7  }
0x443: {  	v9 =	vshll.u32 v9, v0  }
0x444: {  	v11 =	vadd.s32 $0x200, v9  }
0x445: {  	v11 =	vbroadcast v11, $0x0;
	[tilespmem:s20+$0xFFFFFFE0] =	vst v10  }
0x446: {  	v10 =	vld.idx.msk [tilespmem:v12+s10+$0x0], $0xffff  }
0x447: {  	s23 =	simm.s32 $0x200;
	s22 =	simm.s32 $0x0;
	v11 =	vor.u32 v2, v11  }
.LBB2_31:
0x448: {  	v12 =	vmov s23;
	s22 =	sadd.s32 $0x8, s22  }
0x449: {  	v12 =	vshrl.u32 v12, $0x7;
	p0 =	slt.u32 s22, $0x38  }
0x44a: {  	v12 =	vshll.u32 v12, v0  }
0x44b: {  	v12 =	vadd.s32 $0x200, v12;
	[tilespmem:s20+$0xFFFFFFF0] =	vst v10  }
0x44c: {  	v10 =	vbroadcast v12, $0x0;
	v11 =	vld.idx.msk [tilespmem:v11+s10+$0x0], $0xffff;
	_ =	sdelay $0x1  }
0x44d: {  	v12 =	vor.u32 v1, v10;
	_ =	sdelay $0x3  }
0x44e: {  	s21 =	simm.s32 $0x122F0;
	[tilespmem:s20+$0x0] =	vst v11  }
0x44f: {  	v11 =	vld.idx.msk [tilespmem:v12+s10+$0x0], $0xffff;
	_ =	sdelay $0x1  }
0x450: {  	s24 =	sadd.s32 $0x80, s23;
	v10 =	vor.u32 v2, v10  }
0x451: {  	v12 =	vmov s24  }
0x452: {  	v12 =	vshrl.u32 v12, $0x7  }
0x453: {  	s20 =	sadd.s32 $0x400, s20;
	v12 =	vshll.u32 v12, v0  }
0x454: {  	[tilespmem:s20+$0xFFFFFF90] =	vst v11;
	v11 =	vadd.s32 $0x200, v12  }
0x455: {  	v10 =	vld.idx.msk [tilespmem:v10+s10+$0x0], $0xffff;
	v11 =	vbroadcast v11, $0x0;
	_ =	sdelay $0x1  }
0x456: {  	s24 =	sadd.s32 $0xC0, s23;
	v11 =	vor.u32 v1, v11  }
0x457: {  	v12 =	vmov s24  }
0x458: {  	v12 =	vshrl.u32 v12, $0x7  }
0x459: {  	v12 =	vshll.u32 v12, v0  }
0x45a: {  	[tilespmem:s20+$0xFFFFFFA0] =	vst v10;
	v10 =	vadd.s32 $0x200, v12  }
0x45b: {  	v11 =	vld.idx.msk [tilespmem:v11+s10+$0x0], $0xffff;
	v10 =	vbroadcast v10, $0x0;
	_ =	sdelay $0x1  }
0x45c: {  	s24 =	sadd.s32 $0x100, s23;
	v10 =	vor.u32 v2, v10  }
0x45d: {  	v12 =	vmov s24  }
0x45e: {  	v12 =	vshrl.u32 v12, $0x7  }
0x45f: {  	v12 =	vshll.u32 v12, v0  }
0x460: {  	[tilespmem:s20+$0xFFFFFFB0] =	vst v11;
	v11 =	vadd.s32 $0x200, v12  }
0x461: {  	v10 =	vld.idx.msk [tilespmem:v10+s10+$0x0], $0xffff;
	v11 =	vbroadcast v11, $0x0;
	_ =	sdelay $0x1  }
0x462: {  	s24 =	sadd.s32 $0x140, s23;
	v11 =	vor.u32 v1, v11  }
0x463: {  	v12 =	vmov s24  }
0x464: {  	v12 =	vshrl.u32 v12, $0x7  }
0x465: {  	v12 =	vshll.u32 v12, v0  }
0x466: {  	[tilespmem:s20+$0xFFFFFFC0] =	vst v10;
	v10 =	vadd.s32 $0x200, v12  }
0x467: {  	v11 =	vld.idx.msk [tilespmem:v11+s10+$0x0], $0xffff;
	v10 =	vbroadcast v10, $0x0;
	_ =	sdelay $0x1  }
0x468: {  	s24 =	sadd.s32 $0x180, s23;
	v10 =	vor.u32 v2, v10  }
0x469: {  	v12 =	vmov s24  }
0x46a: {  	v12 =	vshrl.u32 v12, $0x7  }
0x46b: {  	v12 =	vshll.u32 v12, v0  }
0x46c: {  	[tilespmem:s20+$0xFFFFFFD0] =	vst v11;
	v11 =	vadd.s32 $0x200, v12  }
0x46d: {  	v10 =	vld.idx.msk [tilespmem:v10+s10+$0x0], $0xffff;
	v11 =	vbroadcast v11, $0x0;
	_ =	sdelay $0x1  }
0x46e: {  	s24 =	sadd.s32 $0x1C0, s23;
	v11 =	vor.u32 v1, v11  }
0x46f: {  	v12 =	vmov s24  }
0x470: {  	v12 =	vshrl.u32 v12, $0x7  }
.Ltmp15:
0x471: {  	v12 =	vshll.u32 v12, v0;
	(pc) =	sbr.rel @p0 .LBB2_31-.Ltmp15, $3  }
0x472: {  	v12 =	vadd.s32 $0x200, v12;
	[tilespmem:s20+$0xFFFFFFE0] =	vst v10  }
0x473: {  	v10 =	vld.idx.msk [tilespmem:v11+s10+$0x0], $0xffff;
	v11 =	vbroadcast v12, $0x0;
	_ =	sdelay $0x1  }
0x474: {  	s23 =	sadd.s32 $0x200, s23;
	v11 =	vor.u32 v2, v11  }
0x475: {  	_ =	sdelay $0x1  }
0x476: {  	v3 =	vadd.s32 $0x280, v3  }
0x477: {  	v3 =	vbroadcast v3, $0x0;
	[tilespmem:s20+$0xFFFFFFF0] =	vst v10  }
0x478: {  	v10 =	vld.idx.msk [tilespmem:v11+s10+$0x0], $0xffff  }
0x479: {  	v63 =	vor.u32 v1, v3;
	_ =	sdelay $0x3  }
0x47a: {  	[tilespmem:s20+$0x0] =	vst v10  }
0x47b: {  	v10 =	vld.idx.msk [tilespmem:v63+s10+$0x0], $0xffff  }
0x47c: {  	v3 =	vor.u32 v2, v3;
	_ =	sdelay $0x2  }
0x47d: {  	v4 =	vadd.s32 $0x280, v4  }
0x47e: {  	v4 =	vbroadcast v4, $0x0;
	[tilespmem:s21+$0xFFFFFF90] =	vst v10  }
0x47f: {  	v3 =	vld.idx.msk [tilespmem:v3+s10+$0x0], $0xffff  }
0x480: {  	v4 =	vor.u32 v1, v4;
	_ =	sdelay $0x2  }
0x481: {  	v5 =	vadd.s32 $0x280, v5  }
0x482: {  	[tilespmem:s21+$0xFFFFFFA0] =	vst v3;
	v3 =	vbroadcast v5, $0x0  }
0x483: {  	v4 =	vld.idx.msk [tilespmem:v4+s10+$0x0], $0xffff  }
0x484: {  	v3 =	vor.u32 v2, v3;
	_ =	sdelay $0x2  }
0x485: {  	v5 =	vadd.s32 $0x280, v6  }
0x486: {  	[tilespmem:s21+$0xFFFFFFB0] =	vst v4;
	v4 =	vbroadcast v5, $0x0  }
0x487: {  	v3 =	vld.idx.msk [tilespmem:v3+s10+$0x0], $0xffff  }
0x488: {  	v4 =	vor.u32 v1, v4;
	_ =	sdelay $0x2  }
0x489: {  	v5 =	vadd.s32 $0x280, v7  }
0x48a: {  	[tilespmem:s21+$0xFFFFFFC0] =	vst v3;
	v3 =	vbroadcast v5, $0x0  }
0x48b: {  	v4 =	vld.idx.msk [tilespmem:v4+s10+$0x0], $0xffff  }
0x48c: {  	v3 =	vor.u32 v2, v3;
	_ =	sdelay $0x2  }
0x48d: {  	v5 =	vadd.s32 $0x280, v8  }
0x48e: {  	[tilespmem:s21+$0xFFFFFFD0] =	vst v4;
	v4 =	vbroadcast v5, $0x0  }
0x48f: {  	v3 =	vld.idx.msk [tilespmem:v3+s10+$0x0], $0xffff  }
0x490: {  	v4 =	vor.u32 v1, v4;
	_ =	sdelay $0x2  }
0x491: {  	v5 =	vadd.s32 $0x280, v9  }
0x492: {  	v5 =	vbroadcast v5, $0x0;
	[tilespmem:s21+$0xFFFFFFE0] =	vst v3  }
0x493: {  	v4 =	vld.idx.msk [tilespmem:v4+s10+$0x0], $0xffff  }
0x494: {  	s22 =	simm.s32 $0x0;
	s23 =	simm.s32 $0x200;
	v5 =	vor.u32 v2, v5  }
.LBB2_33:
0x495: {  	v3 =	vmov s23;
	s22 =	sadd.s32 $0x8, s22  }
0x496: {  	v3 =	vshrl.u32 v3, $0x7;
	p0 =	slt.u32 s22, $0x38  }
0x497: {  	v3 =	vshll.u32 v3, v0  }
0x498: {  	v3 =	vadd.s32 $0x280, v3;
	[tilespmem:s21+$0xFFFFFFF0] =	vst v4  }
0x499: {  	v3 =	vbroadcast v3, $0x0;
	v4 =	vld.idx.msk [tilespmem:v5+s10+$0x0], $0xffff;
	_ =	sdelay $0x1  }
0x49a: {  	v5 =	vor.u32 v1, v3;
	_ =	sdelay $0x3  }
0x49b: {  	s20 =	simm.s32 $0x12370;
	[tilespmem:s21+$0x0] =	vst v4  }
0x49c: {  	v4 =	vld.idx.msk [tilespmem:v5+s10+$0x0], $0xffff;
	_ =	sdelay $0x1  }
0x49d: {  	s24 =	sadd.s32 $0x80, s23;
	v3 =	vor.u32 v2, v3  }
0x49e: {  	v5 =	vmov s24  }
0x49f: {  	v5 =	vshrl.u32 v5, $0x7  }
0x4a0: {  	s21 =	sadd.s32 $0x400, s21;
	v5 =	vshll.u32 v5, v0  }
0x4a1: {  	[tilespmem:s21+$0xFFFFFF90] =	vst v4;
	v4 =	vadd.s32 $0x280, v5  }
0x4a2: {  	v3 =	vld.idx.msk [tilespmem:v3+s10+$0x0], $0xffff;
	v4 =	vbroadcast v4, $0x0;
	_ =	sdelay $0x1  }
0x4a3: {  	s24 =	sadd.s32 $0xC0, s23;
	v4 =	vor.u32 v1, v4  }
0x4a4: {  	v5 =	vmov s24  }
0x4a5: {  	v5 =	vshrl.u32 v5, $0x7  }
0x4a6: {  	v5 =	vshll.u32 v5, v0  }
0x4a7: {  	[tilespmem:s21+$0xFFFFFFA0] =	vst v3;
	v3 =	vadd.s32 $0x280, v5  }
0x4a8: {  	v4 =	vld.idx.msk [tilespmem:v4+s10+$0x0], $0xffff;
	v3 =	vbroadcast v3, $0x0;
	_ =	sdelay $0x1  }
0x4a9: {  	s24 =	sadd.s32 $0x100, s23;
	v3 =	vor.u32 v2, v3  }
0x4aa: {  	v5 =	vmov s24  }
0x4ab: {  	v5 =	vshrl.u32 v5, $0x7  }
0x4ac: {  	v5 =	vshll.u32 v5, v0  }
0x4ad: {  	[tilespmem:s21+$0xFFFFFFB0] =	vst v4;
	v4 =	vadd.s32 $0x280, v5  }
0x4ae: {  	v3 =	vld.idx.msk [tilespmem:v3+s10+$0x0], $0xffff;
	v4 =	vbroadcast v4, $0x0;
	_ =	sdelay $0x1  }
0x4af: {  	s24 =	sadd.s32 $0x140, s23;
	v4 =	vor.u32 v1, v4  }
0x4b0: {  	v5 =	vmov s24  }
0x4b1: {  	v5 =	vshrl.u32 v5, $0x7  }
0x4b2: {  	v5 =	vshll.u32 v5, v0  }
0x4b3: {  	[tilespmem:s21+$0xFFFFFFC0] =	vst v3;
	v3 =	vadd.s32 $0x280, v5  }
0x4b4: {  	v4 =	vld.idx.msk [tilespmem:v4+s10+$0x0], $0xffff;
	v3 =	vbroadcast v3, $0x0;
	_ =	sdelay $0x1  }
0x4b5: {  	s24 =	sadd.s32 $0x180, s23;
	v3 =	vor.u32 v2, v3  }
0x4b6: {  	v5 =	vmov s24  }
0x4b7: {  	v5 =	vshrl.u32 v5, $0x7  }
0x4b8: {  	v5 =	vshll.u32 v5, v0  }
0x4b9: {  	[tilespmem:s21+$0xFFFFFFD0] =	vst v4;
	v4 =	vadd.s32 $0x280, v5  }
0x4ba: {  	v3 =	vld.idx.msk [tilespmem:v3+s10+$0x0], $0xffff;
	v4 =	vbroadcast v4, $0x0;
	_ =	sdelay $0x1  }
0x4bb: {  	s24 =	sadd.s32 $0x1C0, s23;
	v4 =	vor.u32 v1, v4  }
0x4bc: {  	v5 =	vmov s24  }
0x4bd: {  	v5 =	vshrl.u32 v5, $0x7  }
.Ltmp16:
0x4be: {  	v5 =	vshll.u32 v5, v0;
	(pc) =	sbr.rel @p0 .LBB2_33-.Ltmp16, $3  }
0x4bf: {  	[tilespmem:s21+$0xFFFFFFE0] =	vst v3;
	v3 =	vadd.s32 $0x280, v5  }
0x4c0: {  	v4 =	vld.idx.msk [tilespmem:v4+s10+$0x0], $0xffff;
	v3 =	vbroadcast v3, $0x0;
	_ =	sdelay $0x1  }
0x4c1: {  	s23 =	sadd.s32 $0x200, s23;
	v5 =	vor.u32 v2, v3  }
0x4c2: {  	s22 =	simm.s32 $0x0  }
0x4c3: {  	v3 =	vmov s22  }
0x4c4: {  	v3 =	vshrl.u32 v3, $0x7  }
0x4c5: {  	v3 =	vshll.u32 v3, v0  }
0x4c6: {  	v6 =	vadd.s32 $0x300, v3  }
0x4c7: {  	[tilespmem:s21+$0xFFFFFFF0] =	vst v4;
	v4 =	vbroadcast v6, $0x0  }
0x4c8: {  	v5 =	vld.idx.msk [tilespmem:v5+s10+$0x0], $0xffff  }
0x4c9: {  	v6 =	vor.u32 v1, v4;
	_ =	sdelay $0x3  }
0x4ca: {  	[tilespmem:s21+$0x0] =	vst v5  }
0x4cb: {  	s25 =	simm.s32 $0x80;
	v5 =	vld.idx.msk [tilespmem:v6+s10+$0x0], $0xffff  }
0x4cc: {  	v6 =	vor.u32 v2, v4;
	v4 =	vmov s25  }
0x4cd: {  	v4 =	vshrl.u32 v4, $0x7  }
0x4ce: {  	v4 =	vshll.u32 v4, v0  }
0x4cf: {  	v7 =	vadd.s32 $0x300, v4  }
0x4d0: {  	[tilespmem:s20+$0xFFFFFF90] =	vst v5;
	v5 =	vbroadcast v7, $0x0  }
0x4d1: {  	s26 =	simm.s32 $0xC0;
	v6 =	vld.idx.msk [tilespmem:v6+s10+$0x0], $0xffff  }
0x4d2: {  	v7 =	vor.u32 v1, v5;
	v5 =	vmov s26  }
0x4d3: {  	v5 =	vshrl.u32 v5, $0x7  }
0x4d4: {  	v5 =	vshll.u32 v5, v0  }
0x4d5: {  	v8 =	vadd.s32 $0x300, v5  }
0x4d6: {  	[tilespmem:s20+$0xFFFFFFA0] =	vst v6;
	v6 =	vbroadcast v8, $0x0  }
0x4d7: {  	s28 =	simm.s32 $0x100;
	v7 =	vld.idx.msk [tilespmem:v7+s10+$0x0], $0xffff  }
0x4d8: {  	v8 =	vor.u32 v2, v6;
	v6 =	vmov s28  }
0x4d9: {  	v6 =	vshrl.u32 v6, $0x7  }
0x4da: {  	v6 =	vshll.u32 v6, v0  }
0x4db: {  	v9 =	vadd.s32 $0x300, v6  }
0x4dc: {  	[tilespmem:s20+$0xFFFFFFB0] =	vst v7;
	v7 =	vbroadcast v9, $0x0  }
0x4dd: {  	s29 =	simm.s32 $0x140;
	v8 =	vld.idx.msk [tilespmem:v8+s10+$0x0], $0xffff  }
0x4de: {  	v9 =	vor.u32 v1, v7;
	v7 =	vmov s29  }
0x4df: {  	v7 =	vshrl.u32 v7, $0x7  }
0x4e0: {  	v7 =	vshll.u32 v7, v0  }
0x4e1: {  	v10 =	vadd.s32 $0x300, v7  }
0x4e2: {  	[tilespmem:s20+$0xFFFFFFC0] =	vst v8;
	v8 =	vbroadcast v10, $0x0  }
0x4e3: {  	s30 =	simm.s32 $0x180;
	v9 =	vld.idx.msk [tilespmem:v9+s10+$0x0], $0xffff  }
0x4e4: {  	v10 =	vor.u32 v2, v8;
	v8 =	vmov s30  }
0x4e5: {  	v8 =	vshrl.u32 v8, $0x7  }
0x4e6: {  	v8 =	vshll.u32 v8, v0  }
0x4e7: {  	v11 =	vadd.s32 $0x300, v8  }
0x4e8: {  	[tilespmem:s20+$0xFFFFFFD0] =	vst v9;
	v9 =	vbroadcast v11, $0x0  }
0x4e9: {  	s31 =	simm.s32 $0x1C0;
	v10 =	vld.idx.msk [tilespmem:v10+s10+$0x0], $0xffff  }
0x4ea: {  	v11 =	vmov s31;
	v12 =	vor.u32 v1, v9  }
0x4eb: {  	v9 =	vshrl.u32 v11, $0x7  }
0x4ec: {  	v9 =	vshll.u32 v9, v0  }
0x4ed: {  	v11 =	vadd.s32 $0x300, v9  }
0x4ee: {  	v11 =	vbroadcast v11, $0x0;
	[tilespmem:s20+$0xFFFFFFE0] =	vst v10  }
0x4ef: {  	v10 =	vld.idx.msk [tilespmem:v12+s10+$0x0], $0xffff  }
0x4f0: {  	s23 =	simm.s32 $0x200;
	s22 =	simm.s32 $0x0;
	v11 =	vor.u32 v2, v11  }
.LBB2_35:
0x4f1: {  	v12 =	vmov s23;
	s22 =	sadd.s32 $0x8, s22  }
0x4f2: {  	v12 =	vshrl.u32 v12, $0x7;
	p0 =	slt.u32 s22, $0x38  }
0x4f3: {  	v12 =	vshll.u32 v12, v0  }
0x4f4: {  	v12 =	vadd.s32 $0x300, v12;
	[tilespmem:s20+$0xFFFFFFF0] =	vst v10  }
0x4f5: {  	v10 =	vbroadcast v12, $0x0;
	v11 =	vld.idx.msk [tilespmem:v11+s10+$0x0], $0xffff;
	_ =	sdelay $0x1  }
0x4f6: {  	v12 =	vor.u32 v1, v10;
	_ =	sdelay $0x3  }
0x4f7: {  	s21 =	simm.s32 $0x123F0;
	[tilespmem:s20+$0x0] =	vst v11  }
0x4f8: {  	v11 =	vld.idx.msk [tilespmem:v12+s10+$0x0], $0xffff;
	_ =	sdelay $0x1  }
0x4f9: {  	s24 =	sadd.s32 $0x80, s23;
	v10 =	vor.u32 v2, v10  }
0x4fa: {  	v12 =	vmov s24  }
0x4fb: {  	v12 =	vshrl.u32 v12, $0x7  }
0x4fc: {  	s20 =	sadd.s32 $0x400, s20;
	v12 =	vshll.u32 v12, v0  }
0x4fd: {  	[tilespmem:s20+$0xFFFFFF90] =	vst v11;
	v11 =	vadd.s32 $0x300, v12  }
0x4fe: {  	v10 =	vld.idx.msk [tilespmem:v10+s10+$0x0], $0xffff;
	v11 =	vbroadcast v11, $0x0;
	_ =	sdelay $0x1  }
0x4ff: {  	s24 =	sadd.s32 $0xC0, s23;
	v11 =	vor.u32 v1, v11  }
0x500: {  	v12 =	vmov s24  }
0x501: {  	v12 =	vshrl.u32 v12, $0x7  }
0x502: {  	v12 =	vshll.u32 v12, v0  }
0x503: {  	[tilespmem:s20+$0xFFFFFFA0] =	vst v10;
	v10 =	vadd.s32 $0x300, v12  }
0x504: {  	v11 =	vld.idx.msk [tilespmem:v11+s10+$0x0], $0xffff;
	v10 =	vbroadcast v10, $0x0;
	_ =	sdelay $0x1  }
0x505: {  	s24 =	sadd.s32 $0x100, s23;
	v10 =	vor.u32 v2, v10  }
0x506: {  	v12 =	vmov s24  }
0x507: {  	v12 =	vshrl.u32 v12, $0x7  }
0x508: {  	v12 =	vshll.u32 v12, v0  }
0x509: {  	[tilespmem:s20+$0xFFFFFFB0] =	vst v11;
	v11 =	vadd.s32 $0x300, v12  }
0x50a: {  	v10 =	vld.idx.msk [tilespmem:v10+s10+$0x0], $0xffff;
	v11 =	vbroadcast v11, $0x0;
	_ =	sdelay $0x1  }
0x50b: {  	s24 =	sadd.s32 $0x140, s23;
	v11 =	vor.u32 v1, v11  }
0x50c: {  	v12 =	vmov s24  }
0x50d: {  	v12 =	vshrl.u32 v12, $0x7  }
0x50e: {  	v12 =	vshll.u32 v12, v0  }
0x50f: {  	[tilespmem:s20+$0xFFFFFFC0] =	vst v10;
	v10 =	vadd.s32 $0x300, v12  }
0x510: {  	v11 =	vld.idx.msk [tilespmem:v11+s10+$0x0], $0xffff;
	v10 =	vbroadcast v10, $0x0;
	_ =	sdelay $0x1  }
0x511: {  	s24 =	sadd.s32 $0x180, s23;
	v10 =	vor.u32 v2, v10  }
0x512: {  	v12 =	vmov s24  }
0x513: {  	v12 =	vshrl.u32 v12, $0x7  }
0x514: {  	v12 =	vshll.u32 v12, v0  }
0x515: {  	[tilespmem:s20+$0xFFFFFFD0] =	vst v11;
	v11 =	vadd.s32 $0x300, v12  }
0x516: {  	v10 =	vld.idx.msk [tilespmem:v10+s10+$0x0], $0xffff;
	v11 =	vbroadcast v11, $0x0;
	_ =	sdelay $0x1  }
0x517: {  	s24 =	sadd.s32 $0x1C0, s23;
	v11 =	vor.u32 v1, v11  }
0x518: {  	v12 =	vmov s24  }
0x519: {  	v12 =	vshrl.u32 v12, $0x7  }
.Ltmp17:
0x51a: {  	v12 =	vshll.u32 v12, v0;
	(pc) =	sbr.rel @p0 .LBB2_35-.Ltmp17, $3  }
0x51b: {  	v12 =	vadd.s32 $0x300, v12;
	[tilespmem:s20+$0xFFFFFFE0] =	vst v10  }
0x51c: {  	v10 =	vld.idx.msk [tilespmem:v11+s10+$0x0], $0xffff;
	v11 =	vbroadcast v12, $0x0;
	_ =	sdelay $0x1  }
0x51d: {  	s23 =	sadd.s32 $0x200, s23;
	v11 =	vor.u32 v2, v11  }
0x51e: {  	_ =	sdelay $0x1  }
0x51f: {  	v3 =	vadd.s32 $0x380, v3  }
0x520: {  	v3 =	vbroadcast v3, $0x0;
	[tilespmem:s20+$0xFFFFFFF0] =	vst v10  }
0x521: {  	v10 =	vld.idx.msk [tilespmem:v11+s10+$0x0], $0xffff  }
0x522: {  	v63 =	vor.u32 v1, v3;
	_ =	sdelay $0x3  }
0x523: {  	[tilespmem:s20+$0x0] =	vst v10  }
0x524: {  	v10 =	vld.idx.msk [tilespmem:v63+s10+$0x0], $0xffff  }
0x525: {  	v3 =	vor.u32 v2, v3;
	_ =	sdelay $0x2  }
0x526: {  	v4 =	vadd.s32 $0x380, v4  }
0x527: {  	v4 =	vbroadcast v4, $0x0;
	[tilespmem:s21+$0xFFFFFF90] =	vst v10  }
0x528: {  	v3 =	vld.idx.msk [tilespmem:v3+s10+$0x0], $0xffff  }
0x529: {  	v4 =	vor.u32 v1, v4;
	_ =	sdelay $0x2  }
0x52a: {  	v5 =	vadd.s32 $0x380, v5  }
0x52b: {  	[tilespmem:s21+$0xFFFFFFA0] =	vst v3;
	v3 =	vbroadcast v5, $0x0  }
0x52c: {  	v4 =	vld.idx.msk [tilespmem:v4+s10+$0x0], $0xffff  }
0x52d: {  	v3 =	vor.u32 v2, v3;
	_ =	sdelay $0x2  }
0x52e: {  	v5 =	vadd.s32 $0x380, v6  }
0x52f: {  	[tilespmem:s21+$0xFFFFFFB0] =	vst v4;
	v4 =	vbroadcast v5, $0x0  }
0x530: {  	v3 =	vld.idx.msk [tilespmem:v3+s10+$0x0], $0xffff  }
0x531: {  	v4 =	vor.u32 v1, v4;
	_ =	sdelay $0x2  }
0x532: {  	v5 =	vadd.s32 $0x380, v7  }
0x533: {  	[tilespmem:s21+$0xFFFFFFC0] =	vst v3;
	v3 =	vbroadcast v5, $0x0  }
0x534: {  	v4 =	vld.idx.msk [tilespmem:v4+s10+$0x0], $0xffff  }
0x535: {  	v3 =	vor.u32 v2, v3;
	_ =	sdelay $0x2  }
0x536: {  	v5 =	vadd.s32 $0x380, v8  }
0x537: {  	[tilespmem:s21+$0xFFFFFFD0] =	vst v4;
	v4 =	vbroadcast v5, $0x0  }
0x538: {  	v3 =	vld.idx.msk [tilespmem:v3+s10+$0x0], $0xffff  }
0x539: {  	v4 =	vor.u32 v1, v4;
	_ =	sdelay $0x2  }
0x53a: {  	v5 =	vadd.s32 $0x380, v9  }
0x53b: {  	v5 =	vbroadcast v5, $0x0;
	[tilespmem:s21+$0xFFFFFFE0] =	vst v3  }
0x53c: {  	v3 =	vld.idx.msk [tilespmem:v4+s10+$0x0], $0xffff  }
0x53d: {  	s22 =	simm.s32 $0x200;
	s20 =	simm.s32 $0x0;
	v4 =	vor.u32 v2, v5  }
.LBB2_37:
0x53e: {  	v5 =	vmov s22;
	s20 =	sadd.s32 $0x8, s20  }
0x53f: {  	v5 =	vshrl.u32 v5, $0x7;
	p0 =	slt.u32 s20, $0x38  }
0x540: {  	v5 =	vshll.u32 v5, v0  }
0x541: {  	v5 =	vadd.s32 $0x380, v5;
	[tilespmem:s21+$0xFFFFFFF0] =	vst v3  }
0x542: {  	v3 =	vbroadcast v5, $0x0;
	v4 =	vld.idx.msk [tilespmem:v4+s10+$0x0], $0xffff;
	_ =	sdelay $0x1  }
0x543: {  	v5 =	vor.u32 v1, v3;
	_ =	sdelay $0x3  }
0x544: {  	[tilespmem:s21+$0x0] =	vst v4  }
0x545: {  	v4 =	vld.idx.msk [tilespmem:v5+s10+$0x0], $0xffff;
	_ =	sdelay $0x1  }
0x546: {  	s23 =	sadd.s32 $0x80, s22;
	v3 =	vor.u32 v2, v3  }
0x547: {  	v5 =	vmov s23  }
0x548: {  	v5 =	vshrl.u32 v5, $0x7  }
0x549: {  	s21 =	sadd.s32 $0x400, s21;
	v5 =	vshll.u32 v5, v0  }
0x54a: {  	[tilespmem:s21+$0xFFFFFF90] =	vst v4;
	v4 =	vadd.s32 $0x380, v5  }
0x54b: {  	v3 =	vld.idx.msk [tilespmem:v3+s10+$0x0], $0xffff;
	v4 =	vbroadcast v4, $0x0;
	_ =	sdelay $0x1  }
0x54c: {  	s23 =	sadd.s32 $0xC0, s22;
	v4 =	vor.u32 v1, v4  }
0x54d: {  	v5 =	vmov s23  }
0x54e: {  	v5 =	vshrl.u32 v5, $0x7  }
0x54f: {  	v5 =	vshll.u32 v5, v0  }
0x550: {  	[tilespmem:s21+$0xFFFFFFA0] =	vst v3;
	v3 =	vadd.s32 $0x380, v5  }
0x551: {  	v4 =	vld.idx.msk [tilespmem:v4+s10+$0x0], $0xffff;
	v3 =	vbroadcast v3, $0x0;
	_ =	sdelay $0x1  }
0x552: {  	s23 =	sadd.s32 $0x100, s22;
	v3 =	vor.u32 v2, v3  }
0x553: {  	v5 =	vmov s23  }
0x554: {  	v5 =	vshrl.u32 v5, $0x7  }
0x555: {  	v5 =	vshll.u32 v5, v0  }
0x556: {  	[tilespmem:s21+$0xFFFFFFB0] =	vst v4;
	v4 =	vadd.s32 $0x380, v5  }
0x557: {  	v3 =	vld.idx.msk [tilespmem:v3+s10+$0x0], $0xffff;
	v4 =	vbroadcast v4, $0x0;
	_ =	sdelay $0x1  }
0x558: {  	s23 =	sadd.s32 $0x140, s22;
	v4 =	vor.u32 v1, v4  }
0x559: {  	v5 =	vmov s23  }
0x55a: {  	v5 =	vshrl.u32 v5, $0x7  }
0x55b: {  	v5 =	vshll.u32 v5, v0  }
0x55c: {  	[tilespmem:s21+$0xFFFFFFC0] =	vst v3;
	v3 =	vadd.s32 $0x380, v5  }
0x55d: {  	v4 =	vld.idx.msk [tilespmem:v4+s10+$0x0], $0xffff;
	v3 =	vbroadcast v3, $0x0;
	_ =	sdelay $0x1  }
0x55e: {  	s23 =	sadd.s32 $0x180, s22;
	v3 =	vor.u32 v2, v3  }
0x55f: {  	v5 =	vmov s23  }
0x560: {  	v5 =	vshrl.u32 v5, $0x7  }
0x561: {  	v5 =	vshll.u32 v5, v0  }
0x562: {  	[tilespmem:s21+$0xFFFFFFD0] =	vst v4;
	v4 =	vadd.s32 $0x380, v5  }
0x563: {  	v3 =	vld.idx.msk [tilespmem:v3+s10+$0x0], $0xffff;
	v4 =	vbroadcast v4, $0x0;
	_ =	sdelay $0x1  }
0x564: {  	s23 =	sadd.s32 $0x1C0, s22;
	v4 =	vor.u32 v1, v4  }
0x565: {  	v5 =	vmov s23  }
0x566: {  	v5 =	vshrl.u32 v5, $0x7  }
.Ltmp18:
0x567: {  	v5 =	vshll.u32 v5, v0;
	(pc) =	sbr.rel @p0 .LBB2_37-.Ltmp18, $3  }
0x568: {  	v5 =	vadd.s32 $0x380, v5;
	[tilespmem:s21+$0xFFFFFFE0] =	vst v3  }
0x569: {  	v3 =	vld.idx.msk [tilespmem:v4+s10+$0x0], $0xffff;
	v4 =	vbroadcast v5, $0x0;
	_ =	sdelay $0x1  }
0x56a: {  	s22 =	sadd.s32 $0x200, s22;
	v4 =	vor.u32 v2, v4  }
0x56b: {  	_ =	sdelay $0x2  }
0x56c: {  	[tilespmem:s21+$0xFFFFFFF0] =	vst v3  }
0x56d: {  	s18 =	sadd.s32 $0x1, s18;
	v3 =	vld.idx.msk [tilespmem:v4+s10+$0x0], $0xffff  }
0x56e: {  	p0 =	sne.s32 s18, $0x20  }
.Ltmp19:
0x56f: {  	_ = 	snop;
	(pc) =	sbr.rel @p0 .LBB2_2-.Ltmp19, $3  }
0x570: {  	_ =	sdelay $0x1  }
0x571: {  	s19 =	sadd.s32 s19, s8;
	[tilespmem:s21+$0x0] =	vst v3  }
0x572: {  	[hbm4b:s19+s3] =	stream.linear.scatter [tilespmem:s15], [sflag:$0x4], $0x2000, $0x38;
	[tilespmem:$0x14000] =	vst v63  }
0x573: {  	s17 =	sadd.s32 $0x1, s17  }
0x574: {  	_ =	swait.ge [sflag:s16], $0x2000;
	p0 =	sne.s32 s17, s9  }
.Ltmp20:
0x575: {  	[sflag:s16] =	ssyncset.done $0x0;
	(pc) =	sbr.rel @p0 .LBB2_1-.Ltmp20, $4  }
0x576: {  	[sflag:s16] =	ssyncadd.s32 $0xFFFFE000  }
0x577: {  	_ =	swait.ge [sflag:s14], $0x2000  }
0x578: {  	[sflag:s14] =	ssyncset.done $0x0  }
0x579: {  	[sflag:s14] =	ssyncadd.s32 $0xFFFFE000  }
0x57a: {  	_ =	sfence.sel $0x180000  }
0x57b: {  	[bflag:$0x0] =	sbarrier.arrive $0xFFFF  }
0x57c: {  	p0 =	sne.s32 s1, $0x0;
	_ =	strace $0x90000047  }
0x57d: {  	s0 =	sadd.s32 @!p0 $0x100000, s0;
	[bflag:$0x2] =	sbarrier.arrive $0xFFFF  }
0x57e: {  	[sflag:s0] =	ssyncadd.tile.s32 @!p0 $0x1;
	_ =	shalt  }
.Lfunc_end2:
_tile_overlayer_lowered:
.L_overlay_start_2:
0x57f: {  	(tag) =	ssettag $0x2  }
0x580: {  	s0 =	rddreg [dreg:$0x0];
	s2 =	stileid.u32  }
0x581: {  	s1 =	rddreg [dreg:$0x1];
	p0 =	sne.s32 s2, $0x0  }
0x582: {  	s3 =	rddreg [dreg:$0x2];
	[bflag:$0x3] =	sbarrier.arrive $0xFFFF;
	s2 =	simm.s32 @!p0 $0x1C05  }
0x583: {  	[timem:s3], [sflag:s2] =	dma.local @!p0 [hbm:s0], s1  }
0x584: {  	s0 =	simm.s32 @!p0 $0x5  }
0x585: {  	_ =	swait.ge @!p0 [sflag:s0], s1  }
0x586: {  	s1 =	ssub.s32 @!p0 $0x0, s1;
	[sflag:s0] =	ssyncset.done @!p0 $0x0  }
0x587: {  	[sflag:s0] =	ssyncadd.s32 @!p0 s1  }
0x588: {  	[bflag:$0x3] =	sbarrier.arrive $0xFFFF  }
0x589: {  	_ =	shalt  }

</sc_bundles>
